<compile_context>
chip_gen: v7x
topology: tpu7x:2x2x1
jax: 0.10.2.dev20260603
libtpu: 0.0.44.dev20260713+nightly
codegen_flags: <defaults>
</compile_context>

<pallas_src>
import functools

import jax
import jax.numpy as jnp
from jax import lax
from jax.experimental import pallas as pl
from jax.experimental.pallas import tpu as pltpu
from jax.experimental.pallas import tpu_sc as plsc

T = 2048
D = 768
F = 3072
E = 8
TM = 128
P = T * 2 + E * TM
G = P // TM
NTILE = 128

NC = 2
NS = 16
NW = NC * NS
TPW = T // NW
CH = 16

_INV_SQRT2 = 0.7071067811865476


def _router_body(x_ref, gw_ref, p0_ref, p1_ref, w0b_ref, w1b_ref,
                 et_ref, act_ref, aux_ref):
    x = x_ref[...]
    gw = gw_ref[...]
    logits = lax.dot_general(x, gw, (((1,), (1,)), ((), ())),
                             preferred_element_type=jnp.float32)
    m = jnp.max(logits, axis=-1, keepdims=True)
    ex = jnp.exp(logits - m)
    probs = ex / jnp.sum(ex, axis=-1, keepdims=True)

    iota_e = lax.broadcasted_iota(jnp.int32, (T, E), 1)
    m0 = jnp.max(probs, axis=-1, keepdims=True)
    i0 = jnp.min(jnp.where(probs == m0, iota_e, E), axis=-1, keepdims=True)
    oh0 = iota_e == i0
    masked = jnp.where(oh0, -1.0, probs)
    m1 = jnp.max(masked, axis=-1, keepdims=True)
    i1 = jnp.min(jnp.where(masked == m1, iota_e, E), axis=-1, keepdims=True)
    oh1 = iota_e == i1

    ssum = m0 + m1
    w0b_ref[...] = jnp.broadcast_to(m0 / ssum, (T, 16))
    w1b_ref[...] = jnp.broadcast_to(m1 / ssum, (T, 16))

    pm = jnp.sum(probs, axis=0, keepdims=True) * (1.0 / T)
    tpe = jnp.sum((probs > 0).astype(jnp.float32), axis=0, keepdims=True) * (1.0 / T)
    aux_ref[...] = jnp.sum(pm * tpe).reshape(1, 1) * (E * 0.01)

    oht = oh0.astype(jnp.float32) + oh1.astype(jnp.float32)
    C = 256
    r_i = lax.broadcasted_iota(jnp.int32, (C, C), 0)
    c_i = lax.broadcasted_iota(jnp.int32, (C, C), 1)
    tri = (c_i < r_i).astype(jnp.float32)
    carry = jnp.zeros((1, E), jnp.float32)
    parts = []
    for c in range(T // C):
        blk = oht[c * C:(c + 1) * C, :]
        r = lax.dot_general(tri, blk, (((1,), (0,)), ((), ())),
                            preferred_element_type=jnp.float32) + carry
        parts.append(r)
        carry = carry + jnp.sum(blk, axis=0, keepdims=True)
    ranks = jnp.concatenate(parts, axis=0)
    cnt_i = carry.astype(jnp.int32)
    padded_i = (cnt_i + (TM - 1)) & ~(TM - 1)

    u_r = lax.broadcasted_iota(jnp.int32, (E, E), 0)
    u_c = lax.broadcasted_iota(jnp.int32, (E, E), 1)
    u8 = (u_r < u_c).astype(jnp.float32)
    offs_f = lax.dot_general(padded_i.astype(jnp.float32), u8,
                             (((1,), (0,)), ((), ())),
                             preferred_element_type=jnp.float32)
    offs_i = offs_f.astype(jnp.int32)

    pos = offs_f + ranks
    p0_ref[...] = jnp.sum(jnp.where(oh0, pos, 0.0), axis=-1,
                          keepdims=True).astype(jnp.int32)
    p1_ref[...] = jnp.sum(jnp.where(oh1, pos, 0.0), axis=-1,
                          keepdims=True).astype(jnp.int32)

    tg = lax.broadcasted_iota(jnp.int32, (NTILE, E), 0) * TM
    ie = lax.broadcasted_iota(jnp.int32, (NTILE, E), 1)
    in_rng = (tg >= offs_i) & (tg < offs_i + padded_i)
    has = jnp.sum(in_rng.astype(jnp.int32), axis=-1, keepdims=True)
    e_sum = jnp.sum(jnp.where(in_rng, ie, 0), axis=-1, keepdims=True)
    et_ref[...] = jnp.where(has > 0, e_sum, E - 1)
    act_ref[...] = jnp.sum((in_rng & (tg < offs_i + cnt_i)).astype(jnp.int32),
                           axis=-1, keepdims=True)


def _router(x_flat, gate_w):
    return pl.pallas_call(
        _router_body,
        out_shape=(
            jax.ShapeDtypeStruct((T, 1), jnp.int32),
            jax.ShapeDtypeStruct((T, 1), jnp.int32),
            jax.ShapeDtypeStruct((T, 16), jnp.float32),
            jax.ShapeDtypeStruct((T, 16), jnp.float32),
            jax.ShapeDtypeStruct((NTILE, 1), jnp.int32),
            jax.ShapeDtypeStruct((NTILE, 1), jnp.int32),
            jax.ShapeDtypeStruct((1, 1), jnp.float32),
        ),
    )(x_flat, gate_w)


def _dispatch_body(x_hbm, p0_hbm, p1_hbm, xs_hbm, rows_v, idx0_v, idx1_v,
                   sem0, sem1):
    wid = lax.axis_index("s") * NC + lax.axis_index("c")
    base = wid * TPW
    pltpu.sync_copy(x_hbm.at[pl.ds(base, TPW)], rows_v)
    pltpu.sync_copy(p0_hbm.at[pl.ds(base, TPW)], idx0_v)
    pltpu.sync_copy(p1_hbm.at[pl.ds(base, TPW)], idx1_v)
    c0 = pltpu.async_copy(rows_v, xs_hbm.at[idx0_v], sem0)
    c1 = pltpu.async_copy(rows_v, xs_hbm.at[idx1_v], sem1)
    c0.wait()
    c1.wait()


def _dispatch(x_flat, p0, p1):
    mesh = plsc.VectorSubcoreMesh(core_axis_name="c", subcore_axis_name="s")
    return pl.kernel(
        _dispatch_body,
        out_type=jax.ShapeDtypeStruct((P, D), jnp.float32),
        mesh=mesh,
        scratch_types=[
            pltpu.VMEM((TPW, D), jnp.float32),
            pltpu.VMEM((TPW,), jnp.int32),
            pltpu.VMEM((TPW,), jnp.int32),
            pltpu.SemaphoreType.DMA,
            pltpu.SemaphoreType.DMA,
        ],
    )(x_flat, p0, p1)


def _mlp_body(et_ref, act_ref, xs_ref, w1_ref, b1_ref, w2_ref, b2_ref,
              ys_ref):
    g = pl.program_id(0)

    @pl.when(act_ref[g] == 1)
    def _():
        xb = xs_ref[...].astype(jnp.bfloat16)
        h = lax.dot_general(xb, w1_ref[0], (((1,), (0,)), ((), ())),
                            preferred_element_type=jnp.float32)
        h = h + b1_ref[0]
        h = h * 0.5 * (1.0 + lax.erf(h * _INV_SQRT2))
        o = lax.dot_general(h.astype(jnp.bfloat16), w2_ref[0],
                            (((1,), (0,)), ((), ())),
                            preferred_element_type=jnp.float32)
        ys_ref[...] = o + b2_ref[0]


def _mlp(et, act, xs, W1, b1, W2, b2):
    grid_spec = pltpu.PrefetchScalarGridSpec(
        num_scalar_prefetch=2,
        grid=(G,),
        in_specs=[
            pl.BlockSpec((TM, D), lambda g, et, ac: (g, 0)),
            pl.BlockSpec((1, D, F), lambda g, et, ac: (et[g], 0, 0)),
            pl.BlockSpec((1, 1, F), lambda g, et, ac: (et[g], 0, 0)),
            pl.BlockSpec((1, F, D), lambda g, et, ac: (et[g], 0, 0)),
            pl.BlockSpec((1, 1, D), lambda g, et, ac: (et[g], 0, 0)),
        ],
        out_specs=pl.BlockSpec((TM, D), lambda g, et, ac: (g, 0)),
    )
    return pl.pallas_call(
        _mlp_body,
        grid_spec=grid_spec,
        out_shape=jax.ShapeDtypeStruct((P, D), jnp.float32),
    )(et, act, xs, W1.astype(jnp.bfloat16), b1.reshape(E, 1, F),
      W2.astype(jnp.bfloat16), b2.reshape(E, 1, D))


def _combine_body(ys_hbm, p0_hbm, p1_hbm, w0b_hbm, w1b_hbm, out_hbm,
                  idx0_v, idx1_v, r0_v, r1_v, w0_v, w1_v, o_v, sem0, sem1):
    wid = lax.axis_index("s") * NC + lax.axis_index("c")

    def chunk_body(c, carry):
        base = wid * TPW + c * CH
        pltpu.sync_copy(p0_hbm.at[pl.ds(base, CH)], idx0_v)
        pltpu.sync_copy(p1_hbm.at[pl.ds(base, CH)], idx1_v)
        pltpu.sync_copy(w0b_hbm.at[pl.ds(base, CH)], w0_v)
        pltpu.sync_copy(w1b_hbm.at[pl.ds(base, CH)], w1_v)
        c0 = pltpu.async_copy(ys_hbm.at[idx0_v], r0_v, sem0)
        c1 = pltpu.async_copy(ys_hbm.at[idx1_v], r1_v, sem1)
        c0.wait()
        c1.wait()

        def row_body(r, rc):
            w0r = w0_v[r, :]
            w1r = w1_v[r, :]
            for j in range(D // 16):
                sl = pl.ds(j * 16, 16)
                o_v[r, sl] = w0r * r0_v[r, sl] + w1r * r1_v[r, sl]
            return rc

        lax.fori_loop(0, CH, row_body, 0)
        pltpu.sync_copy(o_v, out_hbm.at[pl.ds(base, CH)])
        return carry

    lax.fori_loop(0, TPW // CH, chunk_body, 0)


def _combine(ys, p0, p1, w0b, w1b):
    mesh = plsc.VectorSubcoreMesh(core_axis_name="c", subcore_axis_name="s")
    return pl.kernel(
        _combine_body,
        out_type=jax.ShapeDtypeStruct((T, D), jnp.float32),
        mesh=mesh,
        scratch_types=[
            pltpu.VMEM((CH,), jnp.int32),
            pltpu.VMEM((CH,), jnp.int32),
            pltpu.VMEM((CH, D), jnp.float32),
            pltpu.VMEM((CH, D), jnp.float32),
            pltpu.VMEM((CH, 16), jnp.float32),
            pltpu.VMEM((CH, 16), jnp.float32),
            pltpu.VMEM((CH, D), jnp.float32),
            pltpu.SemaphoreType.DMA,
            pltpu.SemaphoreType.DMA,
        ],
    )(ys, p0, p1, w0b, w1b)


def kernel(x, gate_w, W1, b1, W2, b2):
    batch, seq, d = x.shape
    x_flat = x.reshape(T, D)
    p0, p1, w0b, w1b, et, act, aux = _router(x_flat, gate_w)
    p0f = p0.reshape(T)
    p1f = p1.reshape(T)
    etf = et.reshape(NTILE)[:G]
    actf = act.reshape(NTILE)[:G]
    xs = _dispatch(x_flat, p0f, p1f)
    ys = _mlp(etf, actf, xs, W1, b1, W2, b2)
    out = _combine(ys, p0f, p1f, w0b, w1b)
    return out.reshape(batch, seq, d), aux.reshape(())

# --- scband reference (transcript-rebuilt; emitter-appended) ---
"""Pipeline reference for scband-expert-layer-56281251447212 (READ-ONLY COPY).

The authoritative reference and input builder live on the scoring server;
editing this copy changes nothing except your own understanding.
"""

import jax, jax.numpy as jnp
import numpy as np

B, S, D_MODEL = 1, 2048, 768
D_FF = 3072
N_EXPERTS = 8
TOP_K = 2
GATE_TEMP = 1.0
LOAD_BALANCE_WEIGHT = 0.01


def setup_inputs(seed: int = 0) -> dict:
    key = jax.random.key(seed)
    ks = jax.random.split(key, 6)
    x = jax.random.normal(ks[0], (B, S, D_MODEL), dtype=jnp.float32)
    # gate initialized as normal(0, 0.1), no bias
    gate_w = jax.random.normal(ks[1], (N_EXPERTS, D_MODEL), dtype=jnp.float32) * 0.1
    # per-expert MLP params (nn.Linear default uniform init)
    s1 = 1.0 / np.sqrt(D_MODEL)
    W1 = jax.random.uniform(ks[2], (N_EXPERTS, D_MODEL, D_FF), minval=-s1, maxval=s1, dtype=jnp.float32)
    b1 = jax.random.uniform(ks[3], (N_EXPERTS, D_FF), minval=-s1, maxval=s1, dtype=jnp.float32)
    s2 = 1.0 / np.sqrt(D_FF)
    W2 = jax.random.uniform(ks[4], (N_EXPERTS, D_FF, D_MODEL), minval=-s2, maxval=s2, dtype=jnp.float32)
    b2 = jax.random.uniform(ks[5], (N_EXPERTS, D_MODEL), minval=-s2, maxval=s2, dtype=jnp.float32)
    return {"x": x, "gate_w": gate_w, "W1": W1, "b1": b1, "W2": W2, "b2": b2}


def reference(x, gate_w, W1, b1, W2, b2):
    batch, seq, d = x.shape
    x_flat = x.reshape(-1, d)  # [T, d]
    gate_logits = (x_flat @ gate_w.T) / GATE_TEMP  # [T, E]
    gate_probs = jax.nn.softmax(gate_logits, axis=-1)
    top_k_probs, top_k_idx = jax.lax.top_k(gate_probs, TOP_K)  # [T, K]
    top_k_probs = top_k_probs / top_k_probs.sum(axis=-1, keepdims=True)
    # combine weights: [T, E] = sum_k renorm_prob_k * one_hot(idx_k)
    combine = (jax.nn.one_hot(top_k_idx, N_EXPERTS, dtype=x_flat.dtype) * top_k_probs[..., None]).sum(axis=1)
    # dense-equivalent expert computation (mathematically identical output,
    # since combine weight is 0 for non-selected experts; dropout=0.0)
    h = jnp.einsum('td,edf->etf', x_flat, W1) + b1[:, None, :]
    h = jax.nn.gelu(h, approximate=False)  # torch nn.GELU default = exact erf
    expert_out = jnp.einsum('etf,efd->etd', h, W2) + b2[:, None, :]
    output = jnp.einsum('te,etd->td', combine, expert_out).reshape(batch, seq, d)
    # auxiliary load-balance loss
    prob_mean = gate_probs.mean(axis=0)
    tokens_per_expert = (gate_probs > 0).astype(x_flat.dtype).mean(axis=0)
    aux_loss = jnp.sum(prob_mean * tokens_per_expert) * N_EXPERTS * LOAD_BALANCE_WEIGHT
    return output, aux_loss

if __name__ == "__main__":
    import jax
    _d = setup_inputs()
    print(jax.jit(kernel)(*tuple(_d.values())))

</pallas_src>

<mosaic_0001>
#map = affine_map<(d0, d1) -> (0, 0)>
#map1 = affine_map<(d0, d1) -> (0)>
module attributes {stable_mosaic.version = 14 : i64} {
  func.func @_combine_body(%arg0: i32, %arg1: i32, %arg2: memref<5120x768xf32, #tpu.memory_space<hbm>>, %arg3: memref<2048xi32, #tpu.memory_space<hbm>>, %arg4: memref<2048xi32, #tpu.memory_space<hbm>>, %arg5: memref<2048x16xf32, #tpu.memory_space<hbm>>, %arg6: memref<2048x16xf32, #tpu.memory_space<hbm>>, %arg7: memref<2048x768xf32, #tpu.memory_space<hbm>>, %arg8: memref<16xi32, #tpu.memory_space<vmem>>, %arg9: memref<16xi32, #tpu.memory_space<vmem>>, %arg10: memref<16x768xf32, #tpu.memory_space<vmem>>, %arg11: memref<16x768xf32, #tpu.memory_space<vmem>>, %arg12: memref<16x16xf32, #tpu.memory_space<vmem>>, %arg13: memref<16x16xf32, #tpu.memory_space<vmem>>, %arg14: memref<16x768xf32, #tpu.memory_space<vmem>>, %arg15: memref<!tpu.dma_semaphore, #tpu.memory_space<semaphore_mem>>, %arg16: memref<!tpu.dma_semaphore, #tpu.memory_space<semaphore_mem>>) attributes {dimension_semantics = [#tpu.dimension_semantics<core_parallel>, #tpu.dimension_semantics<subcore_parallel>], iteration_bounds = array<i64: 2, 16>, scalar_prefetch = 0 : i64, scratch_operands = 9 : i64, tpu.core_type = #tpu.core_type<sc_vector_subcore>, window_params = [{transform_indices = #map}, {transform_indices = #map1}, {transform_indices = #map1}, {transform_indices = #map}, {transform_indices = #map}, {transform_indices = #map}]} {
    %mul3A = arith.constant 2 : i32
    %mul3A_0 = arith.muli %arg1, %mul3A : i32
    %add3A = arith.addi %mul3A_0, %arg0 : i32
    %scan3A = arith.constant 0 : i32
    %scan3A_1 = arith.constant 0 : i32
    %scan3A_2 = arith.constant 4 : i32
    %scan3A_3 = arith.addi %scan3A_1, %scan3A_2 : i32
    %scan3A_4 = arith.constant 1 : i32
    scf.for %scan3A_6 = %scan3A_1 to %scan3A_3 step %scan3A_4  : i32 {
      %mul3A_7 = arith.constant 64 : i32
      %mul3A_8 = arith.muli %add3A, %mul3A_7 : i32
      %mul3A_9 = arith.constant 16 : i32
      %mul3A_10 = arith.muli %scan3A_6, %mul3A_9 : i32
      %add3A_11 = arith.addi %mul3A_8, %mul3A_10 : i32
      "tpu.region"() ({
        %run_scoped3A = tpu.sem_alloc : memref<!tpu.dma_semaphore, #tpu.memory_space<semaphore_mem>>
        %dma_start3A_28 = tpu.memref_slice %arg3[%add3A_11] : memref<2048xi32, #tpu.memory_space<hbm>> -> memref<16xi32, #tpu.memory_space<hbm>>
        %dma_start3A_29 = tpu.memref_slice %arg3[%add3A_11] : memref<2048xi32, #tpu.memory_space<hbm>> -> memref<16xi32, #tpu.memory_space<hbm>>
        tpu.enqueue_dma source(%dma_start3A_29 : memref<16xi32, #tpu.memory_space<hbm>>) target(%arg8 : memref<16xi32, #tpu.memory_space<vmem>>) target_semaphore(%run_scoped3A : memref<!tpu.dma_semaphore, #tpu.memory_space<semaphore_mem>>)
        %dma_wait3A_30 = tpu.memref_slice %arg3[%add3A_11] : memref<2048xi32, #tpu.memory_space<hbm>> -> memref<16xi32, #tpu.memory_space<hbm>>
        %dma_wait3A_31 = tpu.memref_slice %arg3[%add3A_11] : memref<2048xi32, #tpu.memory_space<hbm>> -> memref<16xi32, #tpu.memory_space<hbm>>
        tpu.wait_dma2 semaphore(%run_scoped3A : memref<!tpu.dma_semaphore, #tpu.memory_space<semaphore_mem>>) src(%dma_wait3A_31 : memref<16xi32, #tpu.memory_space<hbm>>) dst(%arg8 : memref<16xi32, #tpu.memory_space<vmem>>)
        tpu.yield
      }) : () -> ()
      "tpu.region"() ({
        %run_scoped3A = tpu.sem_alloc : memref<!tpu.dma_semaphore, #tpu.memory_space<semaphore_mem>>
        %dma_start3A_28 = tpu.memref_slice %arg4[%add3A_11] : memref<2048xi32, #tpu.memory_space<hbm>> -> memref<16xi32, #tpu.memory_space<hbm>>
        %dma_start3A_29 = tpu.memref_slice %arg4[%add3A_11] : memref<2048xi32, #tpu.memory_space<hbm>> -> memref<16xi32, #tpu.memory_space<hbm>>
        tpu.enqueue_dma source(%dma_start3A_29 : memref<16xi32, #tpu.memory_space<hbm>>) target(%arg9 : memref<16xi32, #tpu.memory_space<vmem>>) target_semaphore(%run_scoped3A : memref<!tpu.dma_semaphore, #tpu.memory_space<semaphore_mem>>)
        %dma_wait3A_30 = tpu.memref_slice %arg4[%add3A_11] : memref<2048xi32, #tpu.memory_space<hbm>> -> memref<16xi32, #tpu.memory_space<hbm>>
        %dma_wait3A_31 = tpu.memref_slice %arg4[%add3A_11] : memref<2048xi32, #tpu.memory_space<hbm>> -> memref<16xi32, #tpu.memory_space<hbm>>
        tpu.wait_dma2 semaphore(%run_scoped3A : memref<!tpu.dma_semaphore, #tpu.memory_space<semaphore_mem>>) src(%dma_wait3A_31 : memref<16xi32, #tpu.memory_space<hbm>>) dst(%arg9 : memref<16xi32, #tpu.memory_space<vmem>>)
        tpu.yield
      }) : () -> ()
      "tpu.region"() ({
        %run_scoped3A = tpu.sem_alloc : memref<!tpu.dma_semaphore, #tpu.memory_space<semaphore_mem>>
        %dma_start3A_28 = arith.constant 0 : i32
        %dma_start3A_29 = tpu.memref_slice %arg5[%add3A_11, %dma_start3A_28] : memref<2048x16xf32, #tpu.memory_space<hbm>> -> memref<16x16xf32, #tpu.memory_space<hbm>>
        %dma_start3A_30 = arith.constant 0 : i32
        %dma_start3A_31 = tpu.memref_slice %arg5[%add3A_11, %dma_start3A_30] : memref<2048x16xf32, #tpu.memory_space<hbm>> -> memref<16x16xf32, #tpu.memory_space<hbm>>
        tpu.enqueue_dma source(%dma_start3A_31 : memref<16x16xf32, #tpu.memory_space<hbm>>) target(%arg12 : memref<16x16xf32, #tpu.memory_space<vmem>>) target_semaphore(%run_scoped3A : memref<!tpu.dma_semaphore, #tpu.memory_space<semaphore_mem>>)
        %dma_wait3A_32 = arith.constant 0 : i32
        %dma_wait3A_33 = tpu.memref_slice %arg5[%add3A_11, %dma_wait3A_32] : memref<2048x16xf32, #tpu.memory_space<hbm>> -> memref<16x16xf32, #tpu.memory_space<hbm>>
        %dma_wait3A_34 = arith.constant 0 : i32
        %dma_wait3A_35 = tpu.memref_slice %arg5[%add3A_11, %dma_wait3A_34] : memref<2048x16xf32, #tpu.memory_space<hbm>> -> memref<16x16xf32, #tpu.memory_space<hbm>>
        tpu.wait_dma2 semaphore(%run_scoped3A : memref<!tpu.dma_semaphore, #tpu.memory_space<semaphore_mem>>) src(%dma_wait3A_35 : memref<16x16xf32, #tpu.memory_space<hbm>>) dst(%arg12 : memref<16x16xf32, #tpu.memory_space<vmem>>)
        tpu.yield
      }) : () -> ()
      "tpu.region"() ({
        %run_scoped3A = tpu.sem_alloc : memref<!tpu.dma_semaphore, #tpu.memory_space<semaphore_mem>>
        %dma_start3A_28 = arith.constant 0 : i32
        %dma_start3A_29 = tpu.memref_slice %arg6[%add3A_11, %dma_start3A_28] : memref<2048x16xf32, #tpu.memory_space<hbm>> -> memref<16x16xf32, #tpu.memory_space<hbm>>
        %dma_start3A_30 = arith.constant 0 : i32
        %dma_start3A_31 = tpu.memref_slice %arg6[%add3A_11, %dma_start3A_30] : memref<2048x16xf32, #tpu.memory_space<hbm>> -> memref<16x16xf32, #tpu.memory_space<hbm>>
        tpu.enqueue_dma source(%dma_start3A_31 : memref<16x16xf32, #tpu.memory_space<hbm>>) target(%arg13 : memref<16x16xf32, #tpu.memory_space<vmem>>) target_semaphore(%run_scoped3A : memref<!tpu.dma_semaphore, #tpu.memory_space<semaphore_mem>>)
        %dma_wait3A_32 = arith.constant 0 : i32
        %dma_wait3A_33 = tpu.memref_slice %arg6[%add3A_11, %dma_wait3A_32] : memref<2048x16xf32, #tpu.memory_space<hbm>> -> memref<16x16xf32, #tpu.memory_space<hbm>>
        %dma_wait3A_34 = arith.constant 0 : i32
        %dma_wait3A_35 = tpu.memref_slice %arg6[%add3A_11, %dma_wait3A_34] : memref<2048x16xf32, #tpu.memory_space<hbm>> -> memref<16x16xf32, #tpu.memory_space<hbm>>
        tpu.wait_dma2 semaphore(%run_scoped3A : memref<!tpu.dma_semaphore, #tpu.memory_space<semaphore_mem>>) src(%dma_wait3A_35 : memref<16x16xf32, #tpu.memory_space<hbm>>) dst(%arg13 : memref<16x16xf32, #tpu.memory_space<vmem>>)
        tpu.yield
      }) : () -> ()
      %dma_start3A = arith.constant 0 : i32
      %dma_start3A_12 = arith.constant 0 : i32
      %dma_start3A_13 = tpu.memref_slice %arg2[%dma_start3A, %dma_start3A_12] : memref<5120x768xf32, #tpu.memory_space<hbm>> -> memref<5120x768xf32, #tpu.memory_space<hbm>>
      tpu.enqueue_indirect_dma source(%dma_start3A_13 : memref<5120x768xf32, #tpu.memory_space<hbm>>) target(%arg10 : memref<16x768xf32, #tpu.memory_space<vmem>>) offsets(%arg8 : memref<16xi32, #tpu.memory_space<vmem>>) semaphore(%arg15 : memref<!tpu.dma_semaphore, #tpu.memory_space<semaphore_mem>>)
      %dma_start3A_14 = arith.constant 0 : i32
      %dma_start3A_15 = arith.constant 0 : i32
      %dma_start3A_16 = tpu.memref_slice %arg2[%dma_start3A_14, %dma_start3A_15] : memref<5120x768xf32, #tpu.memory_space<hbm>> -> memref<5120x768xf32, #tpu.memory_space<hbm>>
      tpu.enqueue_indirect_dma source(%dma_start3A_16 : memref<5120x768xf32, #tpu.memory_space<hbm>>) target(%arg11 : memref<16x768xf32, #tpu.memory_space<vmem>>) offsets(%arg9 : memref<16xi32, #tpu.memory_space<vmem>>) semaphore(%arg16 : memref<!tpu.dma_semaphore, #tpu.memory_space<semaphore_mem>>)
      %dma_wait3A = arith.constant 0 : i32
      %dma_wait3A_17 = arith.constant 0 : i32
      %dma_wait3A_18 = tpu.memref_slice %arg2[%dma_wait3A, %dma_wait3A_17] : memref<5120x768xf32, #tpu.memory_space<hbm>> -> memref<5120x768xf32, #tpu.memory_space<hbm>>
      tpu.wait_indirect_dma semaphore(%arg15 : memref<!tpu.dma_semaphore, #tpu.memory_space<semaphore_mem>>) src(%dma_wait3A_18 : memref<5120x768xf32, #tpu.memory_space<hbm>>) dst(%arg10 : memref<16x768xf32, #tpu.memory_space<vmem>>)
      %dma_wait3A_19 = arith.constant 0 : i32
      %dma_wait3A_20 = arith.constant 0 : i32
      %dma_wait3A_21 = tpu.memref_slice %arg2[%dma_wait3A_19, %dma_wait3A_20] : memref<5120x768xf32, #tpu.memory_space<hbm>> -> memref<5120x768xf32, #tpu.memory_space<hbm>>
      tpu.wait_indirect_dma semaphore(%arg16 : memref<!tpu.dma_semaphore, #tpu.memory_space<semaphore_mem>>) src(%dma_wait3A_21 : memref<5120x768xf32, #tpu.memory_space<hbm>>) dst(%arg11 : memref<16x768xf32, #tpu.memory_space<vmem>>)
      %scan3A_22 = arith.constant 0 : i32
      %scan3A_23 = arith.constant 0 : i32
      %scan3A_24 = arith.constant 16 : i32
      %scan3A_25 = arith.addi %scan3A_23, %scan3A_24 : i32
      %scan3A_26 = arith.constant 1 : i32
      scf.for %scan3A_28 = %scan3A_23 to %scan3A_25 step %scan3A_26  : i32 {
        %get3A = arith.index_cast %scan3A_28 : i32 to index
        %get3A_29 = arith.constant 0 : index
        %get3A_30 = tpu.vector_load %arg12[%get3A, %get3A_29] {strides = array<i32>} : memref<16x16xf32, #tpu.memory_space<vmem>>, vector<1x16xf32>,
        %get3A_31 = vector.shape_cast %get3A_30 : vector<1x16xf32> to vector<16xf32>
        %get3A_32 = arith.index_cast %scan3A_28 : i32 to index
        %get3A_33 = arith.constant 0 : index
        %get3A_34 = tpu.vector_load %arg13[%get3A_32, %get3A_33] {strides = array<i32>} : memref<16x16xf32, #tpu.memory_space<vmem>>, vector<1x16xf32>,
        %get3A_35 = vector.shape_cast %get3A_34 : vector<1x16xf32> to vector<16xf32>
        %get3A_36 = arith.index_cast %scan3A_28 : i32 to index
        %get3A_37 = arith.constant 0 : index
        %get3A_38 = tpu.vector_load %arg10[%get3A_36, %get3A_37] {strides = array<i32>} : memref<16x768xf32, #tpu.memory_space<vmem>>, vector<1x16xf32>,
        %get3A_39 = vector.shape_cast %get3A_38 : vector<1x16xf32> to vector<16xf32>
        %mul3A_40 = arith.mulf %get3A_31, %get3A_39 : vector<16xf32>
        %get3A_41 = arith.index_cast %scan3A_28 : i32 to index
        %get3A_42 = arith.constant 0 : index
        %get3A_43 = tpu.vector_load %arg11[%get3A_41, %get3A_42] {strides = array<i32>} : memref<16x768xf32, #tpu.memory_space<vmem>>, vector<1x16xf32>,
        %get3A_44 = vector.shape_cast %get3A_43 : vector<1x16xf32> to vector<16xf32>
        %mul3A_45 = arith.mulf %get3A_35, %get3A_44 : vector<16xf32>
        %add3A_46 = arith.addf %mul3A_40, %mul3A_45 : vector<16xf32>
        %swap3A = arith.index_cast %scan3A_28 : i32 to index
        %swap3A_47 = arith.constant 0 : index
        %swap3A_48 = tpu.vector_load %arg14[%swap3A, %swap3A_47] {strides = array<i32>} : memref<16x768xf32, #tpu.memory_space<vmem>>, vector<1x16xf32>,
        %swap3A_49 = vector.shape_cast %swap3A_48 : vector<1x16xf32> to vector<16xf32>
        %swap3A_50 = vector.shape_cast %add3A_46 : vector<16xf32> to vector<1x16xf32>
        tpu.vector_store %arg14[%swap3A, %swap3A_47], %swap3A_50 {strides = array<i32>} : memref<16x768xf32, #tpu.memory_space<vmem>>, vector<1x16xf32>,
        %get3A_51 = arith.index_cast %scan3A_28 : i32 to index
        %get3A_52 = arith.constant 16 : index
        %get3A_53 = tpu.vector_load %arg10[%get3A_51, %get3A_52] {strides = array<i32>} : memref<16x768xf32, #tpu.memory_space<vmem>>, vector<1x16xf32>,
        %get3A_54 = vector.shape_cast %get3A_53 : vector<1x16xf32> to vector<16xf32>
        %mul3A_55 = arith.mulf %get3A_31, %get3A_54 : vector<16xf32>
        %get3A_56 = arith.index_cast %scan3A_28 : i32 to index
        %get3A_57 = arith.constant 16 : index
        %get3A_58 = tpu.vector_load %arg11[%get3A_56, %get3A_57] {strides = array<i32>} : memref<16x768xf32, #tpu.memory_space<vmem>>, vector<1x16xf32>,
        %get3A_59 = vector.shape_cast %get3A_58 : vector<1x16xf32> to vector<16xf32>
        %mul3A_60 = arith.mulf %get3A_35, %get3A_59 : vector<16xf32>
        %add3A_61 = arith.addf %mul3A_55, %mul3A_60 : vector<16xf32>
        %swap3A_62 = arith.index_cast %scan3A_28 : i32 to index
        %swap3A_63 = arith.constant 16 : index
        %swap3A_64 = tpu.vector_load %arg14[%swap3A_62, %swap3A_63] {strides = array<i32>} : memref<16x768xf32, #tpu.memory_space<vmem>>, vector<1x16xf32>,
        %swap3A_65 = vector.shape_cast %swap3A_64 : vector<1x16xf32> to vector<16xf32>
        %swap3A_66 = vector.shape_cast %add3A_61 : vector<16xf32> to vector<1x16xf32>
        tpu.vector_store %arg14[%swap3A_62, %swap3A_63], %swap3A_66 {strides = array<i32>} : memref<16x768xf32, #tpu.memory_space<vmem>>, vector<1x16xf32>,
        %get3A_67 = arith.index_cast %scan3A_28 : i32 to index
        %get3A_68 = arith.constant 32 : index
        %get3A_69 = tpu.vector_load %arg10[%get3A_67, %get3A_68] {strides = array<i32>} : memref<16x768xf32, #tpu.memory_space<vmem>>, vector<1x16xf32>,
        %get3A_70 = vector.shape_cast %get3A_69 : vector<1x16xf32> to vector<16xf32>
        %mul3A_71 = arith.mulf %get3A_31, %get3A_70 : vector<16xf32>
        %get3A_72 = arith.index_cast %scan3A_28 : i32 to index
        %get3A_73 = arith.constant 32 : index
        %get3A_74 = tpu.vector_load %arg11[%get3A_72, %get3A_73] {strides = array<i32>} : memref<16x768xf32, #tpu.memory_space<vmem>>, vector<1x16xf32>,
        %get3A_75 = vector.shape_cast %get3A_74 : vector<1x16xf32> to vector<16xf32>
        %mul3A_76 = arith.mulf %get3A_35, %get3A_75 : vector<16xf32>
        %add3A_77 = arith.addf %mul3A_71, %mul3A_76 : vector<16xf32>
        %swap3A_78 = arith.index_cast %scan3A_28 : i32 to index
        %swap3A_79 = arith.constant 32 : index
        %swap3A_80 = tpu.vector_load %arg14[%swap3A_78, %swap3A_79] {strides = array<i32>} : memref<16x768xf32, #tpu.memory_space<vmem>>, vector<1x16xf32>,
        %swap3A_81 = vector.shape_cast %swap3A_80 : vector<1x16xf32> to vector<16xf32>
        %swap3A_82 = vector.shape_cast %add3A_77 : vector<16xf32> to vector<1x16xf32>
        tpu.vector_store %arg14[%swap3A_78, %swap3A_79], %swap3A_82 {strides = array<i32>} : memref<16x768xf32, #tpu.memory_space<vmem>>, vector<1x16xf32>,
        %get3A_83 = arith.index_cast %scan3A_28 : i32 to index
        %get3A_84 = arith.constant 48 : index
        %get3A_85 = tpu.vector_load %arg10[%get3A_83, %get3A_84] {strides = array<i32>} : memref<16x768xf32, #tpu.memory_space<vmem>>, vector<1x16xf32>,
        %get3A_86 = vector.shape_cast %get3A_85 : vector<1x16xf32> to vector<16xf32>
        %mul3A_87 = arith.mulf %get3A_31, %get3A_86 : vector<16xf32>
        %get3A_88 = arith.index_cast %scan3A_28 : i32 to index
        %get3A_89 = arith.constant 48 : index
        %get3A_90 = tpu.vector_load %arg11[%get3A_88, %get3A_89] {strides = array<i32>} : memref<16x768xf32, #tpu.memory_space<vmem>>, vector<1x16xf32>,
        %get3A_91 = vector.shape_cast %get3A_90 : vector<1x16xf32> to vector<16xf32>
        %mul3A_92 = arith.mulf %get3A_35, %get3A_91 : vector<16xf32>
        %add3A_93 = arith.addf %mul3A_87, %mul3A_92 : vector<16xf32>
        %swap3A_94 = arith.index_cast %scan3A_28 : i32 to index
        %swap3A_95 = arith.constant 48 : index
        %swap3A_96 = tpu.vector_load %arg14[%swap3A_94, %swap3A_95] {strides = array<i32>} : memref<16x768xf32, #tpu.memory_space<vmem>>, vector<1x16xf32>,
        %swap3A_97 = vector.shape_cast %swap3A_96 : vector<1x16xf32> to vector<16xf32>
        %swap3A_98 = vector.shape_cast %add3A_93 : vector<16xf32> to vector<1x16xf32>
        tpu.vector_store %arg14[%swap3A_94, %swap3A_95], %swap3A_98 {strides = array<i32>} : memref<16x768xf32, #tpu.memory_space<vmem>>, vector<1x16xf32>,
        %get3A_99 = arith.index_cast %scan3A_28 : i32 to index
        %get3A_100 = arith.constant 64 : index
        %get3A_101 = tpu.vector_load %arg10[%get3A_99, %get3A_100] {strides = array<i32>} : memref<16x768xf32, #tpu.memory_space<vmem>>, vector<1x16xf32>,
        %get3A_102 = vector.shape_cast %get3A_101 : vector<1x16xf32> to vector<16xf32>
        %mul3A_103 = arith.mulf %get3A_31, %get3A_102 : vector<16xf32>
        %get3A_104 = arith.index_cast %scan3A_28 : i32 to index
        %get3A_105 = arith.constant 64 : index
        %get3A_106 = tpu.vector_load %arg11[%get3A_104, %get3A_105] {strides = array<i32>} : memref<16x768xf32, #tpu.memory_space<vmem>>, vector<1x16xf32>,
        %get3A_107 = vector.shape_cast %get3A_106 : vector<1x16xf32> to vector<16xf32>
        %mul3A_108 = arith.mulf %get3A_35, %get3A_107 : vector<16xf32>
        %add3A_109 = arith.addf %mul3A_103, %mul3A_108 : vector<16xf32>
        %swap3A_110 = arith.index_cast %scan3A_28 : i32 to index
        %swap3A_111 = arith.constant 64 : index
        %swap3A_112 = tpu.vector_load %arg14[%swap3A_110, %swap3A_111] {strides = array<i32>} : memref<16x768xf32, #tpu.memory_space<vmem>>, vector<1x16xf32>,
        %swap3A_113 = vector.shape_cast %swap3A_112 : vector<1x16xf32> to vector<16xf32>
        %swap3A_114 = vector.shape_cast %add3A_109 : vector<16xf32> to vector<1x16xf32>
        tpu.vector_store %arg14[%swap3A_110, %swap3A_111], %swap3A_114 {strides = array<i32>} : memref<16x768xf32, #tpu.memory_space<vmem>>, vector<1x16xf32>,
        %get3A_115 = arith.index_cast %scan3A_28 : i32 to index
        %get3A_116 = arith.constant 80 : index
        %get3A_117 = tpu.vector_load %arg10[%get3A_115, %get3A_116] {strides = array<i32>} : memref<16x768xf32, #tpu.memory_space<vmem>>, vector<1x16xf32>,
        %get3A_118 = vector.shape_cast %get3A_117 : vector<1x16xf32> to vector<16xf32>
        %mul3A_119 = arith.mulf %get3A_31, %get3A_118 : vector<16xf32>
        %get3A_120 = arith.index_cast %scan3A_28 : i32 to index
        %get3A_121 = arith.constant 80 : index
        %get3A_122 = tpu.vector_load %arg11[%get3A_120, %get3A_121] {strides = array<i32>} : memref<16x768xf32, #tpu.memory_space<vmem>>, vector<1x16xf32>,
        %get3A_123 = vector.shape_cast %get3A_122 : vector<1x16xf32> to vector<16xf32>
        %mul3A_124 = arith.mulf %get3A_35, %get3A_123 : vector<16xf32>
        %add3A_125 = arith.addf %mul3A_119, %mul3A_124 : vector<16xf32>
        %swap3A_126 = arith.index_cast %scan3A_28 : i32 to index
        %swap3A_127 = arith.constant 80 : index
        %swap3A_128 = tpu.vector_load %arg14[%swap3A_126, %swap3A_127] {strides = array<i32>} : memref<16x768xf32, #tpu.memory_space<vmem>>, vector<1x16xf32>,
        %swap3A_129 = vector.shape_cast %swap3A_128 : vector<1x16xf32> to vector<16xf32>
        %swap3A_130 = vector.shape_cast %add3A_125 : vector<16xf32> to vector<1x16xf32>
        tpu.vector_store %arg14[%swap3A_126, %swap3A_127], %swap3A_130 {strides = array<i32>} : memref<16x768xf32, #tpu.memory_space<vmem>>, vector<1x16xf32>,
        %get3A_131 = arith.index_cast %scan3A_28 : i32 to index
        %get3A_132 = arith.constant 96 : index
        %get3A_133 = tpu.vector_load %arg10[%get3A_131, %get3A_132] {strides = array<i32>} : memref<16x768xf32, #tpu.memory_space<vmem>>, vector<1x16xf32>,
        %get3A_134 = vector.shape_cast %get3A_133 : vector<1x16xf32> to vector<16xf32>
        %mul3A_135 = arith.mulf %get3A_31, %get3A_134 : vector<16xf32>
        %get3A_136 = arith.index_cast %scan3A_28 : i32 to index
        %get3A_137 = arith.constant 96 : index
        %get3A_138 = tpu.vector_load %arg11[%get3A_136, %get3A_137] {strides = array<i32>} : memref<16x768xf32, #tpu.memory_space<vmem>>, vector<1x16xf32>,
        %get3A_139 = vector.shape_cast %get3A_138 : vector<1x16xf32> to vector<16xf32>
        %mul3A_140 = arith.mulf %get3A_35, %get3A_139 : vector<16xf32>
        %add3A_141 = arith.addf %mul3A_135, %mul3A_140 : vector<16xf32>
        %swap3A_142 = arith.index_cast %scan3A_28 : i32 to index
        %swap3A_143 = arith.constant 96 : index
        %swap3A_144 = tpu.vector_load %arg14[%swap3A_142, %swap3A_143] {strides = array<i32>} : memref<16x768xf32, #tpu.memory_space<vmem>>, vector<1x16xf32>,
        %swap3A_145 = vector.shape_cast %swap3A_144 : vector<1x16xf32> to vector<16xf32>
        %swap3A_146 = vector.shape_cast %add3A_141 : vector<16xf32> to vector<1x16xf32>
        tpu.vector_store %arg14[%swap3A_142, %swap3A_143], %swap3A_146 {strides = array<i32>} : memref<16x768xf32, #tpu.memory_space<vmem>>, vector<1x16xf32>,
        %get3A_147 = arith.index_cast %scan3A_28 : i32 to index
        %get3A_148 = arith.constant 112 : index
        %get3A_149 = tpu.vector_load %arg10[%get3A_147, %get3A_148] {strides = array<i32>} : memref<16x768xf32, #tpu.memory_space<vmem>>, vector<1x16xf32>,
        %get3A_150 = vector.shape_cast %get3A_149 : vector<1x16xf32> to vector<16xf32>
        %mul3A_151 = arith.mulf %get3A_31, %get3A_150 : vector<16xf32>
        %get3A_152 = arith.index_cast %scan3A_28 : i32 to index
        %get3A_153 = arith.constant 112 : index
        %get3A_154 = tpu.vector_load %arg11[%get3A_152, %get3A_153] {strides = array<i32>} : memref<16x768xf32, #tpu.memory_space<vmem>>, vector<1x16xf32>,
        %get3A_155 = vector.shape_cast %get3A_154 : vector<1x16xf32> to vector<16xf32>
        %mul3A_156 = arith.mulf %get3A_35, %get3A_155 : vector<16xf32>
        %add3A_157 = arith.addf %mul3A_151, %mul3A_156 : vector<16xf32>
        %swap3A_158 = arith.index_cast %scan3A_28 : i32 to index
        %swap3A_159 = arith.constant 112 : index
        %swap3A_160 = tpu.vector_load %arg14[%swap3A_158, %swap3A_159] {strides = array<i32>} : memref<16x768xf32, #tpu.memory_space<vmem>>, vector<1x16xf32>,
        %swap3A_161 = vector.shape_cast %swap3A_160 : vector<1x16xf32> to vector<16xf32>
        %swap3A_162 = vector.shape_cast %add3A_157 : vector<16xf32> to vector<1x16xf32>
        tpu.vector_store %arg14[%swap3A_158, %swap3A_159], %swap3A_162 {strides = array<i32>} : memref<16x768xf32, #tpu.memory_space<vmem>>, vector<1x16xf32>,
        %get3A_163 = arith.index_cast %scan3A_28 : i32 to index
        %get3A_164 = arith.constant 128 : index
        %get3A_165 = tpu.vector_load %arg10[%get3A_163, %get3A_164] {strides = array<i32>} : memref<16x768xf32, #tpu.memory_space<vmem>>, vector<1x16xf32>,
        %get3A_166 = vector.shape_cast %get3A_165 : vector<1x16xf32> to vector<16xf32>
        %mul3A_167 = arith.mulf %get3A_31, %get3A_166 : vector<16xf32>
        %get3A_168 = arith.index_cast %scan3A_28 : i32 to index
        %get3A_169 = arith.constant 128 : index
        %get3A_170 = tpu.vector_load %arg11[%get3A_168, %get3A_169] {strides = array<i32>} : memref<16x768xf32, #tpu.memory_space<vmem>>, vector<1x16xf32>,
        %get3A_171 = vector.shape_cast %get3A_170 : vector<1x16xf32> to vector<16xf32>
        %mul3A_172 = arith.mulf %get3A_35, %get3A_171 : vector<16xf32>
        %add3A_173 = arith.addf %mul3A_167, %mul3A_172 : vector<16xf32>
        %swap3A_174 = arith.index_cast %scan3A_28 : i32 to index
        %swap3A_175 = arith.constant 128 : index
        %swap3A_176 = tpu.vector_load %arg14[%swap3A_174, %swap3A_175] {strides = array<i32>} : memref<16x768xf32, #tpu.memory_space<vmem>>, vector<1x16xf32>,
        %swap3A_177 = vector.shape_cast %swap3A_176 : vector<1x16xf32> to vector<16xf32>
        %swap3A_178 = vector.shape_cast %add3A_173 : vector<16xf32> to vector<1x16xf32>
        tpu.vector_store %arg14[%swap3A_174, %swap3A_175], %swap3A_178 {strides = array<i32>} : memref<16x768xf32, #tpu.memory_space<vmem>>, vector<1x16xf32>,
        %get3A_179 = arith.index_cast %scan3A_28 : i32 to index
        %get3A_180 = arith.constant 144 : index
        %get3A_181 = tpu.vector_load %arg10[%get3A_179, %get3A_180] {strides = array<i32>} : memref<16x768xf32, #tpu.memory_space<vmem>>, vector<1x16xf32>,
        %get3A_182 = vector.shape_cast %get3A_181 : vector<1x16xf32> to vector<16xf32>
        %mul3A_183 = arith.mulf %get3A_31, %get3A_182 : vector<16xf32>
        %get3A_184 = arith.index_cast %scan3A_28 : i32 to index
        %get3A_185 = arith.constant 144 : index
        %get3A_186 = tpu.vector_load %arg11[%get3A_184, %get3A_185] {strides = array<i32>} : memref<16x768xf32, #tpu.memory_space<vmem>>, vector<1x16xf32>,
        %get3A_187 = vector.shape_cast %get3A_186 : vector<1x16xf32> to vector<16xf32>
        %mul3A_188 = arith.mulf %get3A_35, %get3A_187 : vector<16xf32>
        %add3A_189 = arith.addf %mul3A_183, %mul3A_188 : vector<16xf32>
        %swap3A_190 = arith.index_cast %scan3A_28 : i32 to index
        %swap3A_191 = arith.constant 144 : index
        %swap3A_192 = tpu.vector_load %arg14[%swap3A_190, %swap3A_191] {strides = array<i32>} : memref<16x768xf32, #tpu.memory_space<vmem>>, vector<1x16xf32>,
        %swap3A_193 = vector.shape_cast %swap3A_192 : vector<1x16xf32> to vector<16xf32>
        %swap3A_194 = vector.shape_cast %add3A_189 : vector<16xf32> to vector<1x16xf32>
        tpu.vector_store %arg14[%swap3A_190, %swap3A_191], %swap3A_194 {strides = array<i32>} : memref<16x768xf32, #tpu.memory_space<vmem>>, vector<1x16xf32>,
        %get3A_195 = arith.index_cast %scan3A_28 : i32 to index
        %get3A_196 = arith.constant 160 : index
        %get3A_197 = tpu.vector_load %arg10[%get3A_195, %get3A_196] {strides = array<i32>} : memref<16x768xf32, #tpu.memory_space<vmem>>, vector<1x16xf32>,
        %get3A_198 = vector.shape_cast %get3A_197 : vector<1x16xf32> to vector<16xf32>
        %mul3A_199 = arith.mulf %get3A_31, %get3A_198 : vector<16xf32>
        %get3A_200 = arith.index_cast %scan3A_28 : i32 to index
        %get3A_201 = arith.constant 160 : index
        %get3A_202 = tpu.vector_load %arg11[%get3A_200, %get3A_201] {strides = array<i32>} : memref<16x768xf32, #tpu.memory_space<vmem>>, vector<1x16xf32>,
        %get3A_203 = vector.shape_cast %get3A_202 : vector<1x16xf32> to vector<16xf32>
        %mul3A_204 = arith.mulf %get3A_35, %get3A_203 : vector<16xf32>
        %add3A_205 = arith.addf %mul3A_199, %mul3A_204 : vector<16xf32>
        %swap3A_206 = arith.index_cast %scan3A_28 : i32 to index
        %swap3A_207 = arith.constant 160 : index
        %swap3A_208 = tpu.vector_load %arg14[%swap3A_206, %swap3A_207] {strides = array<i32>} : memref<16x768xf32, #tpu.memory_space<vmem>>, vector<1x16xf32>,
        %swap3A_209 = vector.shape_cast %swap3A_208 : vector<1x16xf32> to vector<16xf32>
        %swap3A_210 = vector.shape_cast %add3A_205 : vector<16xf32> to vector<1x16xf32>
        tpu.vector_store %arg14[%swap3A_206, %swap3A_207], %swap3A_210 {strides = array<i32>} : memref<16x768xf32, #tpu.memory_space<vmem>>, vector<1x16xf32>,
        %get3A_211 = arith.index_cast %scan3A_28 : i32 to index
        %get3A_212 = arith.constant 176 : index
        %get3A_213 = tpu.vector_load %arg10[%get3A_211, %get3A_212] {strides = array<i32>} : memref<16x768xf32, #tpu.memory_space<vmem>>, vector<1x16xf32>,
        %get3A_214 = vector.shape_cast %get3A_213 : vector<1x16xf32> to vector<16xf32>
        %mul3A_215 = arith.mulf %get3A_31, %get3A_214 : vector<16xf32>
        %get3A_216 = arith.index_cast %scan3A_28 : i32 to index
        %get3A_217 = arith.constant 176 : index
        %get3A_218 = tpu.vector_load %arg11[%get3A_216, %get3A_217] {strides = array<i32>} : memref<16x768xf32, #tpu.memory_space<vmem>>, vector<1x16xf32>,
        %get3A_219 = vector.shape_cast %get3A_218 : vector<1x16xf32> to vector<16xf32>
        %mul3A_220 = arith.mulf %get3A_35, %get3A_219 : vector<16xf32>
        %add3A_221 = arith.addf %mul3A_215, %mul3A_220 : vector<16xf32>
        %swap3A_222 = arith.index_cast %scan3A_28 : i32 to index
        %swap3A_223 = arith.constant 176 : index
        %swap3A_224 = tpu.vector_load %arg14[%swap3A_222, %swap3A_223] {strides = array<i32>} : memref<16x768xf32, #tpu.memory_space<vmem>>, vector<1x16xf32>,
        %swap3A_225 = vector.shape_cast %swap3A_224 : vector<1x16xf32> to vector<16xf32>
        %swap3A_226 = vector.shape_cast %add3A_221 : vector<16xf32> to vector<1x16xf32>
        tpu.vector_store %arg14[%swap3A_222, %swap3A_223], %swap3A_226 {strides = array<i32>} : memref<16x768xf32, #tpu.memory_space<vmem>>, vector<1x16xf32>,
        %get3A_227 = arith.index_cast %scan3A_28 : i32 to index
        %get3A_228 = arith.constant 192 : index
        %get3A_229 = tpu.vector_load %arg10[%get3A_227, %get3A_228] {strides = array<i32>} : memref<16x768xf32, #tpu.memory_space<vmem>>, vector<1x16xf32>,
        %get3A_230 = vector.shape_cast %get3A_229 : vector<1x16xf32> to vector<16xf32>
        %mul3A_231 = arith.mulf %get3A_31, %get3A_230 : vector<16xf32>
        %get3A_232 = arith.index_cast %scan3A_28 : i32 to index
        %get3A_233 = arith.constant 192 : index
        %get3A_234 = tpu.vector_load %arg11[%get3A_232, %get3A_233] {strides = array<i32>} : memref<16x768xf32, #tpu.memory_space<vmem>>, vector<1x16xf32>,
        %get3A_235 = vector.shape_cast %get3A_234 : vector<1x16xf32> to vector<16xf32>
        %mul3A_236 = arith.mulf %get3A_35, %get3A_235 : vector<16xf32>
        %add3A_237 = arith.addf %mul3A_231, %mul3A_236 : vector<16xf32>
        %swap3A_238 = arith.index_cast %scan3A_28 : i32 to index
        %swap3A_239 = arith.constant 192 : index
        %swap3A_240 = tpu.vector_load %arg14[%swap3A_238, %swap3A_239] {strides = array<i32>} : memref<16x768xf32, #tpu.memory_space<vmem>>, vector<1x16xf32>,
        %swap3A_241 = vector.shape_cast %swap3A_240 : vector<1x16xf32> to vector<16xf32>
        %swap3A_242 = vector.shape_cast %add3A_237 : vector<16xf32> to vector<1x16xf32>
        tpu.vector_store %arg14[%swap3A_238, %swap3A_239], %swap3A_242 {strides = array<i32>} : memref<16x768xf32, #tpu.memory_space<vmem>>, vector<1x16xf32>,
        %get3A_243 = arith.index_cast %scan3A_28 : i32 to index
        %get3A_244 = arith.constant 208 : index
        %get3A_245 = tpu.vector_load %arg10[%get3A_243, %get3A_244] {strides = array<i32>} : memref<16x768xf32, #tpu.memory_space<vmem>>, vector<1x16xf32>,
        %get3A_246 = vector.shape_cast %get3A_245 : vector<1x16xf32> to vector<16xf32>
        %mul3A_247 = arith.mulf %get3A_31, %get3A_246 : vector<16xf32>
        %get3A_248 = arith.index_cast %scan3A_28 : i32 to index
        %get3A_249 = arith.constant 208 : index
        %get3A_250 = tpu.vector_load %arg11[%get3A_248, %get3A_249] {strides = array<i32>} : memref<16x768xf32, #tpu.memory_space<vmem>>, vector<1x16xf32>,
        %get3A_251 = vector.shape_cast %get3A_250 : vector<1x16xf32> to vector<16xf32>
        %mul3A_252 = arith.mulf %get3A_35, %get3A_251 : vector<16xf32>
        %add3A_253 = arith.addf %mul3A_247, %mul3A_252 : vector<16xf32>
        %swap3A_254 = arith.index_cast %scan3A_28 : i32 to index
        %swap3A_255 = arith.constant 208 : index
        %swap3A_256 = tpu.vector_load %arg14[%swap3A_254, %swap3A_255] {strides = array<i32>} : memref<16x768xf32, #tpu.memory_space<vmem>>, vector<1x16xf32>,
        %swap3A_257 = vector.shape_cast %swap3A_256 : vector<1x16xf32> to vector<16xf32>
        %swap3A_258 = vector.shape_cast %add3A_253 : vector<16xf32> to vector<1x16xf32>
        tpu.vector_store %arg14[%swap3A_254, %swap3A_255], %swap3A_258 {strides = array<i32>} : memref<16x768xf32, #tpu.memory_space<vmem>>, vector<1x16xf32>,
        %get3A_259 = arith.index_cast %scan3A_28 : i32 to index
        %get3A_260 = arith.constant 224 : index
        %get3A_261 = tpu.vector_load %arg10[%get3A_259, %get3A_260] {strides = array<i32>} : memref<16x768xf32, #tpu.memory_space<vmem>>, vector<1x16xf32>,
        %get3A_262 = vector.shape_cast %get3A_261 : vector<1x16xf32> to vector<16xf32>
        %mul3A_263 = arith.mulf %get3A_31, %get3A_262 : vector<16xf32>
        %get3A_264 = arith.index_cast %scan3A_28 : i32 to index
        %get3A_265 = arith.constant 224 : index
        %get3A_266 = tpu.vector_load %arg11[%get3A_264, %get3A_265] {strides = array<i32>} : memref<16x768xf32, #tpu.memory_space<vmem>>, vector<1x16xf32>,
        %get3A_267 = vector.shape_cast %get3A_266 : vector<1x16xf32> to vector<16xf32>
        %mul3A_268 = arith.mulf %get3A_35, %get3A_267 : vector<16xf32>
        %add3A_269 = arith.addf %mul3A_263, %mul3A_268 : vector<16xf32>
        %swap3A_270 = arith.index_cast %scan3A_28 : i32 to index
        %swap3A_271 = arith.constant 224 : index
        %swap3A_272 = tpu.vector_load %arg14[%swap3A_270, %swap3A_271] {strides = array<i32>} : memref<16x768xf32, #tpu.memory_space<vmem>>, vector<1x16xf32>,
        %swap3A_273 = vector.shape_cast %swap3A_272 : vector<1x16xf32> to vector<16xf32>
        %swap3A_274 = vector.shape_cast %add3A_269 : vector<16xf32> to vector<1x16xf32>
        tpu.vector_store %arg14[%swap3A_270, %swap3A_271], %swap3A_274 {strides = array<i32>} : memref<16x768xf32, #tpu.memory_space<vmem>>, vector<1x16xf32>,
        %get3A_275 = arith.index_cast %scan3A_28 : i32 to index
        %get3A_276 = arith.constant 240 : index
        %get3A_277 = tpu.vector_load %arg10[%get3A_275, %get3A_276] {strides = array<i32>} : memref<16x768xf32, #tpu.memory_space<vmem>>, vector<1x16xf32>,
        %get3A_278 = vector.shape_cast %get3A_277 : vector<1x16xf32> to vector<16xf32>
        %mul3A_279 = arith.mulf %get3A_31, %get3A_278 : vector<16xf32>
        %get3A_280 = arith.index_cast %scan3A_28 : i32 to index
        %get3A_281 = arith.constant 240 : index
        %get3A_282 = tpu.vector_load %arg11[%get3A_280, %get3A_281] {strides = array<i32>} : memref<16x768xf32, #tpu.memory_space<vmem>>, vector<1x16xf32>,
        %get3A_283 = vector.shape_cast %get3A_282 : vector<1x16xf32> to vector<16xf32>
        %mul3A_284 = arith.mulf %get3A_35, %get3A_283 : vector<16xf32>
        %add3A_285 = arith.addf %mul3A_279, %mul3A_284 : vector<16xf32>
        %swap3A_286 = arith.index_cast %scan3A_28 : i32 to index
        %swap3A_287 = arith.constant 240 : index
        %swap3A_288 = tpu.vector_load %arg14[%swap3A_286, %swap3A_287] {strides = array<i32>} : memref<16x768xf32, #tpu.memory_space<vmem>>, vector<1x16xf32>,
        %swap3A_289 = vector.shape_cast %swap3A_288 : vector<1x16xf32> to vector<16xf32>
        %swap3A_290 = vector.shape_cast %add3A_285 : vector<16xf32> to vector<1x16xf32>
        tpu.vector_store %arg14[%swap3A_286, %swap3A_287], %swap3A_290 {strides = array<i32>} : memref<16x768xf32, #tpu.memory_space<vmem>>, vector<1x16xf32>,
        %get3A_291 = arith.index_cast %scan3A_28 : i32 to index
        %get3A_292 = arith.constant 256 : index
        %get3A_293 = tpu.vector_load %arg10[%get3A_291, %get3A_292] {strides = array<i32>} : memref<16x768xf32, #tpu.memory_space<vmem>>, vector<1x16xf32>,
        %get3A_294 = vector.shape_cast %get3A_293 : vector<1x16xf32> to vector<16xf32>
        %mul3A_295 = arith.mulf %get3A_31, %get3A_294 : vector<16xf32>
        %get3A_296 = arith.index_cast %scan3A_28 : i32 to index
        %get3A_297 = arith.constant 256 : index
        %get3A_298 = tpu.vector_load %arg11[%get3A_296, %get3A_297] {strides = array<i32>} : memref<16x768xf32, #tpu.memory_space<vmem>>, vector<1x16xf32>,
        %get3A_299 = vector.shape_cast %get3A_298 : vector<1x16xf32> to vector<16xf32>
        %mul3A_300 = arith.mulf %get3A_35, %get3A_299 : vector<16xf32>
        %add3A_301 = arith.addf %mul3A_295, %mul3A_300 : vector<16xf32>
        %swap3A_302 = arith.index_cast %scan3A_28 : i32 to index
        %swap3A_303 = arith.constant 256 : index
        %swap3A_304 = tpu.vector_load %arg14[%swap3A_302, %swap3A_303] {strides = array<i32>} : memref<16x768xf32, #tpu.memory_space<vmem>>, vector<1x16xf32>,
        %swap3A_305 = vector.shape_cast %swap3A_304 : vector<1x16xf32> to vector<16xf32>
        %swap3A_306 = vector.shape_cast %add3A_301 : vector<16xf32> to vector<1x16xf32>
        tpu.vector_store %arg14[%swap3A_302, %swap3A_303], %swap3A_306 {strides = array<i32>} : memref<16x768xf32, #tpu.memory_space<vmem>>, vector<1x16xf32>,
        %get3A_307 = arith.index_cast %scan3A_28 : i32 to index
        %get3A_308 = arith.constant 272 : index
        %get3A_309 = tpu.vector_load %arg10[%get3A_307, %get3A_308] {strides = array<i32>} : memref<16x768xf32, #tpu.memory_space<vmem>>, vector<1x16xf32>,
        %get3A_310 = vector.shape_cast %get3A_309 : vector<1x16xf32> to vector<16xf32>
        %mul3A_311 = arith.mulf %get3A_31, %get3A_310 : vector<16xf32>
        %get3A_312 = arith.index_cast %scan3A_28 : i32 to index
        %get3A_313 = arith.constant 272 : index
        %get3A_314 = tpu.vector_load %arg11[%get3A_312, %get3A_313] {strides = array<i32>} : memref<16x768xf32, #tpu.memory_space<vmem>>, vector<1x16xf32>,
        %get3A_315 = vector.shape_cast %get3A_314 : vector<1x16xf32> to vector<16xf32>
        %mul3A_316 = arith.mulf %get3A_35, %get3A_315 : vector<16xf32>
        %add3A_317 = arith.addf %mul3A_311, %mul3A_316 : vector<16xf32>
        %swap3A_318 = arith.index_cast %scan3A_28 : i32 to index
        %swap3A_319 = arith.constant 272 : index
        %swap3A_320 = tpu.vector_load %arg14[%swap3A_318, %swap3A_319] {strides = array<i32>} : memref<16x768xf32, #tpu.memory_space<vmem>>, vector<1x16xf32>,
        %swap3A_321 = vector.shape_cast %swap3A_320 : vector<1x16xf32> to vector<16xf32>
        %swap3A_322 = vector.shape_cast %add3A_317 : vector<16xf32> to vector<1x16xf32>
        tpu.vector_store %arg14[%swap3A_318, %swap3A_319], %swap3A_322 {strides = array<i32>} : memref<16x768xf32, #tpu.memory_space<vmem>>, vector<1x16xf32>,
        %get3A_323 = arith.index_cast %scan3A_28 : i32 to index
        %get3A_324 = arith.constant 288 : index
        %get3A_325 = tpu.vector_load %arg10[%get3A_323, %get3A_324] {strides = array<i32>} : memref<16x768xf32, #tpu.memory_space<vmem>>, vector<1x16xf32>,
        %get3A_326 = vector.shape_cast %get3A_325 : vector<1x16xf32> to vector<16xf32>
        %mul3A_327 = arith.mulf %get3A_31, %get3A_326 : vector<16xf32>
        %get3A_328 = arith.index_cast %scan3A_28 : i32 to index
        %get3A_329 = arith.constant 288 : index
        %get3A_330 = tpu.vector_load %arg11[%get3A_328, %get3A_329] {strides = array<i32>} : memref<16x768xf32, #tpu.memory_space<vmem>>, vector<1x16xf32>,
        %get3A_331 = vector.shape_cast %get3A_330 : vector<1x16xf32> to vector<16xf32>
        %mul3A_332 = arith.mulf %get3A_35, %get3A_331 : vector<16xf32>
        %add3A_333 = arith.addf %mul3A_327, %mul3A_332 : vector<16xf32>
        %swap3A_334 = arith.index_cast %scan3A_28 : i32 to index
        %swap3A_335 = arith.constant 288 : index
        %swap3A_336 = tpu.vector_load %arg14[%swap3A_334, %swap3A_335] {strides = array<i32>} : memref<16x768xf32, #tpu.memory_space<vmem>>, vector<1x16xf32>,
        %swap3A_337 = vector.shape_cast %swap3A_336 : vector<1x16xf32> to vector<16xf32>
        %swap3A_338 = vector.shape_cast %add3A_333 : vector<16xf32> to vector<1x16xf32>
        tpu.vector_store %arg14[%swap3A_334, %swap3A_335], %swap3A_338 {strides = array<i32>} : memref<16x768xf32, #tpu.memory_space<vmem>>, vector<1x16xf32>,
        %get3A_339 = arith.index_cast %scan3A_28 : i32 to index
        %get3A_340 = arith.constant 304 : index
        %get3A_341 = tpu.vector_load %arg10[%get3A_339, %get3A_340] {strides = array<i32>} : memref<16x768xf32, #tpu.memory_space<vmem>>, vector<1x16xf32>,
        %get3A_342 = vector.shape_cast %get3A_341 : vector<1x16xf32> to vector<16xf32>
        %mul3A_343 = arith.mulf %get3A_31, %get3A_342 : vector<16xf32>
        %get3A_344 = arith.index_cast %scan3A_28 : i32 to index
        %get3A_345 = arith.constant 304 : index
        %get3A_346 = tpu.vector_load %arg11[%get3A_344, %get3A_345] {strides = array<i32>} : memref<16x768xf32, #tpu.memory_space<vmem>>, vector<1x16xf32>,
        %get3A_347 = vector.shape_cast %get3A_346 : vector<1x16xf32> to vector<16xf32>
        %mul3A_348 = arith.mulf %get3A_35, %get3A_347 : vector<16xf32>
        %add3A_349 = arith.addf %mul3A_343, %mul3A_348 : vector<16xf32>
        %swap3A_350 = arith.index_cast %scan3A_28 : i32 to index
        %swap3A_351 = arith.constant 304 : index
        %swap3A_352 = tpu.vector_load %arg14[%swap3A_350, %swap3A_351] {strides = array<i32>} : memref<16x768xf32, #tpu.memory_space<vmem>>, vector<1x16xf32>,
        %swap3A_353 = vector.shape_cast %swap3A_352 : vector<1x16xf32> to vector<16xf32>
        %swap3A_354 = vector.shape_cast %add3A_349 : vector<16xf32> to vector<1x16xf32>
        tpu.vector_store %arg14[%swap3A_350, %swap3A_351], %swap3A_354 {strides = array<i32>} : memref<16x768xf32, #tpu.memory_space<vmem>>, vector<1x16xf32>,
        %get3A_355 = arith.index_cast %scan3A_28 : i32 to index
        %get3A_356 = arith.constant 320 : index
        %get3A_357 = tpu.vector_load %arg10[%get3A_355, %get3A_356] {strides = array<i32>} : memref<16x768xf32, #tpu.memory_space<vmem>>, vector<1x16xf32>,
        %get3A_358 = vector.shape_cast %get3A_357 : vector<1x16xf32> to vector<16xf32>
        %mul3A_359 = arith.mulf %get3A_31, %get3A_358 : vector<16xf32>
        %get3A_360 = arith.index_cast %scan3A_28 : i32 to index
        %get3A_361 = arith.constant 320 : index
        %get3A_362 = tpu.vector_load %arg11[%get3A_360, %get3A_361] {strides = array<i32>} : memref<16x768xf32, #tpu.memory_space<vmem>>, vector<1x16xf32>,
        %get3A_363 = vector.shape_cast %get3A_362 : vector<1x16xf32> to vector<16xf32>
        %mul3A_364 = arith.mulf %get3A_35, %get3A_363 : vector<16xf32>
        %add3A_365 = arith.addf %mul3A_359, %mul3A_364 : vector<16xf32>
        %swap3A_366 = arith.index_cast %scan3A_28 : i32 to index
        %swap3A_367 = arith.constant 320 : index
        %swap3A_368 = tpu.vector_load %arg14[%swap3A_366, %swap3A_367] {strides = array<i32>} : memref<16x768xf32, #tpu.memory_space<vmem>>, vector<1x16xf32>,
        %swap3A_369 = vector.shape_cast %swap3A_368 : vector<1x16xf32> to vector<16xf32>
        %swap3A_370 = vector.shape_cast %add3A_365 : vector<16xf32> to vector<1x16xf32>
        tpu.vector_store %arg14[%swap3A_366, %swap3A_367], %swap3A_370 {strides = array<i32>} : memref<16x768xf32, #tpu.memory_space<vmem>>, vector<1x16xf32>,
        %get3A_371 = arith.index_cast %scan3A_28 : i32 to index
        %get3A_372 = arith.constant 336 : index
        %get3A_373 = tpu.vector_load %arg10[%get3A_371, %get3A_372] {strides = array<i32>} : memref<16x768xf32, #tpu.memory_space<vmem>>, vector<1x16xf32>,
        %get3A_374 = vector.shape_cast %get3A_373 : vector<1x16xf32> to vector<16xf32>
        %mul3A_375 = arith.mulf %get3A_31, %get3A_374 : vector<16xf32>
        %get3A_376 = arith.index_cast %scan3A_28 : i32 to index
        %get3A_377 = arith.constant 336 : index
        %get3A_378 = tpu.vector_load %arg11[%get3A_376, %get3A_377] {strides = array<i32>} : memref<16x768xf32, #tpu.memory_space<vmem>>, vector<1x16xf32>,
        %get3A_379 = vector.shape_cast %get3A_378 : vector<1x16xf32> to vector<16xf32>
        %mul3A_380 = arith.mulf %get3A_35, %get3A_379 : vector<16xf32>
        %add3A_381 = arith.addf %mul3A_375, %mul3A_380 : vector<16xf32>
        %swap3A_382 = arith.index_cast %scan3A_28 : i32 to index
        %swap3A_383 = arith.constant 336 : index
        %swap3A_384 = tpu.vector_load %arg14[%swap3A_382, %swap3A_383] {strides = array<i32>} : memref<16x768xf32, #tpu.memory_space<vmem>>, vector<1x16xf32>,
        %swap3A_385 = vector.shape_cast %swap3A_384 : vector<1x16xf32> to vector<16xf32>
        %swap3A_386 = vector.shape_cast %add3A_381 : vector<16xf32> to vector<1x16xf32>
        tpu.vector_store %arg14[%swap3A_382, %swap3A_383], %swap3A_386 {strides = array<i32>} : memref<16x768xf32, #tpu.memory_space<vmem>>, vector<1x16xf32>,
        %get3A_387 = arith.index_cast %scan3A_28 : i32 to index
        %get3A_388 = arith.constant 352 : index
        %get3A_389 = tpu.vector_load %arg10[%get3A_387, %get3A_388] {strides = array<i32>} : memref<16x768xf32, #tpu.memory_space<vmem>>, vector<1x16xf32>,
        %get3A_390 = vector.shape_cast %get3A_389 : vector<1x16xf32> to vector<16xf32>
        %mul3A_391 = arith.mulf %get3A_31, %get3A_390 : vector<16xf32>
        %get3A_392 = arith.index_cast %scan3A_28 : i32 to index
        %get3A_393 = arith.constant 352 : index
        %get3A_394 = tpu.vector_load %arg11[%get3A_392, %get3A_393] {strides = array<i32>} : memref<16x768xf32, #tpu.memory_space<vmem>>, vector<1x16xf32>,
        %get3A_395 = vector.shape_cast %get3A_394 : vector<1x16xf32> to vector<16xf32>
        %mul3A_396 = arith.mulf %get3A_35, %get3A_395 : vector<16xf32>
        %add3A_397 = arith.addf %mul3A_391, %mul3A_396 : vector<16xf32>
        %swap3A_398 = arith.index_cast %scan3A_28 : i32 to index
        %swap3A_399 = arith.constant 352 : index
        %swap3A_400 = tpu.vector_load %arg14[%swap3A_398, %swap3A_399] {strides = array<i32>} : memref<16x768xf32, #tpu.memory_space<vmem>>, vector<1x16xf32>,
        %swap3A_401 = vector.shape_cast %swap3A_400 : vector<1x16xf32> to vector<16xf32>
        %swap3A_402 = vector.shape_cast %add3A_397 : vector<16xf32> to vector<1x16xf32>
        tpu.vector_store %arg14[%swap3A_398, %swap3A_399], %swap3A_402 {strides = array<i32>} : memref<16x768xf32, #tpu.memory_space<vmem>>, vector<1x16xf32>,
        %get3A_403 = arith.index_cast %scan3A_28 : i32 to index
        %get3A_404 = arith.constant 368 : index
        %get3A_405 = tpu.vector_load %arg10[%get3A_403, %get3A_404] {strides = array<i32>} : memref<16x768xf32, #tpu.memory_space<vmem>>, vector<1x16xf32>,
        %get3A_406 = vector.shape_cast %get3A_405 : vector<1x16xf32> to vector<16xf32>
        %mul3A_407 = arith.mulf %get3A_31, %get3A_406 : vector<16xf32>
        %get3A_408 = arith.index_cast %scan3A_28 : i32 to index
        %get3A_409 = arith.constant 368 : index
        %get3A_410 = tpu.vector_load %arg11[%get3A_408, %get3A_409] {strides = array<i32>} : memref<16x768xf32, #tpu.memory_space<vmem>>, vector<1x16xf32>,
        %get3A_411 = vector.shape_cast %get3A_410 : vector<1x16xf32> to vector<16xf32>
        %mul3A_412 = arith.mulf %get3A_35, %get3A_411 : vector<16xf32>
        %add3A_413 = arith.addf %mul3A_407, %mul3A_412 : vector<16xf32>
        %swap3A_414 = arith.index_cast %scan3A_28 : i32 to index
        %swap3A_415 = arith.constant 368 : index
        %swap3A_416 = tpu.vector_load %arg14[%swap3A_414, %swap3A_415] {strides = array<i32>} : memref<16x768xf32, #tpu.memory_space<vmem>>, vector<1x16xf32>,
        %swap3A_417 = vector.shape_cast %swap3A_416 : vector<1x16xf32> to vector<16xf32>
        %swap3A_418 = vector.shape_cast %add3A_413 : vector<16xf32> to vector<1x16xf32>
        tpu.vector_store %arg14[%swap3A_414, %swap3A_415], %swap3A_418 {strides = array<i32>} : memref<16x768xf32, #tpu.memory_space<vmem>>, vector<1x16xf32>,
        %get3A_419 = arith.index_cast %scan3A_28 : i32 to index
        %get3A_420 = arith.constant 384 : index
        %get3A_421 = tpu.vector_load %arg10[%get3A_419, %get3A_420] {strides = array<i32>} : memref<16x768xf32, #tpu.memory_space<vmem>>, vector<1x16xf32>,
        %get3A_422 = vector.shape_cast %get3A_421 : vector<1x16xf32> to vector<16xf32>
        %mul3A_423 = arith.mulf %get3A_31, %get3A_422 : vector<16xf32>
        %get3A_424 = arith.index_cast %scan3A_28 : i32 to index
        %get3A_425 = arith.constant 384 : index
        %get3A_426 = tpu.vector_load %arg11[%get3A_424, %get3A_425] {strides = array<i32>} : memref<16x768xf32, #tpu.memory_space<vmem>>, vector<1x16xf32>,
        %get3A_427 = vector.shape_cast %get3A_426 : vector<1x16xf32> to vector<16xf32>
        %mul3A_428 = arith.mulf %get3A_35, %get3A_427 : vector<16xf32>
        %add3A_429 = arith.addf %mul3A_423, %mul3A_428 : vector<16xf32>
        %swap3A_430 = arith.index_cast %scan3A_28 : i32 to index
        %swap3A_431 = arith.constant 384 : index
        %swap3A_432 = tpu.vector_load %arg14[%swap3A_430, %swap3A_431] {strides = array<i32>} : memref<16x768xf32, #tpu.memory_space<vmem>>, vector<1x16xf32>,
        %swap3A_433 = vector.shape_cast %swap3A_432 : vector<1x16xf32> to vector<16xf32>
        %swap3A_434 = vector.shape_cast %add3A_429 : vector<16xf32> to vector<1x16xf32>
        tpu.vector_store %arg14[%swap3A_430, %swap3A_431], %swap3A_434 {strides = array<i32>} : memref<16x768xf32, #tpu.memory_space<vmem>>, vector<1x16xf32>,
        %get3A_435 = arith.index_cast %scan3A_28 : i32 to index
        %get3A_436 = arith.constant 400 : index
        %get3A_437 = tpu.vector_load %arg10[%get3A_435, %get3A_436] {strides = array<i32>} : memref<16x768xf32, #tpu.memory_space<vmem>>, vector<1x16xf32>,
        %get3A_438 = vector.shape_cast %get3A_437 : vector<1x16xf32> to vector<16xf32>
        %mul3A_439 = arith.mulf %get3A_31, %get3A_438 : vector<16xf32>
        %get3A_440 = arith.index_cast %scan3A_28 : i32 to index
        %get3A_441 = arith.constant 400 : index
        %get3A_442 = tpu.vector_load %arg11[%get3A_440, %get3A_441] {strides = array<i32>} : memref<16x768xf32, #tpu.memory_space<vmem>>, vector<1x16xf32>,
        %get3A_443 = vector.shape_cast %get3A_442 : vector<1x16xf32> to vector<16xf32>
        %mul3A_444 = arith.mulf %get3A_35, %get3A_443 : vector<16xf32>
        %add3A_445 = arith.addf %mul3A_439, %mul3A_444 : vector<16xf32>
        %swap3A_446 = arith.index_cast %scan3A_28 : i32 to index
        %swap3A_447 = arith.constant 400 : index
        %swap3A_448 = tpu.vector_load %arg14[%swap3A_446, %swap3A_447] {strides = array<i32>} : memref<16x768xf32, #tpu.memory_space<vmem>>, vector<1x16xf32>,
        %swap3A_449 = vector.shape_cast %swap3A_448 : vector<1x16xf32> to vector<16xf32>
        %swap3A_450 = vector.shape_cast %add3A_445 : vector<16xf32> to vector<1x16xf32>
        tpu.vector_store %arg14[%swap3A_446, %swap3A_447], %swap3A_450 {strides = array<i32>} : memref<16x768xf32, #tpu.memory_space<vmem>>, vector<1x16xf32>,
        %get3A_451 = arith.index_cast %scan3A_28 : i32 to index
        %get3A_452 = arith.constant 416 : index
        %get3A_453 = tpu.vector_load %arg10[%get3A_451, %get3A_452] {strides = array<i32>} : memref<16x768xf32, #tpu.memory_space<vmem>>, vector<1x16xf32>,
        %get3A_454 = vector.shape_cast %get3A_453 : vector<1x16xf32> to vector<16xf32>
        %mul3A_455 = arith.mulf %get3A_31, %get3A_454 : vector<16xf32>
        %get3A_456 = arith.index_cast %scan3A_28 : i32 to index
        %get3A_457 = arith.constant 416 : index
        %get3A_458 = tpu.vector_load %arg11[%get3A_456, %get3A_457] {strides = array<i32>} : memref<16x768xf32, #tpu.memory_space<vmem>>, vector<1x16xf32>,
        %get3A_459 = vector.shape_cast %get3A_458 : vector<1x16xf32> to vector<16xf32>
        %mul3A_460 = arith.mulf %get3A_35, %get3A_459 : vector<16xf32>
        %add3A_461 = arith.addf %mul3A_455, %mul3A_460 : vector<16xf32>
        %swap3A_462 = arith.index_cast %scan3A_28 : i32 to index
        %swap3A_463 = arith.constant 416 : index
        %swap3A_464 = tpu.vector_load %arg14[%swap3A_462, %swap3A_463] {strides = array<i32>} : memref<16x768xf32, #tpu.memory_space<vmem>>, vector<1x16xf32>,
        %swap3A_465 = vector.shape_cast %swap3A_464 : vector<1x16xf32> to vector<16xf32>
        %swap3A_466 = vector.shape_cast %add3A_461 : vector<16xf32> to vector<1x16xf32>
        tpu.vector_store %arg14[%swap3A_462, %swap3A_463], %swap3A_466 {strides = array<i32>} : memref<16x768xf32, #tpu.memory_space<vmem>>, vector<1x16xf32>,
        %get3A_467 = arith.index_cast %scan3A_28 : i32 to index
        %get3A_468 = arith.constant 432 : index
        %get3A_469 = tpu.vector_load %arg10[%get3A_467, %get3A_468] {strides = array<i32>} : memref<16x768xf32, #tpu.memory_space<vmem>>, vector<1x16xf32>,
        %get3A_470 = vector.shape_cast %get3A_469 : vector<1x16xf32> to vector<16xf32>
        %mul3A_471 = arith.mulf %get3A_31, %get3A_470 : vector<16xf32>
        %get3A_472 = arith.index_cast %scan3A_28 : i32 to index
        %get3A_473 = arith.constant 432 : index
        %get3A_474 = tpu.vector_load %arg11[%get3A_472, %get3A_473] {strides = array<i32>} : memref<16x768xf32, #tpu.memory_space<vmem>>, vector<1x16xf32>,
        %get3A_475 = vector.shape_cast %get3A_474 : vector<1x16xf32> to vector<16xf32>
        %mul3A_476 = arith.mulf %get3A_35, %get3A_475 : vector<16xf32>
        %add3A_477 = arith.addf %mul3A_471, %mul3A_476 : vector<16xf32>
        %swap3A_478 = arith.index_cast %scan3A_28 : i32 to index
        %swap3A_479 = arith.constant 432 : index
        %swap3A_480 = tpu.vector_load %arg14[%swap3A_478, %swap3A_479] {strides = array<i32>} : memref<16x768xf32, #tpu.memory_space<vmem>>, vector<1x16xf32>,
        %swap3A_481 = vector.shape_cast %swap3A_480 : vector<1x16xf32> to vector<16xf32>
        %swap3A_482 = vector.shape_cast %add3A_477 : vector<16xf32> to vector<1x16xf32>
        tpu.vector_store %arg14[%swap3A_478, %swap3A_479], %swap3A_482 {strides = array<i32>} : memref<16x768xf32, #tpu.memory_space<vmem>>, vector<1x16xf32>,
        %get3A_483 = arith.index_cast %scan3A_28 : i32 to index
        %get3A_484 = arith.constant 448 : index
        %get3A_485 = tpu.vector_load %arg10[%get3A_483, %get3A_484] {strides = array<i32>} : memref<16x768xf32, #tpu.memory_space<vmem>>, vector<1x16xf32>,
        %get3A_486 = vector.shape_cast %get3A_485 : vector<1x16xf32> to vector<16xf32>
        %mul3A_487 = arith.mulf %get3A_31, %get3A_486 : vector<16xf32>
        %get3A_488 = arith.index_cast %scan3A_28 : i32 to index
        %get3A_489 = arith.constant 448 : index
        %get3A_490 = tpu.vector_load %arg11[%get3A_488, %get3A_489] {strides = array<i32>} : memref<16x768xf32, #tpu.memory_space<vmem>>, vector<1x16xf32>,
        %get3A_491 = vector.shape_cast %get3A_490 : vector<1x16xf32> to vector<16xf32>
        %mul3A_492 = arith.mulf %get3A_35, %get3A_491 : vector<16xf32>
        %add3A_493 = arith.addf %mul3A_487, %mul3A_492 : vector<16xf32>
        %swap3A_494 = arith.index_cast %scan3A_28 : i32 to index
        %swap3A_495 = arith.constant 448 : index
        %swap3A_496 = tpu.vector_load %arg14[%swap3A_494, %swap3A_495] {strides = array<i32>} : memref<16x768xf32, #tpu.memory_space<vmem>>, vector<1x16xf32>,
        %swap3A_497 = vector.shape_cast %swap3A_496 : vector<1x16xf32> to vector<16xf32>
        %swap3A_498 = vector.shape_cast %add3A_493 : vector<16xf32> to vector<1x16xf32>
        tpu.vector_store %arg14[%swap3A_494, %swap3A_495], %swap3A_498 {strides = array<i32>} : memref<16x768xf32, #tpu.memory_space<vmem>>, vector<1x16xf32>,
        %get3A_499 = arith.index_cast %scan3A_28 : i32 to index
        %get3A_500 = arith.constant 464 : index
        %get3A_501 = tpu.vector_load %arg10[%get3A_499, %get3A_500] {strides = array<i32>} : memref<16x768xf32, #tpu.memory_space<vmem>>, vector<1x16xf32>,
        %get3A_502 = vector.shape_cast %get3A_501 : vector<1x16xf32> to vector<16xf32>
        %mul3A_503 = arith.mulf %get3A_31, %get3A_502 : vector<16xf32>
        %get3A_504 = arith.index_cast %scan3A_28 : i32 to index
        %get3A_505 = arith.constant 464 : index
        %get3A_506 = tpu.vector_load %arg11[%get3A_504, %get3A_505] {strides = array<i32>} : memref<16x768xf32, #tpu.memory_space<vmem>>, vector<1x16xf32>,
        %get3A_507 = vector.shape_cast %get3A_506 : vector<1x16xf32> to vector<16xf32>
        %mul3A_508 = arith.mulf %get3A_35, %get3A_507 : vector<16xf32>
        %add3A_509 = arith.addf %mul3A_503, %mul3A_508 : vector<16xf32>
        %swap3A_510 = arith.index_cast %scan3A_28 : i32 to index
        %swap3A_511 = arith.constant 464 : index
        %swap3A_512 = tpu.vector_load %arg14[%swap3A_510, %swap3A_511] {strides = array<i32>} : memref<16x768xf32, #tpu.memory_space<vmem>>, vector<1x16xf32>,
        %swap3A_513 = vector.shape_cast %swap3A_512 : vector<1x16xf32> to vector<16xf32>
        %swap3A_514 = vector.shape_cast %add3A_509 : vector<16xf32> to vector<1x16xf32>
        tpu.vector_store %arg14[%swap3A_510, %swap3A_511], %swap3A_514 {strides = array<i32>} : memref<16x768xf32, #tpu.memory_space<vmem>>, vector<1x16xf32>,
        %get3A_515 = arith.index_cast %scan3A_28 : i32 to index
        %get3A_516 = arith.constant 480 : index
        %get3A_517 = tpu.vector_load %arg10[%get3A_515, %get3A_516] {strides = array<i32>} : memref<16x768xf32, #tpu.memory_space<vmem>>, vector<1x16xf32>,
        %get3A_518 = vector.shape_cast %get3A_517 : vector<1x16xf32> to vector<16xf32>
        %mul3A_519 = arith.mulf %get3A_31, %get3A_518 : vector<16xf32>
        %get3A_520 = arith.index_cast %scan3A_28 : i32 to index
        %get3A_521 = arith.constant 480 : index
        %get3A_522 = tpu.vector_load %arg11[%get3A_520, %get3A_521] {strides = array<i32>} : memref<16x768xf32, #tpu.memory_space<vmem>>, vector<1x16xf32>,
        %get3A_523 = vector.shape_cast %get3A_522 : vector<1x16xf32> to vector<16xf32>
        %mul3A_524 = arith.mulf %get3A_35, %get3A_523 : vector<16xf32>
        %add3A_525 = arith.addf %mul3A_519, %mul3A_524 : vector<16xf32>
        %swap3A_526 = arith.index_cast %scan3A_28 : i32 to index
        %swap3A_527 = arith.constant 480 : index
        %swap3A_528 = tpu.vector_load %arg14[%swap3A_526, %swap3A_527] {strides = array<i32>} : memref<16x768xf32, #tpu.memory_space<vmem>>, vector<1x16xf32>,
        %swap3A_529 = vector.shape_cast %swap3A_528 : vector<1x16xf32> to vector<16xf32>
        %swap3A_530 = vector.shape_cast %add3A_525 : vector<16xf32> to vector<1x16xf32>
        tpu.vector_store %arg14[%swap3A_526, %swap3A_527], %swap3A_530 {strides = array<i32>} : memref<16x768xf32, #tpu.memory_space<vmem>>, vector<1x16xf32>,
        %get3A_531 = arith.index_cast %scan3A_28 : i32 to index
        %get3A_532 = arith.constant 496 : index
        %get3A_533 = tpu.vector_load %arg10[%get3A_531, %get3A_532] {strides = array<i32>} : memref<16x768xf32, #tpu.memory_space<vmem>>, vector<1x16xf32>,
        %get3A_534 = vector.shape_cast %get3A_533 : vector<1x16xf32> to vector<16xf32>
        %mul3A_535 = arith.mulf %get3A_31, %get3A_534 : vector<16xf32>
        %get3A_536 = arith.index_cast %scan3A_28 : i32 to index
        %get3A_537 = arith.constant 496 : index
        %get3A_538 = tpu.vector_load %arg11[%get3A_536, %get3A_537] {strides = array<i32>} : memref<16x768xf32, #tpu.memory_space<vmem>>, vector<1x16xf32>,
        %get3A_539 = vector.shape_cast %get3A_538 : vector<1x16xf32> to vector<16xf32>
        %mul3A_540 = arith.mulf %get3A_35, %get3A_539 : vector<16xf32>
        %add3A_541 = arith.addf %mul3A_535, %mul3A_540 : vector<16xf32>
        %swap3A_542 = arith.index_cast %scan3A_28 : i32 to index
        %swap3A_543 = arith.constant 496 : index
        %swap3A_544 = tpu.vector_load %arg14[%swap3A_542, %swap3A_543] {strides = array<i32>} : memref<16x768xf32, #tpu.memory_space<vmem>>, vector<1x16xf32>,
        %swap3A_545 = vector.shape_cast %swap3A_544 : vector<1x16xf32> to vector<16xf32>
        %swap3A_546 = vector.shape_cast %add3A_541 : vector<16xf32> to vector<1x16xf32>
        tpu.vector_store %arg14[%swap3A_542, %swap3A_543], %swap3A_546 {strides = array<i32>} : memref<16x768xf32, #tpu.memory_space<vmem>>, vector<1x16xf32>,
        %get3A_547 = arith.index_cast %scan3A_28 : i32 to index
        %get3A_548 = arith.constant 512 : index
        %get3A_549 = tpu.vector_load %arg10[%get3A_547, %get3A_548] {strides = array<i32>} : memref<16x768xf32, #tpu.memory_space<vmem>>, vector<1x16xf32>,
        %get3A_550 = vector.shape_cast %get3A_549 : vector<1x16xf32> to vector<16xf32>
        %mul3A_551 = arith.mulf %get3A_31, %get3A_550 : vector<16xf32>
        %get3A_552 = arith.index_cast %scan3A_28 : i32 to index
        %get3A_553 = arith.constant 512 : index
        %get3A_554 = tpu.vector_load %arg11[%get3A_552, %get3A_553] {strides = array<i32>} : memref<16x768xf32, #tpu.memory_space<vmem>>, vector<1x16xf32>,
        %get3A_555 = vector.shape_cast %get3A_554 : vector<1x16xf32> to vector<16xf32>
        %mul3A_556 = arith.mulf %get3A_35, %get3A_555 : vector<16xf32>
        %add3A_557 = arith.addf %mul3A_551, %mul3A_556 : vector<16xf32>
        %swap3A_558 = arith.index_cast %scan3A_28 : i32 to index
        %swap3A_559 = arith.constant 512 : index
        %swap3A_560 = tpu.vector_load %arg14[%swap3A_558, %swap3A_559] {strides = array<i32>} : memref<16x768xf32, #tpu.memory_space<vmem>>, vector<1x16xf32>,
        %swap3A_561 = vector.shape_cast %swap3A_560 : vector<1x16xf32> to vector<16xf32>
        %swap3A_562 = vector.shape_cast %add3A_557 : vector<16xf32> to vector<1x16xf32>
        tpu.vector_store %arg14[%swap3A_558, %swap3A_559], %swap3A_562 {strides = array<i32>} : memref<16x768xf32, #tpu.memory_space<vmem>>, vector<1x16xf32>,
        %get3A_563 = arith.index_cast %scan3A_28 : i32 to index
        %get3A_564 = arith.constant 528 : index
        %get3A_565 = tpu.vector_load %arg10[%get3A_563, %get3A_564] {strides = array<i32>} : memref<16x768xf32, #tpu.memory_space<vmem>>, vector<1x16xf32>,
        %get3A_566 = vector.shape_cast %get3A_565 : vector<1x16xf32> to vector<16xf32>
        %mul3A_567 = arith.mulf %get3A_31, %get3A_566 : vector<16xf32>
        %get3A_568 = arith.index_cast %scan3A_28 : i32 to index
        %get3A_569 = arith.constant 528 : index
        %get3A_570 = tpu.vector_load %arg11[%get3A_568, %get3A_569] {strides = array<i32>} : memref<16x768xf32, #tpu.memory_space<vmem>>, vector<1x16xf32>,
        %get3A_571 = vector.shape_cast %get3A_570 : vector<1x16xf32> to vector<16xf32>
        %mul3A_572 = arith.mulf %get3A_35, %get3A_571 : vector<16xf32>
        %add3A_573 = arith.addf %mul3A_567, %mul3A_572 : vector<16xf32>
        %swap3A_574 = arith.index_cast %scan3A_28 : i32 to index
        %swap3A_575 = arith.constant 528 : index
        %swap3A_576 = tpu.vector_load %arg14[%swap3A_574, %swap3A_575] {strides = array<i32>} : memref<16x768xf32, #tpu.memory_space<vmem>>, vector<1x16xf32>,
        %swap3A_577 = vector.shape_cast %swap3A_576 : vector<1x16xf32> to vector<16xf32>
        %swap3A_578 = vector.shape_cast %add3A_573 : vector<16xf32> to vector<1x16xf32>
        tpu.vector_store %arg14[%swap3A_574, %swap3A_575], %swap3A_578 {strides = array<i32>} : memref<16x768xf32, #tpu.memory_space<vmem>>, vector<1x16xf32>,
        %get3A_579 = arith.index_cast %scan3A_28 : i32 to index
        %get3A_580 = arith.constant 544 : index
        %get3A_581 = tpu.vector_load %arg10[%get3A_579, %get3A_580] {strides = array<i32>} : memref<16x768xf32, #tpu.memory_space<vmem>>, vector<1x16xf32>,
        %get3A_582 = vector.shape_cast %get3A_581 : vector<1x16xf32> to vector<16xf32>
        %mul3A_583 = arith.mulf %get3A_31, %get3A_582 : vector<16xf32>
        %get3A_584 = arith.index_cast %scan3A_28 : i32 to index
        %get3A_585 = arith.constant 544 : index
        %get3A_586 = tpu.vector_load %arg11[%get3A_584, %get3A_585] {strides = array<i32>} : memref<16x768xf32, #tpu.memory_space<vmem>>, vector<1x16xf32>,
        %get3A_587 = vector.shape_cast %get3A_586 : vector<1x16xf32> to vector<16xf32>
        %mul3A_588 = arith.mulf %get3A_35, %get3A_587 : vector<16xf32>
        %add3A_589 = arith.addf %mul3A_583, %mul3A_588 : vector<16xf32>
        %swap3A_590 = arith.index_cast %scan3A_28 : i32 to index
        %swap3A_591 = arith.constant 544 : index
        %swap3A_592 = tpu.vector_load %arg14[%swap3A_590, %swap3A_591] {strides = array<i32>} : memref<16x768xf32, #tpu.memory_space<vmem>>, vector<1x16xf32>,
        %swap3A_593 = vector.shape_cast %swap3A_592 : vector<1x16xf32> to vector<16xf32>
        %swap3A_594 = vector.shape_cast %add3A_589 : vector<16xf32> to vector<1x16xf32>
        tpu.vector_store %arg14[%swap3A_590, %swap3A_591], %swap3A_594 {strides = array<i32>} : memref<16x768xf32, #tpu.memory_space<vmem>>, vector<1x16xf32>,
        %get3A_595 = arith.index_cast %scan3A_28 : i32 to index
        %get3A_596 = arith.constant 560 : index
        %get3A_597 = tpu.vector_load %arg10[%get3A_595, %get3A_596] {strides = array<i32>} : memref<16x768xf32, #tpu.memory_space<vmem>>, vector<1x16xf32>,
        %get3A_598 = vector.shape_cast %get3A_597 : vector<1x16xf32> to vector<16xf32>
        %mul3A_599 = arith.mulf %get3A_31, %get3A_598 : vector<16xf32>
        %get3A_600 = arith.index_cast %scan3A_28 : i32 to index
        %get3A_601 = arith.constant 560 : index
        %get3A_602 = tpu.vector_load %arg11[%get3A_600, %get3A_601] {strides = array<i32>} : memref<16x768xf32, #tpu.memory_space<vmem>>, vector<1x16xf32>,
        %get3A_603 = vector.shape_cast %get3A_602 : vector<1x16xf32> to vector<16xf32>
        %mul3A_604 = arith.mulf %get3A_35, %get3A_603 : vector<16xf32>
        %add3A_605 = arith.addf %mul3A_599, %mul3A_604 : vector<16xf32>
        %swap3A_606 = arith.index_cast %scan3A_28 : i32 to index
        %swap3A_607 = arith.constant 560 : index
        %swap3A_608 = tpu.vector_load %arg14[%swap3A_606, %swap3A_607] {strides = array<i32>} : memref<16x768xf32, #tpu.memory_space<vmem>>, vector<1x16xf32>,
        %swap3A_609 = vector.shape_cast %swap3A_608 : vector<1x16xf32> to vector<16xf32>
        %swap3A_610 = vector.shape_cast %add3A_605 : vector<16xf32> to vector<1x16xf32>
        tpu.vector_store %arg14[%swap3A_606, %swap3A_607], %swap3A_610 {strides = array<i32>} : memref<16x768xf32, #tpu.memory_space<vmem>>, vector<1x16xf32>,
        %get3A_611 = arith.index_cast %scan3A_28 : i32 to index
        %get3A_612 = arith.constant 576 : index
        %get3A_613 = tpu.vector_load %arg10[%get3A_611, %get3A_612] {strides = array<i32>} : memref<16x768xf32, #tpu.memory_space<vmem>>, vector<1x16xf32>,
        %get3A_614 = vector.shape_cast %get3A_613 : vector<1x16xf32> to vector<16xf32>
        %mul3A_615 = arith.mulf %get3A_31, %get3A_614 : vector<16xf32>
        %get3A_616 = arith.index_cast %scan3A_28 : i32 to index
        %get3A_617 = arith.constant 576 : index
        %get3A_618 = tpu.vector_load %arg11[%get3A_616, %get3A_617] {strides = array<i32>} : memref<16x768xf32, #tpu.memory_space<vmem>>, vector<1x16xf32>,
        %get3A_619 = vector.shape_cast %get3A_618 : vector<1x16xf32> to vector<16xf32>
        %mul3A_620 = arith.mulf %get3A_35, %get3A_619 : vector<16xf32>
        %add3A_621 = arith.addf %mul3A_615, %mul3A_620 : vector<16xf32>
        %swap3A_622 = arith.index_cast %scan3A_28 : i32 to index
        %swap3A_623 = arith.constant 576 : index
        %swap3A_624 = tpu.vector_load %arg14[%swap3A_622, %swap3A_623] {strides = array<i32>} : memref<16x768xf32, #tpu.memory_space<vmem>>, vector<1x16xf32>,
        %swap3A_625 = vector.shape_cast %swap3A_624 : vector<1x16xf32> to vector<16xf32>
        %swap3A_626 = vector.shape_cast %add3A_621 : vector<16xf32> to vector<1x16xf32>
        tpu.vector_store %arg14[%swap3A_622, %swap3A_623], %swap3A_626 {strides = array<i32>} : memref<16x768xf32, #tpu.memory_space<vmem>>, vector<1x16xf32>,
        %get3A_627 = arith.index_cast %scan3A_28 : i32 to index
        %get3A_628 = arith.constant 592 : index
        %get3A_629 = tpu.vector_load %arg10[%get3A_627, %get3A_628] {strides = array<i32>} : memref<16x768xf32, #tpu.memory_space<vmem>>, vector<1x16xf32>,
        %get3A_630 = vector.shape_cast %get3A_629 : vector<1x16xf32> to vector<16xf32>
        %mul3A_631 = arith.mulf %get3A_31, %get3A_630 : vector<16xf32>
        %get3A_632 = arith.index_cast %scan3A_28 : i32 to index
        %get3A_633 = arith.constant 592 : index
        %get3A_634 = tpu.vector_load %arg11[%get3A_632, %get3A_633] {strides = array<i32>} : memref<16x768xf32, #tpu.memory_space<vmem>>, vector<1x16xf32>,
        %get3A_635 = vector.shape_cast %get3A_634 : vector<1x16xf32> to vector<16xf32>
        %mul3A_636 = arith.mulf %get3A_35, %get3A_635 : vector<16xf32>
        %add3A_637 = arith.addf %mul3A_631, %mul3A_636 : vector<16xf32>
        %swap3A_638 = arith.index_cast %scan3A_28 : i32 to index
        %swap3A_639 = arith.constant 592 : index
        %swap3A_640 = tpu.vector_load %arg14[%swap3A_638, %swap3A_639] {strides = array<i32>} : memref<16x768xf32, #tpu.memory_space<vmem>>, vector<1x16xf32>,
        %swap3A_641 = vector.shape_cast %swap3A_640 : vector<1x16xf32> to vector<16xf32>
        %swap3A_642 = vector.shape_cast %add3A_637 : vector<16xf32> to vector<1x16xf32>
        tpu.vector_store %arg14[%swap3A_638, %swap3A_639], %swap3A_642 {strides = array<i32>} : memref<16x768xf32, #tpu.memory_space<vmem>>, vector<1x16xf32>,
        %get3A_643 = arith.index_cast %scan3A_28 : i32 to index
        %get3A_644 = arith.constant 608 : index
        %get3A_645 = tpu.vector_load %arg10[%get3A_643, %get3A_644] {strides = array<i32>} : memref<16x768xf32, #tpu.memory_space<vmem>>, vector<1x16xf32>,
        %get3A_646 = vector.shape_cast %get3A_645 : vector<1x16xf32> to vector<16xf32>
        %mul3A_647 = arith.mulf %get3A_31, %get3A_646 : vector<16xf32>
        %get3A_648 = arith.index_cast %scan3A_28 : i32 to index
        %get3A_649 = arith.constant 608 : index
        %get3A_650 = tpu.vector_load %arg11[%get3A_648, %get3A_649] {strides = array<i32>} : memref<16x768xf32, #tpu.memory_space<vmem>>, vector<1x16xf32>,
        %get3A_651 = vector.shape_cast %get3A_650 : vector<1x16xf32> to vector<16xf32>
        %mul3A_652 = arith.mulf %get3A_35, %get3A_651 : vector<16xf32>
        %add3A_653 = arith.addf %mul3A_647, %mul3A_652 : vector<16xf32>
        %swap3A_654 = arith.index_cast %scan3A_28 : i32 to index
        %swap3A_655 = arith.constant 608 : index
        %swap3A_656 = tpu.vector_load %arg14[%swap3A_654, %swap3A_655] {strides = array<i32>} : memref<16x768xf32, #tpu.memory_space<vmem>>, vector<1x16xf32>,
        %swap3A_657 = vector.shape_cast %swap3A_656 : vector<1x16xf32> to vector<16xf32>
        %swap3A_658 = vector.shape_cast %add3A_653 : vector<16xf32> to vector<1x16xf32>
        tpu.vector_store %arg14[%swap3A_654, %swap3A_655], %swap3A_658 {strides = array<i32>} : memref<16x768xf32, #tpu.memory_space<vmem>>, vector<1x16xf32>,
        %get3A_659 = arith.index_cast %scan3A_28 : i32 to index
        %get3A_660 = arith.constant 624 : index
        %get3A_661 = tpu.vector_load %arg10[%get3A_659, %get3A_660] {strides = array<i32>} : memref<16x768xf32, #tpu.memory_space<vmem>>, vector<1x16xf32>,
        %get3A_662 = vector.shape_cast %get3A_661 : vector<1x16xf32> to vector<16xf32>
        %mul3A_663 = arith.mulf %get3A_31, %get3A_662 : vector<16xf32>
        %get3A_664 = arith.index_cast %scan3A_28 : i32 to index
        %get3A_665 = arith.constant 624 : index
        %get3A_666 = tpu.vector_load %arg11[%get3A_664, %get3A_665] {strides = array<i32>} : memref<16x768xf32, #tpu.memory_space<vmem>>, vector<1x16xf32>,
        %get3A_667 = vector.shape_cast %get3A_666 : vector<1x16xf32> to vector<16xf32>
        %mul3A_668 = arith.mulf %get3A_35, %get3A_667 : vector<16xf32>
        %add3A_669 = arith.addf %mul3A_663, %mul3A_668 : vector<16xf32>
        %swap3A_670 = arith.index_cast %scan3A_28 : i32 to index
        %swap3A_671 = arith.constant 624 : index
        %swap3A_672 = tpu.vector_load %arg14[%swap3A_670, %swap3A_671] {strides = array<i32>} : memref<16x768xf32, #tpu.memory_space<vmem>>, vector<1x16xf32>,
        %swap3A_673 = vector.shape_cast %swap3A_672 : vector<1x16xf32> to vector<16xf32>
        %swap3A_674 = vector.shape_cast %add3A_669 : vector<16xf32> to vector<1x16xf32>
        tpu.vector_store %arg14[%swap3A_670, %swap3A_671], %swap3A_674 {strides = array<i32>} : memref<16x768xf32, #tpu.memory_space<vmem>>, vector<1x16xf32>,
        %get3A_675 = arith.index_cast %scan3A_28 : i32 to index
        %get3A_676 = arith.constant 640 : index
        %get3A_677 = tpu.vector_load %arg10[%get3A_675, %get3A_676] {strides = array<i32>} : memref<16x768xf32, #tpu.memory_space<vmem>>, vector<1x16xf32>,
        %get3A_678 = vector.shape_cast %get3A_677 : vector<1x16xf32> to vector<16xf32>
        %mul3A_679 = arith.mulf %get3A_31, %get3A_678 : vector<16xf32>
        %get3A_680 = arith.index_cast %scan3A_28 : i32 to index
        %get3A_681 = arith.constant 640 : index
        %get3A_682 = tpu.vector_load %arg11[%get3A_680, %get3A_681] {strides = array<i32>} : memref<16x768xf32, #tpu.memory_space<vmem>>, vector<1x16xf32>,
        %get3A_683 = vector.shape_cast %get3A_682 : vector<1x16xf32> to vector<16xf32>
        %mul3A_684 = arith.mulf %get3A_35, %get3A_683 : vector<16xf32>
        %add3A_685 = arith.addf %mul3A_679, %mul3A_684 : vector<16xf32>
        %swap3A_686 = arith.index_cast %scan3A_28 : i32 to index
        %swap3A_687 = arith.constant 640 : index
        %swap3A_688 = tpu.vector_load %arg14[%swap3A_686, %swap3A_687] {strides = array<i32>} : memref<16x768xf32, #tpu.memory_space<vmem>>, vector<1x16xf32>,
        %swap3A_689 = vector.shape_cast %swap3A_688 : vector<1x16xf32> to vector<16xf32>
        %swap3A_690 = vector.shape_cast %add3A_685 : vector<16xf32> to vector<1x16xf32>
        tpu.vector_store %arg14[%swap3A_686, %swap3A_687], %swap3A_690 {strides = array<i32>} : memref<16x768xf32, #tpu.memory_space<vmem>>, vector<1x16xf32>,
        %get3A_691 = arith.index_cast %scan3A_28 : i32 to index
        %get3A_692 = arith.constant 656 : index
        %get3A_693 = tpu.vector_load %arg10[%get3A_691, %get3A_692] {strides = array<i32>} : memref<16x768xf32, #tpu.memory_space<vmem>>, vector<1x16xf32>,
        %get3A_694 = vector.shape_cast %get3A_693 : vector<1x16xf32> to vector<16xf32>
        %mul3A_695 = arith.mulf %get3A_31, %get3A_694 : vector<16xf32>
        %get3A_696 = arith.index_cast %scan3A_28 : i32 to index
        %get3A_697 = arith.constant 656 : index
        %get3A_698 = tpu.vector_load %arg11[%get3A_696, %get3A_697] {strides = array<i32>} : memref<16x768xf32, #tpu.memory_space<vmem>>, vector<1x16xf32>,
        %get3A_699 = vector.shape_cast %get3A_698 : vector<1x16xf32> to vector<16xf32>
        %mul3A_700 = arith.mulf %get3A_35, %get3A_699 : vector<16xf32>
        %add3A_701 = arith.addf %mul3A_695, %mul3A_700 : vector<16xf32>
        %swap3A_702 = arith.index_cast %scan3A_28 : i32 to index
        %swap3A_703 = arith.constant 656 : index
        %swap3A_704 = tpu.vector_load %arg14[%swap3A_702, %swap3A_703] {strides = array<i32>} : memref<16x768xf32, #tpu.memory_space<vmem>>, vector<1x16xf32>,
        %swap3A_705 = vector.shape_cast %swap3A_704 : vector<1x16xf32> to vector<16xf32>
        %swap3A_706 = vector.shape_cast %add3A_701 : vector<16xf32> to vector<1x16xf32>
        tpu.vector_store %arg14[%swap3A_702, %swap3A_703], %swap3A_706 {strides = array<i32>} : memref<16x768xf32, #tpu.memory_space<vmem>>, vector<1x16xf32>,
        %get3A_707 = arith.index_cast %scan3A_28 : i32 to index
        %get3A_708 = arith.constant 672 : index
        %get3A_709 = tpu.vector_load %arg10[%get3A_707, %get3A_708] {strides = array<i32>} : memref<16x768xf32, #tpu.memory_space<vmem>>, vector<1x16xf32>,
        %get3A_710 = vector.shape_cast %get3A_709 : vector<1x16xf32> to vector<16xf32>
        %mul3A_711 = arith.mulf %get3A_31, %get3A_710 : vector<16xf32>
        %get3A_712 = arith.index_cast %scan3A_28 : i32 to index
        %get3A_713 = arith.constant 672 : index
        %get3A_714 = tpu.vector_load %arg11[%get3A_712, %get3A_713] {strides = array<i32>} : memref<16x768xf32, #tpu.memory_space<vmem>>, vector<1x16xf32>,
        %get3A_715 = vector.shape_cast %get3A_714 : vector<1x16xf32> to vector<16xf32>
        %mul3A_716 = arith.mulf %get3A_35, %get3A_715 : vector<16xf32>
        %add3A_717 = arith.addf %mul3A_711, %mul3A_716 : vector<16xf32>
        %swap3A_718 = arith.index_cast %scan3A_28 : i32 to index
        %swap3A_719 = arith.constant 672 : index
        %swap3A_720 = tpu.vector_load %arg14[%swap3A_718, %swap3A_719] {strides = array<i32>} : memref<16x768xf32, #tpu.memory_space<vmem>>, vector<1x16xf32>,
        %swap3A_721 = vector.shape_cast %swap3A_720 : vector<1x16xf32> to vector<16xf32>
        %swap3A_722 = vector.shape_cast %add3A_717 : vector<16xf32> to vector<1x16xf32>
        tpu.vector_store %arg14[%swap3A_718, %swap3A_719], %swap3A_722 {strides = array<i32>} : memref<16x768xf32, #tpu.memory_space<vmem>>, vector<1x16xf32>,
        %get3A_723 = arith.index_cast %scan3A_28 : i32 to index
        %get3A_724 = arith.constant 688 : index
        %get3A_725 = tpu.vector_load %arg10[%get3A_723, %get3A_724] {strides = array<i32>} : memref<16x768xf32, #tpu.memory_space<vmem>>, vector<1x16xf32>,
        %get3A_726 = vector.shape_cast %get3A_725 : vector<1x16xf32> to vector<16xf32>
        %mul3A_727 = arith.mulf %get3A_31, %get3A_726 : vector<16xf32>
        %get3A_728 = arith.index_cast %scan3A_28 : i32 to index
        %get3A_729 = arith.constant 688 : index
        %get3A_730 = tpu.vector_load %arg11[%get3A_728, %get3A_729] {strides = array<i32>} : memref<16x768xf32, #tpu.memory_space<vmem>>, vector<1x16xf32>,
        %get3A_731 = vector.shape_cast %get3A_730 : vector<1x16xf32> to vector<16xf32>
        %mul3A_732 = arith.mulf %get3A_35, %get3A_731 : vector<16xf32>
        %add3A_733 = arith.addf %mul3A_727, %mul3A_732 : vector<16xf32>
        %swap3A_734 = arith.index_cast %scan3A_28 : i32 to index
        %swap3A_735 = arith.constant 688 : index
        %swap3A_736 = tpu.vector_load %arg14[%swap3A_734, %swap3A_735] {strides = array<i32>} : memref<16x768xf32, #tpu.memory_space<vmem>>, vector<1x16xf32>,
        %swap3A_737 = vector.shape_cast %swap3A_736 : vector<1x16xf32> to vector<16xf32>
        %swap3A_738 = vector.shape_cast %add3A_733 : vector<16xf32> to vector<1x16xf32>
        tpu.vector_store %arg14[%swap3A_734, %swap3A_735], %swap3A_738 {strides = array<i32>} : memref<16x768xf32, #tpu.memory_space<vmem>>, vector<1x16xf32>,
        %get3A_739 = arith.index_cast %scan3A_28 : i32 to index
        %get3A_740 = arith.constant 704 : index
        %get3A_741 = tpu.vector_load %arg10[%get3A_739, %get3A_740] {strides = array<i32>} : memref<16x768xf32, #tpu.memory_space<vmem>>, vector<1x16xf32>,
        %get3A_742 = vector.shape_cast %get3A_741 : vector<1x16xf32> to vector<16xf32>
        %mul3A_743 = arith.mulf %get3A_31, %get3A_742 : vector<16xf32>
        %get3A_744 = arith.index_cast %scan3A_28 : i32 to index
        %get3A_745 = arith.constant 704 : index
        %get3A_746 = tpu.vector_load %arg11[%get3A_744, %get3A_745] {strides = array<i32>} : memref<16x768xf32, #tpu.memory_space<vmem>>, vector<1x16xf32>,
        %get3A_747 = vector.shape_cast %get3A_746 : vector<1x16xf32> to vector<16xf32>
        %mul3A_748 = arith.mulf %get3A_35, %get3A_747 : vector<16xf32>
        %add3A_749 = arith.addf %mul3A_743, %mul3A_748 : vector<16xf32>
        %swap3A_750 = arith.index_cast %scan3A_28 : i32 to index
        %swap3A_751 = arith.constant 704 : index
        %swap3A_752 = tpu.vector_load %arg14[%swap3A_750, %swap3A_751] {strides = array<i32>} : memref<16x768xf32, #tpu.memory_space<vmem>>, vector<1x16xf32>,
        %swap3A_753 = vector.shape_cast %swap3A_752 : vector<1x16xf32> to vector<16xf32>
        %swap3A_754 = vector.shape_cast %add3A_749 : vector<16xf32> to vector<1x16xf32>
        tpu.vector_store %arg14[%swap3A_750, %swap3A_751], %swap3A_754 {strides = array<i32>} : memref<16x768xf32, #tpu.memory_space<vmem>>, vector<1x16xf32>,
        %get3A_755 = arith.index_cast %scan3A_28 : i32 to index
        %get3A_756 = arith.constant 720 : index
        %get3A_757 = tpu.vector_load %arg10[%get3A_755, %get3A_756] {strides = array<i32>} : memref<16x768xf32, #tpu.memory_space<vmem>>, vector<1x16xf32>,
        %get3A_758 = vector.shape_cast %get3A_757 : vector<1x16xf32> to vector<16xf32>
        %mul3A_759 = arith.mulf %get3A_31, %get3A_758 : vector<16xf32>
        %get3A_760 = arith.index_cast %scan3A_28 : i32 to index
        %get3A_761 = arith.constant 720 : index
        %get3A_762 = tpu.vector_load %arg11[%get3A_760, %get3A_761] {strides = array<i32>} : memref<16x768xf32, #tpu.memory_space<vmem>>, vector<1x16xf32>,
        %get3A_763 = vector.shape_cast %get3A_762 : vector<1x16xf32> to vector<16xf32>
        %mul3A_764 = arith.mulf %get3A_35, %get3A_763 : vector<16xf32>
        %add3A_765 = arith.addf %mul3A_759, %mul3A_764 : vector<16xf32>
        %swap3A_766 = arith.index_cast %scan3A_28 : i32 to index
        %swap3A_767 = arith.constant 720 : index
        %swap3A_768 = tpu.vector_load %arg14[%swap3A_766, %swap3A_767] {strides = array<i32>} : memref<16x768xf32, #tpu.memory_space<vmem>>, vector<1x16xf32>,
        %swap3A_769 = vector.shape_cast %swap3A_768 : vector<1x16xf32> to vector<16xf32>
        %swap3A_770 = vector.shape_cast %add3A_765 : vector<16xf32> to vector<1x16xf32>
        tpu.vector_store %arg14[%swap3A_766, %swap3A_767], %swap3A_770 {strides = array<i32>} : memref<16x768xf32, #tpu.memory_space<vmem>>, vector<1x16xf32>,
        %get3A_771 = arith.index_cast %scan3A_28 : i32 to index
        %get3A_772 = arith.constant 736 : index
        %get3A_773 = tpu.vector_load %arg10[%get3A_771, %get3A_772] {strides = array<i32>} : memref<16x768xf32, #tpu.memory_space<vmem>>, vector<1x16xf32>,
        %get3A_774 = vector.shape_cast %get3A_773 : vector<1x16xf32> to vector<16xf32>
        %mul3A_775 = arith.mulf %get3A_31, %get3A_774 : vector<16xf32>
        %get3A_776 = arith.index_cast %scan3A_28 : i32 to index
        %get3A_777 = arith.constant 736 : index
        %get3A_778 = tpu.vector_load %arg11[%get3A_776, %get3A_777] {strides = array<i32>} : memref<16x768xf32, #tpu.memory_space<vmem>>, vector<1x16xf32>,
        %get3A_779 = vector.shape_cast %get3A_778 : vector<1x16xf32> to vector<16xf32>
        %mul3A_780 = arith.mulf %get3A_35, %get3A_779 : vector<16xf32>
        %add3A_781 = arith.addf %mul3A_775, %mul3A_780 : vector<16xf32>
        %swap3A_782 = arith.index_cast %scan3A_28 : i32 to index
        %swap3A_783 = arith.constant 736 : index
        %swap3A_784 = tpu.vector_load %arg14[%swap3A_782, %swap3A_783] {strides = array<i32>} : memref<16x768xf32, #tpu.memory_space<vmem>>, vector<1x16xf32>,
        %swap3A_785 = vector.shape_cast %swap3A_784 : vector<1x16xf32> to vector<16xf32>
        %swap3A_786 = vector.shape_cast %add3A_781 : vector<16xf32> to vector<1x16xf32>
        tpu.vector_store %arg14[%swap3A_782, %swap3A_783], %swap3A_786 {strides = array<i32>} : memref<16x768xf32, #tpu.memory_space<vmem>>, vector<1x16xf32>,
        %get3A_787 = arith.index_cast %scan3A_28 : i32 to index
        %get3A_788 = arith.constant 752 : index
        %get3A_789 = tpu.vector_load %arg10[%get3A_787, %get3A_788] {strides = array<i32>} : memref<16x768xf32, #tpu.memory_space<vmem>>, vector<1x16xf32>,
        %get3A_790 = vector.shape_cast %get3A_789 : vector<1x16xf32> to vector<16xf32>
        %mul3A_791 = arith.mulf %get3A_31, %get3A_790 : vector<16xf32>
        %get3A_792 = arith.index_cast %scan3A_28 : i32 to index
        %get3A_793 = arith.constant 752 : index
        %get3A_794 = tpu.vector_load %arg11[%get3A_792, %get3A_793] {strides = array<i32>} : memref<16x768xf32, #tpu.memory_space<vmem>>, vector<1x16xf32>,
        %get3A_795 = vector.shape_cast %get3A_794 : vector<1x16xf32> to vector<16xf32>
        %mul3A_796 = arith.mulf %get3A_35, %get3A_795 : vector<16xf32>
        %add3A_797 = arith.addf %mul3A_791, %mul3A_796 : vector<16xf32>
        %swap3A_798 = arith.index_cast %scan3A_28 : i32 to index
        %swap3A_799 = arith.constant 752 : index
        %swap3A_800 = tpu.vector_load %arg14[%swap3A_798, %swap3A_799] {strides = array<i32>} : memref<16x768xf32, #tpu.memory_space<vmem>>, vector<1x16xf32>,
        %swap3A_801 = vector.shape_cast %swap3A_800 : vector<1x16xf32> to vector<16xf32>
        %swap3A_802 = vector.shape_cast %add3A_797 : vector<16xf32> to vector<1x16xf32>
        tpu.vector_store %arg14[%swap3A_798, %swap3A_799], %swap3A_802 {strides = array<i32>} : memref<16x768xf32, #tpu.memory_space<vmem>>, vector<1x16xf32>,
      }
      %scan3A_27 = arith.constant 16 : i32
      "tpu.region"() ({
        %run_scoped3A = tpu.sem_alloc : memref<!tpu.dma_semaphore, #tpu.memory_space<semaphore_mem>>
        %dma_start3A_28 = arith.constant 0 : i32
        %dma_start3A_29 = tpu.memref_slice %arg7[%add3A_11, %dma_start3A_28] : memref<2048x768xf32, #tpu.memory_space<hbm>> -> memref<16x768xf32, #tpu.memory_space<hbm>>
        %dma_start3A_30 = arith.constant 0 : i32
        %dma_start3A_31 = tpu.memref_slice %arg7[%add3A_11, %dma_start3A_30] : memref<2048x768xf32, #tpu.memory_space<hbm>> -> memref<16x768xf32, #tpu.memory_space<hbm>>
        tpu.enqueue_dma source(%arg14 : memref<16x768xf32, #tpu.memory_space<vmem>>) target(%dma_start3A_31 : memref<16x768xf32, #tpu.memory_space<hbm>>) target_semaphore(%run_scoped3A : memref<!tpu.dma_semaphore, #tpu.memory_space<semaphore_mem>>)
        %dma_wait3A_32 = arith.constant 0 : i32
        %dma_wait3A_33 = tpu.memref_slice %arg7[%add3A_11, %dma_wait3A_32] : memref<2048x768xf32, #tpu.memory_space<hbm>> -> memref<16x768xf32, #tpu.memory_space<hbm>>
        %dma_wait3A_34 = arith.constant 0 : i32
        %dma_wait3A_35 = tpu.memref_slice %arg7[%add3A_11, %dma_wait3A_34] : memref<2048x768xf32, #tpu.memory_space<hbm>> -> memref<16x768xf32, #tpu.memory_space<hbm>>
        tpu.wait_dma2 semaphore(%run_scoped3A : memref<!tpu.dma_semaphore, #tpu.memory_space<semaphore_mem>>) src(%arg14 : memref<16x768xf32, #tpu.memory_space<vmem>>) dst(%dma_wait3A_35 : memref<16x768xf32, #tpu.memory_space<hbm>>)
        tpu.yield
      }) : () -> ()
    }
    %scan3A_5 = arith.constant 4 : i32
    return
  }
}

#map = affine_map<(d0, d1) -> (0, 0)>
#map1 = affine_map<(d0, d1) -> (0)>
module attributes {stable_mosaic.version = 14 : i64} {
  func.func @_dispatch_body(%arg0: i32, %arg1: i32, %arg2: memref<2048x768xf32, #tpu.memory_space<hbm>>, %arg3: memref<2048xi32, #tpu.memory_space<hbm>>, %arg4: memref<2048xi32, #tpu.memory_space<hbm>>, %arg5: memref<5120x768xf32, #tpu.memory_space<hbm>>, %arg6: memref<64x768xf32, #tpu.memory_space<vmem>>, %arg7: memref<64xi32, #tpu.memory_space<vmem>>, %arg8: memref<64xi32, #tpu.memory_space<vmem>>, %arg9: memref<!tpu.dma_semaphore, #tpu.memory_space<semaphore_mem>>, %arg10: memref<!tpu.dma_semaphore, #tpu.memory_space<semaphore_mem>>) attributes {dimension_semantics = [#tpu.dimension_semantics<core_parallel>, #tpu.dimension_semantics<subcore_parallel>], iteration_bounds = array<i64: 2, 16>, scalar_prefetch = 0 : i64, scratch_operands = 5 : i64, tpu.core_type = #tpu.core_type<sc_vector_subcore>, window_params = [{transform_indices = #map}, {transform_indices = #map1}, {transform_indices = #map1}, {transform_indices = #map}]} {
    %mul3A = arith.constant 2 : i32
    %mul3A_0 = arith.muli %arg1, %mul3A : i32
    %add3A = arith.addi %mul3A_0, %arg0 : i32
    %mul3A_1 = arith.constant 64 : i32
    %mul3A_2 = arith.muli %add3A, %mul3A_1 : i32
    "tpu.region"() ({
      %run_scoped3A = tpu.sem_alloc : memref<!tpu.dma_semaphore, #tpu.memory_space<semaphore_mem>>
      %dma_start3A_13 = arith.constant 0 : i32
      %dma_start3A_14 = tpu.memref_slice %arg2[%mul3A_2, %dma_start3A_13] : memref<2048x768xf32, #tpu.memory_space<hbm>> -> memref<64x768xf32, #tpu.memory_space<hbm>>
      %dma_start3A_15 = arith.constant 0 : i32
      %dma_start3A_16 = tpu.memref_slice %arg2[%mul3A_2, %dma_start3A_15] : memref<2048x768xf32, #tpu.memory_space<hbm>> -> memref<64x768xf32, #tpu.memory_space<hbm>>
      tpu.enqueue_dma source(%dma_start3A_16 : memref<64x768xf32, #tpu.memory_space<hbm>>) target(%arg6 : memref<64x768xf32, #tpu.memory_space<vmem>>) target_semaphore(%run_scoped3A : memref<!tpu.dma_semaphore, #tpu.memory_space<semaphore_mem>>)
      %dma_wait3A_17 = arith.constant 0 : i32
      %dma_wait3A_18 = tpu.memref_slice %arg2[%mul3A_2, %dma_wait3A_17] : memref<2048x768xf32, #tpu.memory_space<hbm>> -> memref<64x768xf32, #tpu.memory_space<hbm>>
      %dma_wait3A_19 = arith.constant 0 : i32
      %dma_wait3A_20 = tpu.memref_slice %arg2[%mul3A_2, %dma_wait3A_19] : memref<2048x768xf32, #tpu.memory_space<hbm>> -> memref<64x768xf32, #tpu.memory_space<hbm>>
      tpu.wait_dma2 semaphore(%run_scoped3A : memref<!tpu.dma_semaphore, #tpu.memory_space<semaphore_mem>>) src(%dma_wait3A_20 : memref<64x768xf32, #tpu.memory_space<hbm>>) dst(%arg6 : memref<64x768xf32, #tpu.memory_space<vmem>>)
      tpu.yield
    }) : () -> ()
    "tpu.region"() ({
      %run_scoped3A = tpu.sem_alloc : memref<!tpu.dma_semaphore, #tpu.memory_space<semaphore_mem>>
      %dma_start3A_13 = tpu.memref_slice %arg3[%mul3A_2] : memref<2048xi32, #tpu.memory_space<hbm>> -> memref<64xi32, #tpu.memory_space<hbm>>
      %dma_start3A_14 = tpu.memref_slice %arg3[%mul3A_2] : memref<2048xi32, #tpu.memory_space<hbm>> -> memref<64xi32, #tpu.memory_space<hbm>>
      tpu.enqueue_dma source(%dma_start3A_14 : memref<64xi32, #tpu.memory_space<hbm>>) target(%arg7 : memref<64xi32, #tpu.memory_space<vmem>>) target_semaphore(%run_scoped3A : memref<!tpu.dma_semaphore, #tpu.memory_space<semaphore_mem>>)
      %dma_wait3A_15 = tpu.memref_slice %arg3[%mul3A_2] : memref<2048xi32, #tpu.memory_space<hbm>> -> memref<64xi32, #tpu.memory_space<hbm>>
      %dma_wait3A_16 = tpu.memref_slice %arg3[%mul3A_2] : memref<2048xi32, #tpu.memory_space<hbm>> -> memref<64xi32, #tpu.memory_space<hbm>>
      tpu.wait_dma2 semaphore(%run_scoped3A : memref<!tpu.dma_semaphore, #tpu.memory_space<semaphore_mem>>) src(%dma_wait3A_16 : memref<64xi32, #tpu.memory_space<hbm>>) dst(%arg7 : memref<64xi32, #tpu.memory_space<vmem>>)
      tpu.yield
    }) : () -> ()
    "tpu.region"() ({
      %run_scoped3A = tpu.sem_alloc : memref<!tpu.dma_semaphore, #tpu.memory_space<semaphore_mem>>
      %dma_start3A_13 = tpu.memref_slice %arg4[%mul3A_2] : memref<2048xi32, #tpu.memory_space<hbm>> -> memref<64xi32, #tpu.memory_space<hbm>>
      %dma_start3A_14 = tpu.memref_slice %arg4[%mul3A_2] : memref<2048xi32, #tpu.memory_space<hbm>> -> memref<64xi32, #tpu.memory_space<hbm>>
      tpu.enqueue_dma source(%dma_start3A_14 : memref<64xi32, #tpu.memory_space<hbm>>) target(%arg8 : memref<64xi32, #tpu.memory_space<vmem>>) target_semaphore(%run_scoped3A : memref<!tpu.dma_semaphore, #tpu.memory_space<semaphore_mem>>)
      %dma_wait3A_15 = tpu.memref_slice %arg4[%mul3A_2] : memref<2048xi32, #tpu.memory_space<hbm>> -> memref<64xi32, #tpu.memory_space<hbm>>
      %dma_wait3A_16 = tpu.memref_slice %arg4[%mul3A_2] : memref<2048xi32, #tpu.memory_space<hbm>> -> memref<64xi32, #tpu.memory_space<hbm>>
      tpu.wait_dma2 semaphore(%run_scoped3A : memref<!tpu.dma_semaphore, #tpu.memory_space<semaphore_mem>>) src(%dma_wait3A_16 : memref<64xi32, #tpu.memory_space<hbm>>) dst(%arg8 : memref<64xi32, #tpu.memory_space<vmem>>)
      tpu.yield
    }) : () -> ()
    %dma_start3A = arith.constant 0 : i32
    %dma_start3A_3 = arith.constant 0 : i32
    %dma_start3A_4 = tpu.memref_slice %arg5[%dma_start3A, %dma_start3A_3] : memref<5120x768xf32, #tpu.memory_space<hbm>> -> memref<5120x768xf32, #tpu.memory_space<hbm>>
    tpu.enqueue_indirect_dma source(%arg6 : memref<64x768xf32, #tpu.memory_space<vmem>>) target(%dma_start3A_4 : memref<5120x768xf32, #tpu.memory_space<hbm>>) offsets(%arg7 : memref<64xi32, #tpu.memory_space<vmem>>) semaphore(%arg9 : memref<!tpu.dma_semaphore, #tpu.memory_space<semaphore_mem>>)
    %dma_start3A_5 = arith.constant 0 : i32
    %dma_start3A_6 = arith.constant 0 : i32
    %dma_start3A_7 = tpu.memref_slice %arg5[%dma_start3A_5, %dma_start3A_6] : memref<5120x768xf32, #tpu.memory_space<hbm>> -> memref<5120x768xf32, #tpu.memory_space<hbm>>
    tpu.enqueue_indirect_dma source(%arg6 : memref<64x768xf32, #tpu.memory_space<vmem>>) target(%dma_start3A_7 : memref<5120x768xf32, #tpu.memory_space<hbm>>) offsets(%arg8 : memref<64xi32, #tpu.memory_space<vmem>>) semaphore(%arg10 : memref<!tpu.dma_semaphore, #tpu.memory_space<semaphore_mem>>)
    %dma_wait3A = arith.constant 0 : i32
    %dma_wait3A_8 = arith.constant 0 : i32
    %dma_wait3A_9 = tpu.memref_slice %arg5[%dma_wait3A, %dma_wait3A_8] : memref<5120x768xf32, #tpu.memory_space<hbm>> -> memref<5120x768xf32, #tpu.memory_space<hbm>>
    tpu.wait_indirect_dma semaphore(%arg9 : memref<!tpu.dma_semaphore, #tpu.memory_space<semaphore_mem>>) src(%arg6 : memref<64x768xf32, #tpu.memory_space<vmem>>) dst(%dma_wait3A_9 : memref<5120x768xf32, #tpu.memory_space<hbm>>)
    %dma_wait3A_10 = arith.constant 0 : i32
    %dma_wait3A_11 = arith.constant 0 : i32
    %dma_wait3A_12 = tpu.memref_slice %arg5[%dma_wait3A_10, %dma_wait3A_11] : memref<5120x768xf32, #tpu.memory_space<hbm>> -> memref<5120x768xf32, #tpu.memory_space<hbm>>
    tpu.wait_indirect_dma semaphore(%arg10 : memref<!tpu.dma_semaphore, #tpu.memory_space<semaphore_mem>>) src(%arg6 : memref<64x768xf32, #tpu.memory_space<vmem>>) dst(%dma_wait3A_12 : memref<5120x768xf32, #tpu.memory_space<hbm>>)
    return
  }
}

module attributes {stable_mosaic.version = 14 : i64} {
  func.func @_router_body(%arg0: memref<2048x768xf32, #tpu.memory_space<vmem>>, %arg1: memref<8x768xf32, #tpu.memory_space<vmem>>, %arg2: memref<2048x1xi32, #tpu.memory_space<vmem>>, %arg3: memref<2048x1xi32, #tpu.memory_space<vmem>>, %arg4: memref<2048x16xf32, #tpu.memory_space<vmem>>, %arg5: memref<2048x16xf32, #tpu.memory_space<vmem>>, %arg6: memref<128x1xi32, #tpu.memory_space<vmem>>, %arg7: memref<128x1xi32, #tpu.memory_space<vmem>>, %arg8: memref<1x1xf32, #tpu.memory_space<vmem>>) attributes {dimension_semantics = [], scalar_prefetch = 0 : i64, scratch_operands = 0 : i64, tpu.core_type = #tpu.core_type<tc>} {
    %get3A = arith.constant 0 : index
    %get3A_0 = arith.constant 0 : index
    %get3A_1 = vector.load %arg0[%get3A, %get3A_0] : memref<2048x768xf32, #tpu.memory_space<vmem>>, vector<2048x768xf32>
    %get3A_2 = arith.constant 0 : index
    %get3A_3 = arith.constant 0 : index
    %get3A_4 = vector.load %arg1[%get3A_2, %get3A_3] : memref<8x768xf32, #tpu.memory_space<vmem>>, vector<8x768xf32>
    %dot_general3A = arith.constant dense<0.000000e+00> : vector<2048x8xf32>
    %dot_general3A_5 = tpu.matmul %get3A_1, %get3A_4, %dot_general3A {dimension_numbers = #tpu.dot_dimension_numbers<[1], [1], [0], [0], [0, 0, 1, 0], [], []>, transpose_lhs_hint = false} : vector<2048x768xf32>, vector<8x768xf32>, vector<2048x8xf32> -> vector<2048x8xf32>
    %reduce_max3A = arith.constant dense<0xFF800000> : vector<2048xf32>
    %reduce_max3A_6 = vector.multi_reduction <maximumf>, %dot_general3A_5, %reduce_max3A [1] : vector<2048x8xf32> to vector<2048xf32>
    %broadcast_in_dim3A = vector.shape_cast %reduce_max3A_6 : vector<2048xf32> to vector<2048x1xf32>
    %sub3A = vector.broadcast %broadcast_in_dim3A : vector<2048x1xf32> to vector<2048x8xf32>
    %sub3A_7 = arith.subf %dot_general3A_5, %sub3A : vector<2048x8xf32>
    %exp3A = math.exp %sub3A_7 : vector<2048x8xf32>
    %reduce_sum3A = arith.constant dense<0.000000e+00> : vector<2048xf32>
    %reduce_sum3A_8 = vector.multi_reduction <add>, %exp3A, %reduce_sum3A [1] : vector<2048x8xf32> to vector<2048xf32>
    %broadcast_in_dim3A_9 = vector.shape_cast %reduce_sum3A_8 : vector<2048xf32> to vector<2048x1xf32>
    %div3A = vector.broadcast %broadcast_in_dim3A_9 : vector<2048x1xf32> to vector<2048x8xf32>
    %div3A_10 = arith.divf %exp3A, %div3A : vector<2048x8xf32>
    %iota3A = tpu.iota {dimensions = array<i32: 1>} : vector<2048x8xi32>
    %reduce_max3A_11 = arith.constant dense<0xFF800000> : vector<2048xf32>
    %reduce_max3A_12 = vector.multi_reduction <maximumf>, %div3A_10, %reduce_max3A_11 [1] : vector<2048x8xf32> to vector<2048xf32>
    %broadcast_in_dim3A_13 = vector.shape_cast %reduce_max3A_12 : vector<2048xf32> to vector<2048x1xf32>
    %eq3A = vector.broadcast %broadcast_in_dim3A_13 : vector<2048x1xf32> to vector<2048x8xf32>
    %eq3A_14 = arith.cmpf oeq, %div3A_10, %eq3A : vector<2048x8xf32>
    %jit3A = arith.constant 8 : i32
    %broadcast_in_dim3A_15 = vector.broadcast %jit3A : i32 to vector<2048x8xi32>
    %select_n3A = arith.select %eq3A_14, %iota3A, %broadcast_in_dim3A_15 : vector<2048x8xi1>, vector<2048x8xi32>
    %reduce_min3A = arith.constant dense<2147483647> : vector<2048xi32>
    %reduce_min3A_16 = vector.multi_reduction <minsi>, %select_n3A, %reduce_min3A [1] : vector<2048x8xi32> to vector<2048xi32>
    %broadcast_in_dim3A_17 = vector.shape_cast %reduce_min3A_16 : vector<2048xi32> to vector<2048x1xi32>
    %eq3A_18 = vector.broadcast %broadcast_in_dim3A_17 : vector<2048x1xi32> to vector<2048x8xi32>
    %eq3A_19 = arith.cmpi eq, %iota3A, %eq3A_18 : vector<2048x8xi32>
    %jit3A_20 = arith.constant -1.000000e+00 : f32
    %broadcast_in_dim3A_21 = vector.broadcast %jit3A_20 : f32 to vector<2048x8xf32>
    %select_n3A_22 = arith.select %eq3A_19, %broadcast_in_dim3A_21, %div3A_10 : vector<2048x8xi1>, vector<2048x8xf32>
    %reduce_max3A_23 = arith.constant dense<0xFF800000> : vector<2048xf32>
    %reduce_max3A_24 = vector.multi_reduction <maximumf>, %select_n3A_22, %reduce_max3A_23 [1] : vector<2048x8xf32> to vector<2048xf32>
    %broadcast_in_dim3A_25 = vector.shape_cast %reduce_max3A_24 : vector<2048xf32> to vector<2048x1xf32>
    %eq3A_26 = vector.broadcast %broadcast_in_dim3A_25 : vector<2048x1xf32> to vector<2048x8xf32>
    %eq3A_27 = arith.cmpf oeq, %select_n3A_22, %eq3A_26 : vector<2048x8xf32>
    %jit3A_28 = arith.constant 8 : i32
    %broadcast_in_dim3A_29 = vector.broadcast %jit3A_28 : i32 to vector<2048x8xi32>
    %select_n3A_30 = arith.select %eq3A_27, %iota3A, %broadcast_in_dim3A_29 : vector<2048x8xi1>, vector<2048x8xi32>
    %reduce_min3A_31 = arith.constant dense<2147483647> : vector<2048xi32>
    %reduce_min3A_32 = vector.multi_reduction <minsi>, %select_n3A_30, %reduce_min3A_31 [1] : vector<2048x8xi32> to vector<2048xi32>
    %broadcast_in_dim3A_33 = vector.shape_cast %reduce_min3A_32 : vector<2048xi32> to vector<2048x1xi32>
    %eq3A_34 = vector.broadcast %broadcast_in_dim3A_33 : vector<2048x1xi32> to vector<2048x8xi32>
    %eq3A_35 = arith.cmpi eq, %iota3A, %eq3A_34 : vector<2048x8xi32>
    %add3A = arith.addf %broadcast_in_dim3A_13, %broadcast_in_dim3A_25 : vector<2048x1xf32>
    %div3A_36 = arith.divf %broadcast_in_dim3A_13, %add3A : vector<2048x1xf32>
    %broadcast_in_dim3A_37 = vector.shape_cast %div3A_36 : vector<2048x1xf32> to vector<2048x1xf32>
    %broadcast_in_dim3A_38 = vector.broadcast %broadcast_in_dim3A_37 : vector<2048x1xf32> to vector<2048x16xf32>
    %swap3A = arith.constant 0 : index
    %swap3A_39 = arith.constant 0 : index
    %swap3A_40 = vector.load %arg4[%swap3A, %swap3A_39] : memref<2048x16xf32, #tpu.memory_space<vmem>>, vector<2048x16xf32>
    tpu.vector_store %arg4[%swap3A, %swap3A_39], %broadcast_in_dim3A_38 {strides = array<i32>} : memref<2048x16xf32, #tpu.memory_space<vmem>>, vector<2048x16xf32>,
    %div3A_41 = arith.divf %broadcast_in_dim3A_25, %add3A : vector<2048x1xf32>
    %broadcast_in_dim3A_42 = vector.shape_cast %div3A_41 : vector<2048x1xf32> to vector<2048x1xf32>
    %broadcast_in_dim3A_43 = vector.broadcast %broadcast_in_dim3A_42 : vector<2048x1xf32> to vector<2048x16xf32>
    %swap3A_44 = arith.constant 0 : index
    %swap3A_45 = arith.constant 0 : index
    %swap3A_46 = vector.load %arg5[%swap3A_44, %swap3A_45] : memref<2048x16xf32, #tpu.memory_space<vmem>>, vector<2048x16xf32>
    tpu.vector_store %arg5[%swap3A_44, %swap3A_45], %broadcast_in_dim3A_43 {strides = array<i32>} : memref<2048x16xf32, #tpu.memory_space<vmem>>, vector<2048x16xf32>,
    %reduce_sum3A_47 = arith.constant dense<0.000000e+00> : vector<8xf32>
    %reduce_sum3A_48 = vector.multi_reduction <add>, %div3A_10, %reduce_sum3A_47 [0] : vector<2048x8xf32> to vector<8xf32>
    %broadcast_in_dim3A_49 = vector.shape_cast %reduce_sum3A_48 : vector<8xf32> to vector<1x8xf32>
    %mul3A = arith.constant 4.8828125E-4 : f32
    %mul3A_50 = vector.broadcast %mul3A : f32 to vector<1x8xf32>
    %mul3A_51 = arith.mulf %broadcast_in_dim3A_49, %mul3A_50 : vector<1x8xf32>
    %gt3A = arith.constant 0.000000e+00 : f32
    %gt3A_52 = vector.broadcast %gt3A : f32 to vector<2048x8xf32>
    %gt3A_53 = arith.cmpf ogt, %div3A_10, %gt3A_52 : vector<2048x8xf32>
    %convert_element_type3A = arith.extui %gt3A_53 : vector<2048x8xi1> to vector<2048x8xi32>
    %convert_element_type3A_54 = arith.sitofp %convert_element_type3A : vector<2048x8xi32> to vector<2048x8xf32>
    %reduce_sum3A_55 = arith.constant dense<0.000000e+00> : vector<8xf32>
    %reduce_sum3A_56 = vector.multi_reduction <add>, %convert_element_type3A_54, %reduce_sum3A_55 [0] : vector<2048x8xf32> to vector<8xf32>
    %broadcast_in_dim3A_57 = vector.shape_cast %reduce_sum3A_56 : vector<8xf32> to vector<1x8xf32>
    %mul3A_58 = arith.constant 4.8828125E-4 : f32
    %mul3A_59 = vector.broadcast %mul3A_58 : f32 to vector<1x8xf32>
    %mul3A_60 = arith.mulf %broadcast_in_dim3A_57, %mul3A_59 : vector<1x8xf32>
    %mul3A_61 = arith.mulf %mul3A_51, %mul3A_60 : vector<1x8xf32>
    %reduce_sum3A_62 = vector.shape_cast %mul3A_61 : vector<1x8xf32> to vector<1x1x8xf32>
    %reduce_sum3A_63 = arith.constant dense<0.000000e+00> : vector<1xf32>
    %reduce_sum3A_64 = vector.multi_reduction <add>, %reduce_sum3A_62, %reduce_sum3A_63 [1, 2] : vector<1x1x8xf32> to vector<1xf32>
    %reduce_sum3A_65 = vector.shape_cast %reduce_sum3A_64 : vector<1xf32> to vector<1x1x1xf32>
    %reduce_sum3A_66 = vector.extract %reduce_sum3A_65[0, 0, 0] : f32 from vector<1x1x1xf32>
    %reshape3A = vector.broadcast %reduce_sum3A_66 : f32 to vector<1x1xf32>
    %mul3A_67 = arith.constant 8.000000e-02 : f32
    %mul3A_68 = vector.broadcast %mul3A_67 : f32 to vector<1x1xf32>
    %mul3A_69 = arith.mulf %reshape3A, %mul3A_68 : vector<1x1xf32>
    %swap3A_70 = arith.constant 0 : index
    %swap3A_71 = arith.constant 0 : index
    %swap3A_72 = vector.load %arg8[%swap3A_70, %swap3A_71] : memref<1x1xf32, #tpu.memory_space<vmem>>, vector<1x1xf32>
    tpu.vector_store %arg8[%swap3A_70, %swap3A_71], %mul3A_69 {strides = array<i32>} : memref<1x1xf32, #tpu.memory_space<vmem>>, vector<1x1xf32>,
    %convert_element_type3A_73 = arith.extui %eq3A_19 : vector<2048x8xi1> to vector<2048x8xi32>
    %convert_element_type3A_74 = arith.sitofp %convert_element_type3A_73 : vector<2048x8xi32> to vector<2048x8xf32>
    %convert_element_type3A_75 = arith.extui %eq3A_35 : vector<2048x8xi1> to vector<2048x8xi32>
    %convert_element_type3A_76 = arith.sitofp %convert_element_type3A_75 : vector<2048x8xi32> to vector<2048x8xf32>
    %add3A_77 = arith.addf %convert_element_type3A_74, %convert_element_type3A_76 : vector<2048x8xf32>
    %iota3A_78 = tpu.iota {dimensions = array<i32: 0>} : vector<256x256xi32>
    %iota3A_79 = tpu.iota {dimensions = array<i32: 1>} : vector<256x256xi32>
    %lt3A = arith.cmpi slt, %iota3A_79, %iota3A_78 : vector<256x256xi32>
    %convert_element_type3A_80 = arith.extui %lt3A : vector<256x256xi1> to vector<256x256xi32>
    %convert_element_type3A_81 = arith.sitofp %convert_element_type3A_80 : vector<256x256xi32> to vector<256x256xf32>
    %broadcast_in_dim3A_82 = arith.constant 0.000000e+00 : f32
    %broadcast_in_dim3A_83 = vector.broadcast %broadcast_in_dim3A_82 : f32 to vector<1x8xf32>
    %slice3A = vector.extract_strided_slice %add3A_77 {offsets = [0, 0], sizes = [256, 8], strides = [1, 1]} : vector<2048x8xf32> to vector<256x8xf32>
    %dot_general3A_84 = arith.constant dense<0.000000e+00> : vector<256x8xf32>
    %dot_general3A_85 = tpu.matmul %convert_element_type3A_81, %slice3A, %dot_general3A_84 {dimension_numbers = #tpu.dot_dimension_numbers<[1], [0], [0], [1], [0, 0, 1, 1], [], []>, transpose_lhs_hint = false} : vector<256x256xf32>, vector<256x8xf32>, vector<256x8xf32> -> vector<256x8xf32>
    %add3A_86 = vector.broadcast %broadcast_in_dim3A_83 : vector<1x8xf32> to vector<256x8xf32>
    %add3A_87 = arith.addf %dot_general3A_85, %add3A_86 : vector<256x8xf32>
    %reduce_sum3A_88 = arith.constant dense<0.000000e+00> : vector<8xf32>
    %reduce_sum3A_89 = vector.multi_reduction <add>, %slice3A, %reduce_sum3A_88 [0] : vector<256x8xf32> to vector<8xf32>
    %broadcast_in_dim3A_90 = vector.shape_cast %reduce_sum3A_89 : vector<8xf32> to vector<1x8xf32>
    %add3A_91 = arith.addf %broadcast_in_dim3A_83, %broadcast_in_dim3A_90 : vector<1x8xf32>
    %slice3A_92 = vector.extract_strided_slice %add3A_77 {offsets = [256, 0], sizes = [256, 8], strides = [1, 1]} : vector<2048x8xf32> to vector<256x8xf32>
    %dot_general3A_93 = arith.constant dense<0.000000e+00> : vector<256x8xf32>
    %dot_general3A_94 = tpu.matmul %convert_element_type3A_81, %slice3A_92, %dot_general3A_93 {dimension_numbers = #tpu.dot_dimension_numbers<[1], [0], [0], [1], [0, 0, 1, 1], [], []>, transpose_lhs_hint = false} : vector<256x256xf32>, vector<256x8xf32>, vector<256x8xf32> -> vector<256x8xf32>
    %add3A_95 = vector.broadcast %add3A_91 : vector<1x8xf32> to vector<256x8xf32>
    %add3A_96 = arith.addf %dot_general3A_94, %add3A_95 : vector<256x8xf32>
    %reduce_sum3A_97 = arith.constant dense<0.000000e+00> : vector<8xf32>
    %reduce_sum3A_98 = vector.multi_reduction <add>, %slice3A_92, %reduce_sum3A_97 [0] : vector<256x8xf32> to vector<8xf32>
    %broadcast_in_dim3A_99 = vector.shape_cast %reduce_sum3A_98 : vector<8xf32> to vector<1x8xf32>
    %add3A_100 = arith.addf %add3A_91, %broadcast_in_dim3A_99 : vector<1x8xf32>
    %slice3A_101 = vector.extract_strided_slice %add3A_77 {offsets = [512, 0], sizes = [256, 8], strides = [1, 1]} : vector<2048x8xf32> to vector<256x8xf32>
    %dot_general3A_102 = arith.constant dense<0.000000e+00> : vector<256x8xf32>
    %dot_general3A_103 = tpu.matmul %convert_element_type3A_81, %slice3A_101, %dot_general3A_102 {dimension_numbers = #tpu.dot_dimension_numbers<[1], [0], [0], [1], [0, 0, 1, 1], [], []>, transpose_lhs_hint = false} : vector<256x256xf32>, vector<256x8xf32>, vector<256x8xf32> -> vector<256x8xf32>
    %add3A_104 = vector.broadcast %add3A_100 : vector<1x8xf32> to vector<256x8xf32>
    %add3A_105 = arith.addf %dot_general3A_103, %add3A_104 : vector<256x8xf32>
    %reduce_sum3A_106 = arith.constant dense<0.000000e+00> : vector<8xf32>
    %reduce_sum3A_107 = vector.multi_reduction <add>, %slice3A_101, %reduce_sum3A_106 [0] : vector<256x8xf32> to vector<8xf32>
    %broadcast_in_dim3A_108 = vector.shape_cast %reduce_sum3A_107 : vector<8xf32> to vector<1x8xf32>
    %add3A_109 = arith.addf %add3A_100, %broadcast_in_dim3A_108 : vector<1x8xf32>
    %slice3A_110 = vector.extract_strided_slice %add3A_77 {offsets = [768, 0], sizes = [256, 8], strides = [1, 1]} : vector<2048x8xf32> to vector<256x8xf32>
    %dot_general3A_111 = arith.constant dense<0.000000e+00> : vector<256x8xf32>
    %dot_general3A_112 = tpu.matmul %convert_element_type3A_81, %slice3A_110, %dot_general3A_111 {dimension_numbers = #tpu.dot_dimension_numbers<[1], [0], [0], [1], [0, 0, 1, 1], [], []>, transpose_lhs_hint = false} : vector<256x256xf32>, vector<256x8xf32>, vector<256x8xf32> -> vector<256x8xf32>
    %add3A_113 = vector.broadcast %add3A_109 : vector<1x8xf32> to vector<256x8xf32>
    %add3A_114 = arith.addf %dot_general3A_112, %add3A_113 : vector<256x8xf32>
    %reduce_sum3A_115 = arith.constant dense<0.000000e+00> : vector<8xf32>
    %reduce_sum3A_116 = vector.multi_reduction <add>, %slice3A_110, %reduce_sum3A_115 [0] : vector<256x8xf32> to vector<8xf32>
    %broadcast_in_dim3A_117 = vector.shape_cast %reduce_sum3A_116 : vector<8xf32> to vector<1x8xf32>
    %add3A_118 = arith.addf %add3A_109, %broadcast_in_dim3A_117 : vector<1x8xf32>
    %slice3A_119 = vector.extract_strided_slice %add3A_77 {offsets = [1024, 0], sizes = [256, 8], strides = [1, 1]} : vector<2048x8xf32> to vector<256x8xf32>
    %dot_general3A_120 = arith.constant dense<0.000000e+00> : vector<256x8xf32>
    %dot_general3A_121 = tpu.matmul %convert_element_type3A_81, %slice3A_119, %dot_general3A_120 {dimension_numbers = #tpu.dot_dimension_numbers<[1], [0], [0], [1], [0, 0, 1, 1], [], []>, transpose_lhs_hint = false} : vector<256x256xf32>, vector<256x8xf32>, vector<256x8xf32> -> vector<256x8xf32>
    %add3A_122 = vector.broadcast %add3A_118 : vector<1x8xf32> to vector<256x8xf32>
    %add3A_123 = arith.addf %dot_general3A_121, %add3A_122 : vector<256x8xf32>
    %reduce_sum3A_124 = arith.constant dense<0.000000e+00> : vector<8xf32>
    %reduce_sum3A_125 = vector.multi_reduction <add>, %slice3A_119, %reduce_sum3A_124 [0] : vector<256x8xf32> to vector<8xf32>
    %broadcast_in_dim3A_126 = vector.shape_cast %reduce_sum3A_125 : vector<8xf32> to vector<1x8xf32>
    %add3A_127 = arith.addf %add3A_118, %broadcast_in_dim3A_126 : vector<1x8xf32>
    %slice3A_128 = vector.extract_strided_slice %add3A_77 {offsets = [1280, 0], sizes = [256, 8], strides = [1, 1]} : vector<2048x8xf32> to vector<256x8xf32>
    %dot_general3A_129 = arith.constant dense<0.000000e+00> : vector<256x8xf32>
    %dot_general3A_130 = tpu.matmul %convert_element_type3A_81, %slice3A_128, %dot_general3A_129 {dimension_numbers = #tpu.dot_dimension_numbers<[1], [0], [0], [1], [0, 0, 1, 1], [], []>, transpose_lhs_hint = false} : vector<256x256xf32>, vector<256x8xf32>, vector<256x8xf32> -> vector<256x8xf32>
    %add3A_131 = vector.broadcast %add3A_127 : vector<1x8xf32> to vector<256x8xf32>
    %add3A_132 = arith.addf %dot_general3A_130, %add3A_131 : vector<256x8xf32>
    %reduce_sum3A_133 = arith.constant dense<0.000000e+00> : vector<8xf32>
    %reduce_sum3A_134 = vector.multi_reduction <add>, %slice3A_128, %reduce_sum3A_133 [0] : vector<256x8xf32> to vector<8xf32>
    %broadcast_in_dim3A_135 = vector.shape_cast %reduce_sum3A_134 : vector<8xf32> to vector<1x8xf32>
    %add3A_136 = arith.addf %add3A_127, %broadcast_in_dim3A_135 : vector<1x8xf32>
    %slice3A_137 = vector.extract_strided_slice %add3A_77 {offsets = [1536, 0], sizes = [256, 8], strides = [1, 1]} : vector<2048x8xf32> to vector<256x8xf32>
    %dot_general3A_138 = arith.constant dense<0.000000e+00> : vector<256x8xf32>
    %dot_general3A_139 = tpu.matmul %convert_element_type3A_81, %slice3A_137, %dot_general3A_138 {dimension_numbers = #tpu.dot_dimension_numbers<[1], [0], [0], [1], [0, 0, 1, 1], [], []>, transpose_lhs_hint = false} : vector<256x256xf32>, vector<256x8xf32>, vector<256x8xf32> -> vector<256x8xf32>
    %add3A_140 = vector.broadcast %add3A_136 : vector<1x8xf32> to vector<256x8xf32>
    %add3A_141 = arith.addf %dot_general3A_139, %add3A_140 : vector<256x8xf32>
    %reduce_sum3A_142 = arith.constant dense<0.000000e+00> : vector<8xf32>
    %reduce_sum3A_143 = vector.multi_reduction <add>, %slice3A_137, %reduce_sum3A_142 [0] : vector<256x8xf32> to vector<8xf32>
    %broadcast_in_dim3A_144 = vector.shape_cast %reduce_sum3A_143 : vector<8xf32> to vector<1x8xf32>
    %add3A_145 = arith.addf %add3A_136, %broadcast_in_dim3A_144 : vector<1x8xf32>
    %slice3A_146 = vector.extract_strided_slice %add3A_77 {offsets = [1792, 0], sizes = [256, 8], strides = [1, 1]} : vector<2048x8xf32> to vector<256x8xf32>
    %dot_general3A_147 = arith.constant dense<0.000000e+00> : vector<256x8xf32>
    %dot_general3A_148 = tpu.matmul %convert_element_type3A_81, %slice3A_146, %dot_general3A_147 {dimension_numbers = #tpu.dot_dimension_numbers<[1], [0], [0], [1], [0, 0, 1, 1], [], []>, transpose_lhs_hint = false} : vector<256x256xf32>, vector<256x8xf32>, vector<256x8xf32> -> vector<256x8xf32>
    %add3A_149 = vector.broadcast %add3A_145 : vector<1x8xf32> to vector<256x8xf32>
    %add3A_150 = arith.addf %dot_general3A_148, %add3A_149 : vector<256x8xf32>
    %reduce_sum3A_151 = arith.constant dense<0.000000e+00> : vector<8xf32>
    %reduce_sum3A_152 = vector.multi_reduction <add>, %slice3A_146, %reduce_sum3A_151 [0] : vector<256x8xf32> to vector<8xf32>
    %broadcast_in_dim3A_153 = vector.shape_cast %reduce_sum3A_152 : vector<8xf32> to vector<1x8xf32>
    %add3A_154 = arith.addf %add3A_145, %broadcast_in_dim3A_153 : vector<1x8xf32>
    %concatenate3A = tpu.concatenate %add3A_87, %add3A_96, %add3A_105, %add3A_114, %add3A_123, %add3A_132, %add3A_141, %add3A_150 in 0 : vector<256x8xf32>, vector<256x8xf32>, vector<256x8xf32>, vector<256x8xf32>, vector<256x8xf32>, vector<256x8xf32>, vector<256x8xf32>, vector<256x8xf32> -> vector<2048x8xf32>
    %convert_element_type3A_155 = arith.fptosi %add3A_154 : vector<1x8xf32> to vector<1x8xi32>
    %add3A_156 = arith.constant 127 : i32
    %add3A_157 = vector.broadcast %add3A_156 : i32 to vector<1x8xi32>
    %add3A_158 = arith.addi %convert_element_type3A_155, %add3A_157 : vector<1x8xi32>
    %and3A = arith.constant -128 : i32
    %and3A_159 = vector.broadcast %and3A : i32 to vector<1x8xi32>
    %and3A_160 = arith.andi %add3A_158, %and3A_159 : vector<1x8xi32>
    %iota3A_161 = tpu.iota {dimensions = array<i32: 0>} : vector<8x8xi32>
    %iota3A_162 = tpu.iota {dimensions = array<i32: 1>} : vector<8x8xi32>
    %lt3A_163 = arith.cmpi slt, %iota3A_161, %iota3A_162 : vector<8x8xi32>
    %convert_element_type3A_164 = arith.extui %lt3A_163 : vector<8x8xi1> to vector<8x8xi32>
    %convert_element_type3A_165 = arith.sitofp %convert_element_type3A_164 : vector<8x8xi32> to vector<8x8xf32>
    %convert_element_type3A_166 = arith.sitofp %and3A_160 : vector<1x8xi32> to vector<1x8xf32>
    %dot_general3A_167 = arith.constant dense<0.000000e+00> : vector<1x8xf32>
    %dot_general3A_168 = tpu.matmul %convert_element_type3A_166, %convert_element_type3A_165, %dot_general3A_167 {dimension_numbers = #tpu.dot_dimension_numbers<[1], [0], [0], [1], [0, 0, 1, 1], [], []>, transpose_lhs_hint = false} : vector<1x8xf32>, vector<8x8xf32>, vector<1x8xf32> -> vector<1x8xf32>
    %convert_element_type3A_169 = arith.fptosi %dot_general3A_168 : vector<1x8xf32> to vector<1x8xi32>
    %add3A_170 = vector.broadcast %dot_general3A_168 : vector<1x8xf32> to vector<2048x8xf32>
    %add3A_171 = arith.addf %add3A_170, %concatenate3A : vector<2048x8xf32>
    %jit3A_172 = arith.constant 0.000000e+00 : f32
    %broadcast_in_dim3A_173 = vector.broadcast %jit3A_172 : f32 to vector<2048x8xf32>
    %select_n3A_174 = arith.select %eq3A_19, %add3A_171, %broadcast_in_dim3A_173 : vector<2048x8xi1>, vector<2048x8xf32>
    %reduce_sum3A_175 = arith.constant dense<0.000000e+00> : vector<2048xf32>
    %reduce_sum3A_176 = vector.multi_reduction <add>, %select_n3A_174, %reduce_sum3A_175 [1] : vector<2048x8xf32> to vector<2048xf32>
    %broadcast_in_dim3A_177 = vector.shape_cast %reduce_sum3A_176 : vector<2048xf32> to vector<2048x1xf32>
    %convert_element_type3A_178 = arith.fptosi %broadcast_in_dim3A_177 : vector<2048x1xf32> to vector<2048x1xi32>
    %swap3A_179 = arith.constant 0 : index
    %swap3A_180 = arith.constant 0 : index
    %swap3A_181 = vector.load %arg2[%swap3A_179, %swap3A_180] : memref<2048x1xi32, #tpu.memory_space<vmem>>, vector<2048x1xi32>
    tpu.vector_store %arg2[%swap3A_179, %swap3A_180], %convert_element_type3A_178 {strides = array<i32>} : memref<2048x1xi32, #tpu.memory_space<vmem>>, vector<2048x1xi32>,
    %jit3A_182 = arith.constant 0.000000e+00 : f32
    %broadcast_in_dim3A_183 = vector.broadcast %jit3A_182 : f32 to vector<2048x8xf32>
    %select_n3A_184 = arith.select %eq3A_35, %add3A_171, %broadcast_in_dim3A_183 : vector<2048x8xi1>, vector<2048x8xf32>
    %reduce_sum3A_185 = arith.constant dense<0.000000e+00> : vector<2048xf32>
    %reduce_sum3A_186 = vector.multi_reduction <add>, %select_n3A_184, %reduce_sum3A_185 [1] : vector<2048x8xf32> to vector<2048xf32>
    %broadcast_in_dim3A_187 = vector.shape_cast %reduce_sum3A_186 : vector<2048xf32> to vector<2048x1xf32>
    %convert_element_type3A_188 = arith.fptosi %broadcast_in_dim3A_187 : vector<2048x1xf32> to vector<2048x1xi32>
    %swap3A_189 = arith.constant 0 : index
    %swap3A_190 = arith.constant 0 : index
    %swap3A_191 = vector.load %arg3[%swap3A_189, %swap3A_190] : memref<2048x1xi32, #tpu.memory_space<vmem>>, vector<2048x1xi32>
    tpu.vector_store %arg3[%swap3A_189, %swap3A_190], %convert_element_type3A_188 {strides = array<i32>} : memref<2048x1xi32, #tpu.memory_space<vmem>>, vector<2048x1xi32>,
    %iota3A_192 = tpu.iota {dimensions = array<i32: 0>} : vector<128x8xi32>
    %mul3A_193 = arith.constant 128 : i32
    %mul3A_194 = vector.broadcast %mul3A_193 : i32 to vector<128x8xi32>
    %mul3A_195 = arith.muli %iota3A_192, %mul3A_194 : vector<128x8xi32>
    %iota3A_196 = tpu.iota {dimensions = array<i32: 1>} : vector<128x8xi32>
    %ge3A = vector.broadcast %convert_element_type3A_169 : vector<1x8xi32> to vector<128x8xi32>
    %ge3A_197 = arith.cmpi sge, %mul3A_195, %ge3A : vector<128x8xi32>
    %add3A_198 = arith.addi %convert_element_type3A_169, %and3A_160 : vector<1x8xi32>
    %lt3A_199 = vector.broadcast %add3A_198 : vector<1x8xi32> to vector<128x8xi32>
    %lt3A_200 = arith.cmpi slt, %mul3A_195, %lt3A_199 : vector<128x8xi32>
    %and3A_201 = arith.andi %ge3A_197, %lt3A_200 : vector<128x8xi1>
    %convert_element_type3A_202 = arith.extui %and3A_201 : vector<128x8xi1> to vector<128x8xi32>
    %reduce_sum3A_203 = arith.constant dense<0> : vector<128xi32>
    %reduce_sum3A_204 = vector.multi_reduction <add>, %convert_element_type3A_202, %reduce_sum3A_203 [1] : vector<128x8xi32> to vector<128xi32>
    %broadcast_in_dim3A_205 = vector.shape_cast %reduce_sum3A_204 : vector<128xi32> to vector<128x1xi32>
    %jit3A_206 = arith.constant 0 : i32
    %broadcast_in_dim3A_207 = vector.broadcast %jit3A_206 : i32 to vector<128x8xi32>
    %select_n3A_208 = arith.select %and3A_201, %iota3A_196, %broadcast_in_dim3A_207 : vector<128x8xi1>, vector<128x8xi32>
    %reduce_sum3A_209 = arith.constant dense<0> : vector<128xi32>
    %reduce_sum3A_210 = vector.multi_reduction <add>, %select_n3A_208, %reduce_sum3A_209 [1] : vector<128x8xi32> to vector<128xi32>
    %broadcast_in_dim3A_211 = vector.shape_cast %reduce_sum3A_210 : vector<128xi32> to vector<128x1xi32>
    %gt3A_212 = arith.constant 0 : i32
    %gt3A_213 = vector.broadcast %gt3A_212 : i32 to vector<128x1xi32>
    %gt3A_214 = arith.cmpi sgt, %broadcast_in_dim3A_205, %gt3A_213 : vector<128x1xi32>
    %jit3A_215 = arith.constant 7 : i32
    %broadcast_in_dim3A_216 = vector.broadcast %jit3A_215 : i32 to vector<128x1xi32>
    %select_n3A_217 = arith.select %gt3A_214, %broadcast_in_dim3A_211, %broadcast_in_dim3A_216 : vector<128x1xi1>, vector<128x1xi32>
    %swap3A_218 = arith.constant 0 : index
    %swap3A_219 = arith.constant 0 : index
    %swap3A_220 = vector.load %arg6[%swap3A_218, %swap3A_219] : memref<128x1xi32, #tpu.memory_space<vmem>>, vector<128x1xi32>
    tpu.vector_store %arg6[%swap3A_218, %swap3A_219], %select_n3A_217 {strides = array<i32>} : memref<128x1xi32, #tpu.memory_space<vmem>>, vector<128x1xi32>,
    %add3A_221 = arith.addi %convert_element_type3A_169, %convert_element_type3A_155 : vector<1x8xi32>
    %lt3A_222 = vector.broadcast %add3A_221 : vector<1x8xi32> to vector<128x8xi32>
    %lt3A_223 = arith.cmpi slt, %mul3A_195, %lt3A_222 : vector<128x8xi32>
    %and3A_224 = arith.andi %and3A_201, %lt3A_223 : vector<128x8xi1>
    %convert_element_type3A_225 = arith.extui %and3A_224 : vector<128x8xi1> to vector<128x8xi32>
    %reduce_sum3A_226 = arith.constant dense<0> : vector<128xi32>
    %reduce_sum3A_227 = vector.multi_reduction <add>, %convert_element_type3A_225, %reduce_sum3A_226 [1] : vector<128x8xi32> to vector<128xi32>
    %broadcast_in_dim3A_228 = vector.shape_cast %reduce_sum3A_227 : vector<128xi32> to vector<128x1xi32>
    %swap3A_229 = arith.constant 0 : index
    %swap3A_230 = arith.constant 0 : index
    %swap3A_231 = vector.load %arg7[%swap3A_229, %swap3A_230] : memref<128x1xi32, #tpu.memory_space<vmem>>, vector<128x1xi32>
    tpu.vector_store %arg7[%swap3A_229, %swap3A_230], %broadcast_in_dim3A_228 {strides = array<i32>} : memref<128x1xi32, #tpu.memory_space<vmem>>, vector<128x1xi32>,
    return
  }
}

module attributes {stable_mosaic.version = 14 : i64} {
  func.func @_mlp_body(%arg0: i32, %arg1: memref<40xi32, #tpu.memory_space<smem>>, %arg2: memref<40xi32, #tpu.memory_space<smem>>, %arg3: memref<128x768xf32, #tpu.memory_space<vmem>>, %arg4: memref<1x768x3072xbf16, #tpu.memory_space<vmem>>, %arg5: memref<1x1x3072xf32, #tpu.memory_space<vmem>>, %arg6: memref<1x3072x768xbf16, #tpu.memory_space<vmem>>, %arg7: memref<1x1x768xf32, #tpu.memory_space<vmem>>, %arg8: memref<128x768xf32, #tpu.memory_space<vmem>>) attributes {dimension_semantics = [#tpu.dimension_semantics<arbitrary>], iteration_bounds = array<i64: 40>, scalar_prefetch = 2 : i64, scratch_operands = 0 : i64, tpu.core_type = #tpu.core_type<tc>, window_params = [{transform_indices = @transform_0, window_bounds = array<i64: 128, 768>}, {transform_indices = @transform_1, window_bounds = array<i64: 1, 768, 3072>}, {transform_indices = @transform_2, window_bounds = array<i64: 1, 1, 3072>}, {transform_indices = @transform_3, window_bounds = array<i64: 1, 3072, 768>}, {transform_indices = @transform_4, window_bounds = array<i64: 1, 1, 768>}, {transform_indices = @transform_5, window_bounds = array<i64: 128, 768>}]} {
    %get3A = arith.index_cast %arg0 : i32 to index
    %get3A_0 = memref.load %arg2[%get3A] : memref<40xi32, #tpu.memory_space<smem>>
    %eq3A = arith.constant 1 : i32
    %eq3A_1 = arith.cmpi eq, %get3A_0, %eq3A : i32
    %convert_element_type3A = arith.extui %eq3A_1 : i1 to i32
    %cond3A = arith.constant 0 : i32
    %cond3A_2 = arith.cmpi ne, %convert_element_type3A, %cond3A : i32
    scf.if %cond3A_2 {
      %get3A_3 = arith.constant 0 : index
      %get3A_4 = arith.constant 0 : index
      %get3A_5 = vector.load %arg3[%get3A_3, %get3A_4] : memref<128x768xf32, #tpu.memory_space<vmem>>, vector<128x768xf32>
      %convert_element_type3A_6 = arith.truncf %get3A_5 : vector<128x768xf32> to vector<128x768xbf16>
      %get3A_7 = arith.constant 0 : index
      %get3A_8 = arith.constant 0 : index
      %get3A_9 = arith.constant 0 : index
      %get3A_10 = vector.load %arg4[%get3A_7, %get3A_8, %get3A_9] : memref<1x768x3072xbf16, #tpu.memory_space<vmem>>, vector<1x768x3072xbf16>
      %get3A_11 = vector.shape_cast %get3A_10 : vector<1x768x3072xbf16> to vector<768x3072xbf16>
      %dot_general3A = arith.constant dense<0.000000e+00> : vector<128x3072xf32>
      %dot_general3A_12 = tpu.matmul %convert_element_type3A_6, %get3A_11, %dot_general3A {dimension_numbers = #tpu.dot_dimension_numbers<[1], [0], [0], [1], [0, 0, 1, 1], [], []>, transpose_lhs_hint = false} : vector<128x768xbf16>, vector<768x3072xbf16>, vector<128x3072xf32> -> vector<128x3072xf32>
      %get3A_13 = arith.constant 0 : index
      %get3A_14 = arith.constant 0 : index
      %get3A_15 = arith.constant 0 : index
      %get3A_16 = vector.load %arg5[%get3A_13, %get3A_14, %get3A_15] : memref<1x1x3072xf32, #tpu.memory_space<vmem>>, vector<1x1x3072xf32>
      %get3A_17 = vector.shape_cast %get3A_16 : vector<1x1x3072xf32> to vector<1x3072xf32>
      %add3A = vector.broadcast %get3A_17 : vector<1x3072xf32> to vector<128x3072xf32>
      %add3A_18 = arith.addf %dot_general3A_12, %add3A : vector<128x3072xf32>
      %mul3A = arith.constant 5.000000e-01 : f32
      %mul3A_19 = vector.broadcast %mul3A : f32 to vector<128x3072xf32>
      %mul3A_20 = arith.mulf %add3A_18, %mul3A_19 : vector<128x3072xf32>
      %mul3A_21 = arith.constant 0.707106769 : f32
      %mul3A_22 = vector.broadcast %mul3A_21 : f32 to vector<128x3072xf32>
      %mul3A_23 = arith.mulf %add3A_18, %mul3A_22 : vector<128x3072xf32>
      %erf3A = math.erf %mul3A_23 : vector<128x3072xf32>
      %add3A_24 = arith.constant 1.000000e+00 : f32
      %add3A_25 = vector.broadcast %add3A_24 : f32 to vector<128x3072xf32>
      %add3A_26 = arith.addf %add3A_25, %erf3A : vector<128x3072xf32>
      %mul3A_27 = arith.mulf %mul3A_20, %add3A_26 : vector<128x3072xf32>
      %convert_element_type3A_28 = arith.truncf %mul3A_27 : vector<128x3072xf32> to vector<128x3072xbf16>
      %get3A_29 = arith.constant 0 : index
      %get3A_30 = arith.constant 0 : index
      %get3A_31 = arith.constant 0 : index
      %get3A_32 = vector.load %arg6[%get3A_29, %get3A_30, %get3A_31] : memref<1x3072x768xbf16, #tpu.memory_space<vmem>>, vector<1x3072x768xbf16>
      %get3A_33 = vector.shape_cast %get3A_32 : vector<1x3072x768xbf16> to vector<3072x768xbf16>
      %dot_general3A_34 = arith.constant dense<0.000000e+00> : vector<128x768xf32>
      %dot_general3A_35 = tpu.matmul %convert_element_type3A_28, %get3A_33, %dot_general3A_34 {dimension_numbers = #tpu.dot_dimension_numbers<[1], [0], [0], [1], [0, 0, 1, 1], [], []>, transpose_lhs_hint = false} : vector<128x3072xbf16>, vector<3072x768xbf16>, vector<128x768xf32> -> vector<128x768xf32>
      %get3A_36 = arith.constant 0 : index
      %get3A_37 = arith.constant 0 : index
      %get3A_38 = arith.constant 0 : index
      %get3A_39 = vector.load %arg7[%get3A_36, %get3A_37, %get3A_38] : memref<1x1x768xf32, #tpu.memory_space<vmem>>, vector<1x1x768xf32>
      %get3A_40 = vector.shape_cast %get3A_39 : vector<1x1x768xf32> to vector<1x768xf32>
      %add3A_41 = vector.broadcast %get3A_40 : vector<1x768xf32> to vector<128x768xf32>
      %add3A_42 = arith.addf %dot_general3A_35, %add3A_41 : vector<128x768xf32>
      %swap3A = arith.constant 0 : index
      %swap3A_43 = arith.constant 0 : index
      %swap3A_44 = vector.load %arg8[%swap3A, %swap3A_43] : memref<128x768xf32, #tpu.memory_space<vmem>>, vector<128x768xf32>
      tpu.vector_store %arg8[%swap3A, %swap3A_43], %add3A_42 {strides = array<i32>} : memref<128x768xf32, #tpu.memory_space<vmem>>, vector<128x768xf32>,
    } else {
    }
    return
  }
  func.func @transform_0(%arg0: i32, %arg1: memref<40xi32, #tpu.memory_space<smem>>, %arg2: memref<40xi32, #tpu.memory_space<smem>>) -> (i32, i32) {
    %c0_i32 = arith.constant 0 : i32
    %c0_i32_0 = arith.constant 0 : i32
    return %arg0, %c0_i32 : i32, i32
  }
  func.func @transform_1(%arg0: i32, %arg1: memref<40xi32, #tpu.memory_space<smem>>, %arg2: memref<40xi32, #tpu.memory_space<smem>>) -> (i32, i32, i32) {
    %get3A = arith.index_cast %arg0 : i32 to index
    %get3A_0 = memref.load %arg1[%get3A] : memref<40xi32, #tpu.memory_space<smem>>
    %c0_i32 = arith.constant 0 : i32
    %c0_i32_1 = arith.constant 0 : i32
    %c0_i32_2 = arith.constant 0 : i32
    return %get3A_0, %c0_i32, %c0_i32_1 : i32, i32, i32
  }
  func.func @transform_2(%arg0: i32, %arg1: memref<40xi32, #tpu.memory_space<smem>>, %arg2: memref<40xi32, #tpu.memory_space<smem>>) -> (i32, i32, i32) {
    %get3A = arith.index_cast %arg0 : i32 to index
    %get3A_0 = memref.load %arg1[%get3A] : memref<40xi32, #tpu.memory_space<smem>>
    %c0_i32 = arith.constant 0 : i32
    %c0_i32_1 = arith.constant 0 : i32
    %c0_i32_2 = arith.constant 0 : i32
    return %get3A_0, %c0_i32, %c0_i32_1 : i32, i32, i32
  }
  func.func @transform_3(%arg0: i32, %arg1: memref<40xi32, #tpu.memory_space<smem>>, %arg2: memref<40xi32, #tpu.memory_space<smem>>) -> (i32, i32, i32) {
    %get3A = arith.index_cast %arg0 : i32 to index
    %get3A_0 = memref.load %arg1[%get3A] : memref<40xi32, #tpu.memory_space<smem>>
    %c0_i32 = arith.constant 0 : i32
    %c0_i32_1 = arith.constant 0 : i32
    %c0_i32_2 = arith.constant 0 : i32
    return %get3A_0, %c0_i32, %c0_i32_1 : i32, i32, i32
  }
  func.func @transform_4(%arg0: i32, %arg1: memref<40xi32, #tpu.memory_space<smem>>, %arg2: memref<40xi32, #tpu.memory_space<smem>>) -> (i32, i32, i32) {
    %get3A = arith.index_cast %arg0 : i32 to index
    %get3A_0 = memref.load %arg1[%get3A] : memref<40xi32, #tpu.memory_space<smem>>
    %c0_i32 = arith.constant 0 : i32
    %c0_i32_1 = arith.constant 0 : i32
    %c0_i32_2 = arith.constant 0 : i32
    return %get3A_0, %c0_i32, %c0_i32_1 : i32, i32, i32
  }
  func.func @transform_5(%arg0: i32, %arg1: memref<40xi32, #tpu.memory_space<smem>>, %arg2: memref<40xi32, #tpu.memory_space<smem>>) -> (i32, i32) {
    %c0_i32 = arith.constant 0 : i32
    %c0_i32_0 = arith.constant 0 : i32
    return %arg0, %c0_i32 : i32, i32
  }
}

</mosaic_0001>

<sc_bundles>
// kernel: kernel.6.cloned.1.call-start
scs
__scs_entry_jumppad:
0x0: {  	(pc) =	sbr.rel $0x88, $3  }
0x1: {  	(tag) =	ssettag $0x0;
	lr =	simm.s32 $0x1  }
0x2: {  	[smem:$0x3F9B] =	sst lr;
	_ =	strace $0xD0000000  }
0x3: {  	_ = 	snop  }
0x4: {  	_ = 	snop  }
0x5: {  	_ = 	snop  }
0x6: {  	_ = 	snop  }
0x7: {  	_ = 	snop  }
__scs_overlays_trampoline_lowered:
0x8: {  	[smem:$0x3FAA] =	sst s0  }
0x9: {  	[smem:$0x3FAB] =	sst s1  }
0xa: {  	[smem:$0x3FAC] =	sst s2  }
0xb: {  	[smem:$0x3FAD] =	sst s3  }
0xc: {  	[smem:$0x3FAE] =	sst s4  }
0xd: {  	[smem:$0x3FAF] =	sst s5  }
0xe: {  	[smem:$0x3FB0] =	sst s6  }
0xf: {  	[smem:$0x3FB1] =	sst s7  }
0x10: {  	[smem:$0x3FB2] =	sst s8  }
0x11: {  	[smem:$0x3FB3] =	sst s9;
	s0 =	simm.s32 @!p0 $0x0  }
0x12: {  	s1 =	sld [smem:$0x3F99];
	s0 =	simm.s32 @p0 $0x1  }
0x13: {  	[smem:$0x3FB4] =	sst s0;
	s0 =	simm.s32 @!p1 $0x0  }
0x14: {  	s2 =	sld [smem:$0x3F98];
	s0 =	simm.s32 @p1 $0x1  }
0x15: {  	[smem:$0x3FB5] =	sst s0;
	s0 =	simm.s32 @!p2 $0x0  }
0x16: {  	s3 =	sld [smem:$0x3FDB];
	s0 =	simm.s32 @p2 $0x1  }
0x17: {  	s4 =	simm.s32 $0x1BF5;
	[smem:$0x3FB7] =	sst s0  }
0x18: {  	s0 =	sld [smem:$0x3F9A];
	_ =	swait.ge [sflag:s4], $0x0  }
0x19: {  	s7 =	sld [smem:$0x3F9B]  }
0x1a: {  	s8 =	sadd.s32 $0xFFFFE003, lr  }
0x1b: {  	s9 =	sadd.s32 $0xFFFFFEF7, lr;
	s5 =	simm.s32 $0xFFFFFFFF;
	p2 =	slt.u32 s8, $0xFFFFF086  }
0x1c: {  	p1 =	slt.u32 s9, $0xF7A;
	s5 =	simm.s32 @!p2 $0x0  }
0x1d: {  	s5 =	simm.s32 @p1 $0x1;
	p0 =	seq.s32 s7, s2  }
0x1e: {  	s7 =	smul.u32 @!p0 $0xF7A, s2;
	p2 =	seq.s32 @!p0 s5, $0x0  }
0x1f: {  	s9 =	smul.u32 $0xF7A, s1;
	s8 =	simm.s32 @!p0 $0x1BF5;
	p2 =	por !p2, p0  }
0x20: {  	[sflag:s8] =	ssyncset.s32 @!p0 $0xFFFFF086;
	s6 =	sadd.s32 @!p0 s3, s7;
	s7 =	simm.s32 @!p0 $0x108  }
0x21: {  	s3 =	sadd.s32 s3, s9;
	s6 =	sadd.s32 @!p0 $0x88, s6;
	s7 =	simm.s32 @p2 $0x1082  }
0x22: {  	[simem:s7], [sflag:s8] =	dma.local @!p0 [hbm:s6], $0xF7A  }
0x23: {  	s9 =	sor.u32 $0xD0000000, s2;
	s6 =	simm.s32 $0x108;
	_ =	swait.ge @!p0 [sflag:s8], $0x0  }
0x24: {  	s3 =	sadd.s32 $0x88, s3;
	s6 =	simm.s32 @!p1 $0x1082;
	[sflag:s4] =	ssyncset.s32 $0xFFFFF086  }
0x25: {  	[simem:s6], [sflag:s4] =	dma.local [hbm:s3], $0xF7A  }
0x26: {  	[smem:$0x3F9B] =	sst s1;
	(tag) =	ssettag s2;
	_ =	strace s9  }
0x27: {  	s1 =	sld [smem:$0x3FAB]  }
0x28: {  	s2 =	sld [smem:$0x3FAC]  }
0x29: {  	s4 =	sld [smem:$0x3FAE]  }
0x2a: {  	p0 =	seq.s32 s5, $0x0;
	s5 =	sld [smem:$0x3FAF]  }
0x2b: {  	s6 =	sld [smem:$0x3FB0]  }
0x2c: {  	s7 =	sld [smem:$0x3FB1]  }
0x2d: {  	s3 =	simm.s32 $0x108;
	s8 =	sld [smem:$0x3FB2]  }
0x2e: {  	s3 =	simm.s32 @!p0 $0x1082;
	s9 =	sld [smem:$0x3FB3]  }
0x2f: {  	lr =	sadd.s32 s0, s3;
	s0 =	sld [smem:$0x3FAA]  }
0x30: {  	s3 =	sld [smem:$0x3FAD]  }
0x31: {  	[smem:$0x3FB6] =	sst s10  }
0x32: {  	s10 =	sld [smem:$0x3FB4];
	_ =	sdelay $0x3  }
0x33: {  	p0 =	seq.s32 s10, $0x1;
	s10 =	sld [smem:$0x3FB6];
	_ =	sdelay $0x3  }
0x34: {  	[smem:$0x3FB6] =	sst s10  }
0x35: {  	s10 =	sld [smem:$0x3FB5];
	_ =	sdelay $0x3  }
0x36: {  	p1 =	seq.s32 s10, $0x1;
	s10 =	sld [smem:$0x3FB6];
	_ =	sdelay $0x3  }
0x37: {  	[smem:$0x3FB6] =	sst s10  }
0x38: {  	s10 =	sld [smem:$0x3FB7]  }
0x39: {  	_ = 	snop;
	(pc) =	sbr.ind lr, $3  }
0x3a: {  	_ = 	snop  }
0x3b: {  	_ = 	snop  }
0x3c: {  	p2 =	seq.s32 s10, $0x1;
	s10 =	sld [smem:$0x3FB6]  }
0x3d: {  	_ =	shalt  }
0x3e: {  	_ =	shalt  }
0x3f: {  	_ =	shalt  }
0x40: {  	_ =	shalt  }
0x41: {  	_ =	shalt  }
0x42: {  	_ =	shalt  }
0x43: {  	_ =	shalt  }
0x44: {  	_ =	shalt  }
0x45: {  	_ =	shalt  }
0x46: {  	_ =	shalt  }
0x47: {  	_ =	shalt  }
0x48: {  	_ =	shalt  }
0x49: {  	_ =	shalt  }
0x4a: {  	_ =	shalt  }
0x4b: {  	_ =	shalt  }
0x4c: {  	_ =	shalt  }
0x4d: {  	_ =	shalt  }
0x4e: {  	_ =	shalt  }
0x4f: {  	_ =	shalt  }
0x50: {  	_ =	shalt  }
0x51: {  	_ =	shalt  }
0x52: {  	_ =	shalt  }
0x53: {  	_ =	shalt  }
0x54: {  	_ =	shalt  }
0x55: {  	_ =	shalt  }
0x56: {  	_ =	shalt  }
0x57: {  	_ =	shalt  }
0x58: {  	_ =	shalt  }
0x59: {  	_ =	shalt  }
0x5a: {  	_ =	shalt  }
0x5b: {  	_ =	shalt  }
0x5c: {  	_ =	shalt  }
0x5d: {  	_ =	shalt  }
0x5e: {  	_ =	shalt  }
0x5f: {  	_ =	shalt  }
0x60: {  	_ =	shalt  }
0x61: {  	_ =	shalt  }
0x62: {  	_ =	shalt  }
0x63: {  	_ =	shalt  }
0x64: {  	_ =	shalt  }
0x65: {  	_ =	shalt  }
0x66: {  	_ =	shalt  }
0x67: {  	_ =	shalt  }
0x68: {  	_ =	shalt  }
0x69: {  	_ =	shalt  }
0x6a: {  	_ =	shalt  }
0x6b: {  	_ =	shalt  }
0x6c: {  	_ =	shalt  }
0x6d: {  	_ =	shalt  }
0x6e: {  	_ =	shalt  }
0x6f: {  	_ =	shalt  }
0x70: {  	_ =	shalt  }
0x71: {  	_ =	shalt  }
0x72: {  	_ =	shalt  }
0x73: {  	_ =	shalt  }
0x74: {  	_ =	shalt  }
0x75: {  	_ =	shalt  }
0x76: {  	_ =	shalt  }
0x77: {  	_ =	shalt  }
0x78: {  	_ =	shalt  }
0x79: {  	_ =	shalt  }
0x7a: {  	_ =	shalt  }
0x7b: {  	_ =	shalt  }
0x7c: {  	_ =	shalt  }
0x7d: {  	_ =	shalt  }
0x7e: {  	_ =	shalt  }
0x7f: {  	_ =	shalt  }
0x80: {  	_ =	shalt  }
0x81: {  	_ =	shalt  }
0x82: {  	_ =	shalt  }
0x83: {  	_ =	shalt  }
0x84: {  	_ =	shalt  }
0x85: {  	_ =	shalt  }
0x86: {  	_ =	shalt  }
0x87: {  	_ =	shalt  }
.Lfunc_end0:
.L_simem_size_0:
called_computation_lowered:
.L_overlay_start_0:
0x88: {  	s2 =	sld [smem:$0x3FD9]  }
0x89: {  	s3 =	sld [smem:$0x3FFE];
	_ =	sdelay $0x1  }
0x8a: {  	s1 =	srdreg.scid  }
0x8b: {  	s0 =	sand.u32 $0x1, s1  }
0x8c: {  	s17 =	sshll.u32 s0, $0xA;
	s2 =	sadd.s32 s3, s2  }
0x8d: {  	s2 =	sadd.s32 s2, s17  }
0x8e: {  	[smem:$0x3FC2] =	sst s2  }
0x8f: {  	_ = 	snop  }
0x90: {  	s2 =	sld [smem:$0x3FC9];
	(tm) =	ssettm $0x1  }
0x91: {  	s18 =	sld [smem:$0x3FFB];
	_ =	sdelay $0x3  }
0x92: {  	_ =	strace s18  }
0x93: {  	s3 =	sld [smem:$0x3FFC];
	_ =	sdelay $0x3  }
0x94: {  	_ =	strace s3  }
0x95: {  	s3 =	sld [smem:$0x3FFD];
	_ =	sdelay $0x3  }
0x96: {  	_ =	strace s3  }
0x97: {  	_ =	strace $0x8FFFFFFF  }
0x98: {  	s19 =	sld [smem:$0x3FDB];
	_ =	sdelay $0x1  }
0x99: {  	s4 =	simm.s32 $_scs_section_size  }
0x9a: {  	s5 =	simm.s32 $_size__tile_overlayer_lowered;
	s6 =	simm.s32 $_tile_overlayer_lowered  }
0x9b: {  	s22 =	simm.s32 $0x1BFF;
	s21 =	sshll.u32 s6, $0x1;
	s3 =	sadd.s32 s4, s19  }
0x9c: {  	s7 =	simm.s32 $0x0;
	s20 =	sshll.u32 s5, $0x1;
	s5 =	sadd.s32 s21, s3  }
0x9d: {  	[timem:s7], [sflag:s22] =	dma.local [hbm:s5], s20  }
0x9e: {  	_ =	swait.ge [sflag:s22], s20  }
0x9f: {  	s4 =	ssub.s32 $0x0, s20;
	[sflag:s22] =	ssyncset.done $0x0  }
0xa0: {  	[sflag:s22] =	ssyncadd.s32 s4;
	_ =	sdelay $0x1  }
0xa1: {  	s23 =	simm.s32 $0x1B8B  }
0xa2: {  	_ =	swait.ge [sflag:s23], $0x1  }
0xa3: {  	[sflag:s23] =	ssyncset.done $0x0  }
0xa4: {  	s25 =	simm.s32 $0x1B8E;
	s24 =	sld [smem:$0x3FFE];
	[sflag:s23] =	ssyncadd.s32 $0xFFFFFFFF  }
0xa5: {  	s26 =	simm.s32 $execute0_lowered;
	[smem:$0x3FD2] =	sst s25  }
0xa6: {  	s5 =	sshll.u32 s26, $0x1;
	_ =	strace $0x80000046;
	[dreg:$0x1] =	wrdreg $0xFFFFFFFF  }
0xa7: {  	s28 =	simm.s32 $_size_execute0_lowered;
	s3 =	sadd.s32 s3, s5;
	[dreg:$0x0] =	wrdreg $0x0  }
0xa8: {  	s5 =	sshll.u32 s28, $0x1;
	[dreg:$0x2] =	wrdreg s3  }
0xa9: {  	[dreg:$0x3] =	wrdreg s5  }
0xaa: {  	[dreg:$0x4] =	wrdreg $0xC0  }
0xab: {  	_ =	task [dreg:s7], $0x5FFFF  }
0xac: {  	[dreg:$0x1] =	wrdreg $0xFFFFFFFF  }
0xad: {  	[dreg:$0x0] =	wrdreg $0x60  }
0xae: {  	[dreg:$0x2] =	wrdreg s2  }
0xaf: {  	[dreg:$0x3] =	wrdreg s24  }
0xb0: {  	[dreg:$0x4] =	wrdreg $0x9  }
0xb1: {  	_ =	task.clear_ibuf [dreg:s7], $0x5FFFF;
	_ =	strace $0x90000046  }
0xb2: {  	s29 =	simm.s32 $0x9;
	_ =	strace $0x80000048  }
0xb3: {  	_ =	swait.ge [sflag:s29], $0x1  }
0xb4: {  	[sflag:s29] =	ssyncadd.s32 $0xFFFFFFFF  }
0xb5: {  	_ =	strace $0x90000048  }
0xb6: {  	_ =	sfence  }
0xb7: {  	s30 =	sld [smem:$0x0];
	_ =	sdelay $0x2  }
0xb8: {  	s31 =	sshll.u32 s1, $0xD;
	s1 =	sshrl.u32 s1, $0x2  }
0xb9: {  	s3 =	sand.u32 $0x4000, s31;
	s1 =	sadd.s32 s1, s30  }
0xba: {  	s0 =	sor.u32 s3, s0;
	s1 =	sshll.u32 s1, $0x11  }
0xbb: {  	s0 =	sor.u32 s1, s0  }
0xbc: {  	s0 =	sadd.s32 $0x8F2B, s0  }
0xbd: {  	[sflag:s0] =	ssyncadd.remote.s32 $0x1  }
0xbe: {  	_ =	sfence.sel $0xFFFF  }
0xbf: {  	[dreg:$0x0] =	wrdreg $0xFFFFFFFF;
	(pc) =	sbr.abs _section_cstart, $3  }
0xc0: {  	[dreg:$0x1] =	wrdreg $0xFFFFFFFF  }
0xc1: {  	_ =	task.clear_ibuf [dreg:s7], $0x2FFFF;
	_ =	strace $0x9FFFFFFF  }
0xc2: {  	(tm) =	ssettm $0x7FFFFFFF  }
0xc3: {  	_ =	shalt  }
tec
execute0_lowered:
.L_overlay_start_1:
0x0: {  	(tag) =	ssettag $0x1  }
0x1: {  	s0 =	srdreg.scid  }
0x2: {  	s2 =	stileid.u32;
	s1 =	rddreg [dreg:$0x0]  }
0x3: {  	s5 =	rddreg [dreg:$0x1];
	s25 =	simm.s32 $0xC000;
	s26 =	simm.s32 $0xC080  }
0x4: {  	s7 =	simm.s32 $0x3;
	s10 =	simm.s32 $0x1800;
	s11 =	simm.s32 $0x2000  }
0x5: {  	s12 =	simm.s32 $0x2800;
	s13 =	simm.s32 $0x3000;
	s14 =	simm.s32 $0x3800  }
0x6: {  	s15 =	simm.s32 $0x4000;
	s16 =	simm.s32 $0x4800;
	s17 =	simm.s32 $0x5000  }
0x7: {  	s18 =	simm.s32 $0x5800;
	s19 =	simm.s32 $0x6000;
	s20 =	simm.s32 $0x6800  }
0x8: {  	s21 =	simm.s32 $0x7000;
	s28 =	simm.s32 $0xA000;
	s29 =	simm.s32 $0xA800  }
0x9: {  	s30 =	simm.s32 $0xB000;
	s31 =	simm.s32 $0xB800;
	s0 =	sand.u32 $0x1, s0  }
0xa: {  	s2 =	sshll.u32 s2, $0x4;
	s3 =	sshll.u32 s0, $0x3;
	s0 =	ssub.s32 $0x2, s0  }
0xb: {  	s3 =	sor.u32 s3, s2;
	s2 =	simm.s32 $0x0;
	s23 =	sshrl.u32 s0, $0x1  }
0xc: {  	s4 =	smul.u32 $0x300, s3;
	[smem:$0x7FF] =	sst s2;
	s3 =	sadd.s32 s3, s5  }
0xd: {  	s0 =	ssub.s32 s0, s23;
	s23 =	simm.s32 $0x8000;
	_ =	strace $0x80000047  }
0xe: {  	s22 =	sadd.s32 $0x10400, s3;
	s24 =	sadd.s32 $0x10600, s3;
	[dreg:$0x6] =	wrdreg s25  }
0xf: {  	s3 =	sadd.s32 $0x10800, s5;
	s6 =	smax.u32 s0, $0x1;
	[dreg:$0x7] =	wrdreg s26  }
0x10: {  	s25 =	simm.s32 $0x9000;
	s26 =	simm.s32 $0x9800;
	[dreg:$0x4] =	wrdreg s22  }
0x11: {  	v2 =	vlaneseq.u32;
	s0 =	simm.s32 $0x2;
	s1 =	sadd.s32 s1, s4;
	[dreg:$0x5] =	wrdreg s24  }
0x12: {  	vm0 =	vmmov $0xffff;
	v1 =	vshrl.u32 v2, $0x3;
	s4 =	sadd.s32 $0x10900, s5;
	s5 =	sadd.s32 $0x10A00, s5;
	s22 =	simm.s32 $0x7800  }
0x13: {  	v0 =	vand.u32 $0x7, v2;
	v2 =	vor.u32 $0x8, v2;
	v1 =	vmul.u32 $0x8, v1;
	s24 =	simm.s32 $0x8800;
	[dreg:$0x3] =	wrdreg s1;
	s1 =	simm.s32 $0x1  }
.LBB2_1:
0x14: {  	s8 =	rddreg [dreg:$0x3]  }
0x15: {  	[tilespmem:s2], [sflag:$0x3] =	stream.linear.gather [hbm4b:s8+s2], $0xC000, $0x38;
	[tilespmem:$0xC100] =	vst v63  }
0x16: {  	_ =	swait.ge [sflag:s7], $0xC000  }
0x17: {  	s8 =	rddreg [dreg:$0x4];
	[sflag:s7] =	ssyncset.done $0x0  }
0x18: {  	s9 =	rddreg [dreg:$0x6];
	[sflag:s7] =	ssyncadd.s32 $0xFFFF4000  }
0x19: {  	[tilespmem:s9], [sflag:$0x3] =	stream.linear.gather [hbm4b:s8+s2], $0x40, $0x38;
	[tilespmem:$0xC100] =	vst v63  }
0x1a: {  	_ =	swait.ge [sflag:s7], $0x40  }
0x1b: {  	s8 =	rddreg [dreg:$0x5];
	[sflag:s7] =	ssyncset.done $0x0  }
0x1c: {  	s9 =	rddreg [dreg:$0x7];
	[sflag:s7] =	ssyncadd.s32 $0xFFFFFFC0  }
0x1d: {  	[tilespmem:s9], [sflag:$0x3] =	stream.linear.gather [hbm4b:s8+s2], $0x40, $0x38;
	[tilespmem:$0xC100] =	vst v63  }
0x1e: {  	_ =	swait.ge [sflag:s7], $0x40  }
0x1f: {  	[sflag:s7] =	ssyncset.done $0x0  }
0x20: {  	[sflag:s7] =	ssyncadd.s32 $0xFFFFFFC0  }
0x21: {  	v3 =	vld [tilespmem:$0xC000];
	_ =	sdelay $0x4  }
0x22: {  	v4 =	vshrl.u32 v3, $0x3  }
0x23: {  	v4 =	vmul.u32 $0x30, v4  }
0x24: {  	v3 =	vand.u32 $0x7, v3  }
0x25: {  	v3 =	vor.u32 v3, v4  }
0x26: {  	v4 =	vperm.xlane v3, v0;
	_ =	sdelay $0x1  }
0x27: {  	v4 =	vadd.s32 v1, v4;
	_ =	sdelay $0x3  }
0x28: {  	v3 =	vperm.xlane v3, v2  }
0x29: {  	[hbm4b:s3+s2] =	stream.indirect_vreg.scatter [tilespmem:s2], [sflag:$0x1], $0x80, v4, vm0, $0xb8;
	[tilespmem:$0xC100] =	vst v63  }
0x2a: {  	s8 =	simm.s32 $0x800;
	v3 =	vadd.s32 v1, v3  }
0x2b: {  	[hbm4b:s4+s2] =	stream.indirect_vreg.scatter [tilespmem:s8], [sflag:$0x1], $0x80, v4, vm0, $0xb8;
	[tilespmem:$0xC100] =	vst v63  }
0x2c: {  	s9 =	simm.s32 $0x1000  }
0x2d: {  	[hbm4b:s5+s2] =	stream.indirect_vreg.scatter [tilespmem:s9], [sflag:$0x1], $0x80, v4, vm0, $0xb8;
	[tilespmem:$0xC100] =	vst v63  }
0x2e: {  	_ = 	snop  }
0x2f: {  	[hbm4b:s3+s2] =	stream.indirect_vreg.scatter [tilespmem:s10], [sflag:$0x1], $0x80, v3, vm0, $0xb8;
	[tilespmem:$0xC100] =	vst v63  }
0x30: {  	_ = 	snop  }
0x31: {  	[hbm4b:s4+s2] =	stream.indirect_vreg.scatter [tilespmem:s11], [sflag:$0x1], $0x80, v3, vm0, $0xb8;
	[tilespmem:$0xC100] =	vst v63  }
0x32: {  	_ = 	snop  }
0x33: {  	[hbm4b:s5+s2] =	stream.indirect_vreg.scatter [tilespmem:s12], [sflag:$0x1], $0x80, v3, vm0, $0xb8;
	[tilespmem:$0xC100] =	vst v63  }
0x34: {  	v3 =	vld [tilespmem:$0xC010];
	_ =	sdelay $0x4  }
0x35: {  	v57 =	vshrl.u32 v3, $0x3  }
0x36: {  	v4 =	vmul.u32 $0x30, v57  }
0x37: {  	v3 =	vand.u32 $0x7, v3  }
0x38: {  	v3 =	vor.u32 v3, v4  }
0x39: {  	v4 =	vperm.xlane v3, v0;
	_ =	sdelay $0x1  }
0x3a: {  	v4 =	vadd.s32 v1, v4;
	_ =	sdelay $0x3  }
0x3b: {  	v3 =	vperm.xlane v3, v2  }
0x3c: {  	[hbm4b:s3+s2] =	stream.indirect_vreg.scatter [tilespmem:s13], [sflag:$0x1], $0x80, v4, vm0, $0xb8;
	[tilespmem:$0xC100] =	vst v63  }
0x3d: {  	v3 =	vadd.s32 v1, v3  }
0x3e: {  	[hbm4b:s4+s2] =	stream.indirect_vreg.scatter [tilespmem:s14], [sflag:$0x1], $0x80, v4, vm0, $0xb8;
	[tilespmem:$0xC100] =	vst v63  }
0x3f: {  	_ = 	snop  }
0x40: {  	[hbm4b:s5+s2] =	stream.indirect_vreg.scatter [tilespmem:s15], [sflag:$0x1], $0x80, v4, vm0, $0xb8;
	[tilespmem:$0xC100] =	vst v63  }
0x41: {  	_ = 	snop  }
0x42: {  	[hbm4b:s3+s2] =	stream.indirect_vreg.scatter [tilespmem:s16], [sflag:$0x1], $0x80, v3, vm0, $0xb8;
	[tilespmem:$0xC100] =	vst v63  }
0x43: {  	_ = 	snop  }
0x44: {  	[hbm4b:s4+s2] =	stream.indirect_vreg.scatter [tilespmem:s17], [sflag:$0x1], $0x80, v3, vm0, $0xb8;
	[tilespmem:$0xC100] =	vst v63  }
0x45: {  	_ = 	snop  }
0x46: {  	[hbm4b:s5+s2] =	stream.indirect_vreg.scatter [tilespmem:s18], [sflag:$0x1], $0x80, v3, vm0, $0xb8;
	[tilespmem:$0xC100] =	vst v63  }
0x47: {  	v3 =	vld [tilespmem:$0xC020];
	_ =	sdelay $0x4  }
0x48: {  	v58 =	vshrl.u32 v3, $0x3  }
0x49: {  	v4 =	vmul.u32 $0x30, v58  }
0x4a: {  	v3 =	vand.u32 $0x7, v3  }
0x4b: {  	v3 =	vor.u32 v3, v4  }
0x4c: {  	v4 =	vperm.xlane v3, v0;
	_ =	sdelay $0x1  }
0x4d: {  	v4 =	vadd.s32 v1, v4;
	_ =	sdelay $0x3  }
0x4e: {  	v3 =	vperm.xlane v3, v2  }
0x4f: {  	[hbm4b:s3+s2] =	stream.indirect_vreg.scatter [tilespmem:s19], [sflag:$0x1], $0x80, v4, vm0, $0xb8;
	[tilespmem:$0xC100] =	vst v63  }
0x50: {  	v3 =	vadd.s32 v1, v3  }
0x51: {  	[hbm4b:s4+s2] =	stream.indirect_vreg.scatter [tilespmem:s20], [sflag:$0x1], $0x80, v4, vm0, $0xb8;
	[tilespmem:$0xC100] =	vst v63  }
0x52: {  	_ = 	snop  }
0x53: {  	[hbm4b:s5+s2] =	stream.indirect_vreg.scatter [tilespmem:s21], [sflag:$0x1], $0x80, v4, vm0, $0xb8;
	[tilespmem:$0xC100] =	vst v63  }
0x54: {  	_ = 	snop  }
0x55: {  	[hbm4b:s3+s2] =	stream.indirect_vreg.scatter [tilespmem:s22], [sflag:$0x1], $0x80, v3, vm0, $0xb8;
	[tilespmem:$0xC100] =	vst v63  }
0x56: {  	_ = 	snop  }
0x57: {  	[hbm4b:s4+s2] =	stream.indirect_vreg.scatter [tilespmem:s23], [sflag:$0x1], $0x80, v3, vm0, $0xb8;
	[tilespmem:$0xC100] =	vst v63  }
0x58: {  	_ = 	snop  }
0x59: {  	[hbm4b:s5+s2] =	stream.indirect_vreg.scatter [tilespmem:s24], [sflag:$0x1], $0x80, v3, vm0, $0xb8;
	[tilespmem:$0xC100] =	vst v63  }
0x5a: {  	v3 =	vld [tilespmem:$0xC030];
	_ =	sdelay $0x4  }
0x5b: {  	v59 =	vshrl.u32 v3, $0x3  }
0x5c: {  	v4 =	vmul.u32 $0x30, v59  }
0x5d: {  	v3 =	vand.u32 $0x7, v3  }
0x5e: {  	v3 =	vor.u32 v3, v4  }
0x5f: {  	v4 =	vperm.xlane v3, v0;
	_ =	sdelay $0x1  }
0x60: {  	v4 =	vadd.s32 v1, v4;
	_ =	sdelay $0x3  }
0x61: {  	v3 =	vperm.xlane v3, v2  }
0x62: {  	[hbm4b:s3+s2] =	stream.indirect_vreg.scatter [tilespmem:s25], [sflag:$0x1], $0x80, v4, vm0, $0xb8;
	[tilespmem:$0xC100] =	vst v63  }
0x63: {  	v3 =	vadd.s32 v1, v3  }
0x64: {  	[hbm4b:s4+s2] =	stream.indirect_vreg.scatter [tilespmem:s26], [sflag:$0x1], $0x80, v4, vm0, $0xb8;
	[tilespmem:$0xC100] =	vst v63  }
0x65: {  	_ = 	snop  }
0x66: {  	[hbm4b:s5+s2] =	stream.indirect_vreg.scatter [tilespmem:s28], [sflag:$0x1], $0x80, v4, vm0, $0xb8;
	[tilespmem:$0xC100] =	vst v63  }
0x67: {  	_ = 	snop  }
0x68: {  	[hbm4b:s3+s2] =	stream.indirect_vreg.scatter [tilespmem:s29], [sflag:$0x1], $0x80, v3, vm0, $0xb8;
	[tilespmem:$0xC100] =	vst v63  }
0x69: {  	_ = 	snop  }
0x6a: {  	[hbm4b:s4+s2] =	stream.indirect_vreg.scatter [tilespmem:s30], [sflag:$0x1], $0x80, v3, vm0, $0xb8;
	[tilespmem:$0xC100] =	vst v63  }
0x6b: {  	_ = 	snop  }
0x6c: {  	[hbm4b:s5+s2] =	stream.indirect_vreg.scatter [tilespmem:s31], [sflag:$0x1], $0x80, v3, vm0, $0xb8;
	[tilespmem:$0xC100] =	vst v63  }
0x6d: {  	v3 =	vld [tilespmem:$0xC080];
	_ =	sdelay $0x4  }
0x6e: {  	v60 =	vshrl.u32 v3, $0x3  }
0x6f: {  	v4 =	vmul.u32 $0x30, v60  }
0x70: {  	v3 =	vand.u32 $0x7, v3  }
0x71: {  	v3 =	vor.u32 v3, v4  }
0x72: {  	v4 =	vperm.xlane v3, v0;
	_ =	sdelay $0x1  }
0x73: {  	v4 =	vadd.s32 v1, v4;
	_ =	sdelay $0x3  }
0x74: {  	v3 =	vperm.xlane v3, v2  }
0x75: {  	[hbm4b:s3+s2] =	stream.indirect_vreg.scatter [tilespmem:s2], [sflag:$0x2], $0x80, v4, vm0, $0xb8;
	[tilespmem:$0xC100] =	vst v63  }
0x76: {  	v3 =	vadd.s32 v1, v3  }
0x77: {  	[hbm4b:s4+s2] =	stream.indirect_vreg.scatter [tilespmem:s8], [sflag:$0x2], $0x80, v4, vm0, $0xb8;
	[tilespmem:$0xC100] =	vst v63  }
0x78: {  	_ = 	snop  }
0x79: {  	[hbm4b:s5+s2] =	stream.indirect_vreg.scatter [tilespmem:s9], [sflag:$0x2], $0x80, v4, vm0, $0xb8;
	[tilespmem:$0xC100] =	vst v63  }
0x7a: {  	_ = 	snop  }
0x7b: {  	[hbm4b:s3+s2] =	stream.indirect_vreg.scatter [tilespmem:s10], [sflag:$0x2], $0x80, v3, vm0, $0xb8;
	[tilespmem:$0xC100] =	vst v63  }
0x7c: {  	_ = 	snop  }
0x7d: {  	[hbm4b:s4+s2] =	stream.indirect_vreg.scatter [tilespmem:s11], [sflag:$0x2], $0x80, v3, vm0, $0xb8;
	[tilespmem:$0xC100] =	vst v63  }
0x7e: {  	_ = 	snop  }
0x7f: {  	[hbm4b:s5+s2] =	stream.indirect_vreg.scatter [tilespmem:s12], [sflag:$0x2], $0x80, v3, vm0, $0xb8;
	[tilespmem:$0xC100] =	vst v63  }
0x80: {  	v3 =	vld [tilespmem:$0xC090];
	_ =	sdelay $0x4  }
0x81: {  	v61 =	vshrl.u32 v3, $0x3  }
0x82: {  	v4 =	vmul.u32 $0x30, v61  }
0x83: {  	v3 =	vand.u32 $0x7, v3  }
0x84: {  	v3 =	vor.u32 v3, v4  }
0x85: {  	v4 =	vperm.xlane v3, v0;
	_ =	sdelay $0x1  }
0x86: {  	v4 =	vadd.s32 v1, v4;
	_ =	sdelay $0x3  }
0x87: {  	v3 =	vperm.xlane v3, v2  }
0x88: {  	[hbm4b:s3+s2] =	stream.indirect_vreg.scatter [tilespmem:s13], [sflag:$0x2], $0x80, v4, vm0, $0xb8;
	[tilespmem:$0xC100] =	vst v63  }
0x89: {  	v3 =	vadd.s32 v1, v3  }
0x8a: {  	[hbm4b:s4+s2] =	stream.indirect_vreg.scatter [tilespmem:s14], [sflag:$0x2], $0x80, v4, vm0, $0xb8;
	[tilespmem:$0xC100] =	vst v63  }
0x8b: {  	_ = 	snop  }
0x8c: {  	[hbm4b:s5+s2] =	stream.indirect_vreg.scatter [tilespmem:s15], [sflag:$0x2], $0x80, v4, vm0, $0xb8;
	[tilespmem:$0xC100] =	vst v63  }
0x8d: {  	_ = 	snop  }
0x8e: {  	[hbm4b:s3+s2] =	stream.indirect_vreg.scatter [tilespmem:s16], [sflag:$0x2], $0x80, v3, vm0, $0xb8;
	[tilespmem:$0xC100] =	vst v63  }
0x8f: {  	_ = 	snop  }
0x90: {  	[hbm4b:s4+s2] =	stream.indirect_vreg.scatter [tilespmem:s17], [sflag:$0x2], $0x80, v3, vm0, $0xb8;
	[tilespmem:$0xC100] =	vst v63  }
0x91: {  	_ = 	snop  }
0x92: {  	[hbm4b:s5+s2] =	stream.indirect_vreg.scatter [tilespmem:s18], [sflag:$0x2], $0x80, v3, vm0, $0xb8;
	[tilespmem:$0xC100] =	vst v63  }
0x93: {  	v3 =	vld [tilespmem:$0xC0A0];
	_ =	sdelay $0x4  }
0x94: {  	v62 =	vshrl.u32 v3, $0x3  }
0x95: {  	v4 =	vmul.u32 $0x30, v62  }
0x96: {  	v3 =	vand.u32 $0x7, v3  }
0x97: {  	v3 =	vor.u32 v3, v4  }
0x98: {  	v4 =	vperm.xlane v3, v0;
	_ =	sdelay $0x1  }
0x99: {  	v4 =	vadd.s32 v1, v4;
	_ =	sdelay $0x3  }
0x9a: {  	v3 =	vperm.xlane v3, v2  }
0x9b: {  	[hbm4b:s3+s2] =	stream.indirect_vreg.scatter [tilespmem:s19], [sflag:$0x2], $0x80, v4, vm0, $0xb8;
	[tilespmem:$0xC100] =	vst v63  }
0x9c: {  	v3 =	vadd.s32 v1, v3  }
0x9d: {  	[hbm4b:s4+s2] =	stream.indirect_vreg.scatter [tilespmem:s20], [sflag:$0x2], $0x80, v4, vm0, $0xb8;
	[tilespmem:$0xC100] =	vst v63  }
0x9e: {  	_ = 	snop  }
0x9f: {  	[hbm4b:s5+s2] =	stream.indirect_vreg.scatter [tilespmem:s21], [sflag:$0x2], $0x80, v4, vm0, $0xb8;
	[tilespmem:$0xC100] =	vst v63  }
0xa0: {  	_ = 	snop  }
0xa1: {  	[hbm4b:s3+s2] =	stream.indirect_vreg.scatter [tilespmem:s22], [sflag:$0x2], $0x80, v3, vm0, $0xb8;
	[tilespmem:$0xC100] =	vst v63  }
0xa2: {  	_ = 	snop  }
0xa3: {  	[hbm4b:s4+s2] =	stream.indirect_vreg.scatter [tilespmem:s23], [sflag:$0x2], $0x80, v3, vm0, $0xb8;
	[tilespmem:$0xC100] =	vst v63  }
0xa4: {  	_ = 	snop  }
0xa5: {  	[hbm4b:s5+s2] =	stream.indirect_vreg.scatter [tilespmem:s24], [sflag:$0x2], $0x80, v3, vm0, $0xb8;
	[tilespmem:$0xC100] =	vst v63  }
0xa6: {  	v3 =	vld [tilespmem:$0xC0B0];
	_ =	sdelay $0x4  }
0xa7: {  	v63 =	vshrl.u32 v3, $0x3  }
0xa8: {  	v4 =	vmul.u32 $0x30, v63  }
0xa9: {  	v3 =	vand.u32 $0x7, v3  }
0xaa: {  	v3 =	vor.u32 v3, v4  }
0xab: {  	v4 =	vperm.xlane v3, v0;
	_ =	sdelay $0x1  }
0xac: {  	v4 =	vadd.s32 v1, v4;
	_ =	sdelay $0x3  }
0xad: {  	v3 =	vperm.xlane v3, v2  }
0xae: {  	[hbm4b:s3+s2] =	stream.indirect_vreg.scatter [tilespmem:s25], [sflag:$0x2], $0x80, v4, vm0, $0xb8;
	[tilespmem:$0xC100] =	vst v63  }
0xaf: {  	v3 =	vadd.s32 v1, v3  }
0xb0: {  	[hbm4b:s4+s2] =	stream.indirect_vreg.scatter [tilespmem:s26], [sflag:$0x2], $0x80, v4, vm0, $0xb8;
	[tilespmem:$0xC100] =	vst v63  }
0xb1: {  	_ = 	snop  }
0xb2: {  	[hbm4b:s5+s2] =	stream.indirect_vreg.scatter [tilespmem:s28], [sflag:$0x2], $0x80, v4, vm0, $0xb8;
	[tilespmem:$0xC100] =	vst v63  }
0xb3: {  	_ = 	snop  }
0xb4: {  	[hbm4b:s3+s2] =	stream.indirect_vreg.scatter [tilespmem:s29], [sflag:$0x2], $0x80, v3, vm0, $0xb8;
	[tilespmem:$0xC100] =	vst v63  }
0xb5: {  	_ = 	snop  }
0xb6: {  	[hbm4b:s4+s2] =	stream.indirect_vreg.scatter [tilespmem:s30], [sflag:$0x2], $0x80, v3, vm0, $0xb8;
	[tilespmem:$0xC100] =	vst v63  }
0xb7: {  	_ = 	snop  }
0xb8: {  	[hbm4b:s5+s2] =	stream.indirect_vreg.scatter [tilespmem:s31], [sflag:$0x2], $0x80, v3, vm0, $0xb8;
	[tilespmem:$0xC100] =	vst v63  }
0xb9: {  	p0 =	sne.s32 s6, $0x1;
	_ =	swait.ge [sflag:s1], $0xC000  }
.Ltmp0:
0xba: {  	[sflag:s1] =	ssyncset.done $0x0;
	(pc) =	sbr.rel @p0 .LBB2_1-.Ltmp0, $4  }
0xbb: {  	[sflag:s1] =	ssyncadd.s32 $0xFFFF4000  }
0xbc: {  	_ =	swait.ge [sflag:s0], $0xC000  }
0xbd: {  	[sflag:s0] =	ssyncset.done $0x0  }
0xbe: {  	s6 =	sadd.s32 $0xFFFFFFFF, s6;
	[sflag:s0] =	ssyncadd.s32 $0xFFFF4000  }
0xbf: {  	_ =	sfence.sel $0x180000  }
0xc0: {  	[bflag:$0x0] =	sbarrier.arrive $0xFFFF  }
0xc1: {  	_ =	strace $0x90000047  }
0xc2: {  	s0 =	stileid.u32;
	[bflag:$0x2] =	sbarrier.arrive $0xFFFF  }
0xc3: {  	p0 =	sne.s32 s0, $0x0;
	s0 =	rddreg [dreg:$0x2]  }
0xc4: {  	s0 =	sadd.s32 @!p0 $0x100000, s0  }
0xc5: {  	[sflag:s0] =	ssyncadd.tile.s32 @!p0 $0x1;
	_ =	shalt  }
.Lfunc_end2:
_tile_overlayer_lowered:
.L_overlay_start_2:
0xc6: {  	(tag) =	ssettag $0x2  }
0xc7: {  	s0 =	rddreg [dreg:$0x0];
	s2 =	stileid.u32  }
0xc8: {  	s1 =	rddreg [dreg:$0x1];
	p0 =	sne.s32 s2, $0x0  }
0xc9: {  	s3 =	rddreg [dreg:$0x2];
	[bflag:$0x3] =	sbarrier.arrive $0xFFFF;
	s2 =	simm.s32 @!p0 $0x1C03  }
0xca: {  	[timem:s3], [sflag:s2] =	dma.local @!p0 [hbm:s0], s1  }
0xcb: {  	s0 =	simm.s32 @!p0 $0x3  }
0xcc: {  	_ =	swait.ge @!p0 [sflag:s0], s1  }
0xcd: {  	s1 =	ssub.s32 @!p0 $0x0, s1;
	[sflag:s0] =	ssyncset.done @!p0 $0x0  }
0xce: {  	[sflag:s0] =	ssyncadd.s32 @!p0 s1  }
0xcf: {  	[bflag:$0x3] =	sbarrier.arrive $0xFFFF  }
0xd0: {  	_ =	shalt  }

// kernel: kernel.9.cloned.1.call-start
scs
__scs_entry_jumppad:
0x0: {  	(pc) =	sbr.rel $0x88, $3  }
0x1: {  	(tag) =	ssettag $0x0;
	lr =	simm.s32 $0x1  }
0x2: {  	[smem:$0x3F9B] =	sst lr;
	_ =	strace $0xD0000000  }
0x3: {  	_ = 	snop  }
0x4: {  	_ = 	snop  }
0x5: {  	_ = 	snop  }
0x6: {  	_ = 	snop  }
0x7: {  	_ = 	snop  }
__scs_overlays_trampoline_lowered:
0x8: {  	[smem:$0x3FAA] =	sst s0  }
0x9: {  	[smem:$0x3FAB] =	sst s1  }
0xa: {  	[smem:$0x3FAC] =	sst s2  }
0xb: {  	[smem:$0x3FAD] =	sst s3  }
0xc: {  	[smem:$0x3FAE] =	sst s4  }
0xd: {  	[smem:$0x3FAF] =	sst s5  }
0xe: {  	[smem:$0x3FB0] =	sst s6  }
0xf: {  	[smem:$0x3FB1] =	sst s7  }
0x10: {  	[smem:$0x3FB2] =	sst s8  }
0x11: {  	[smem:$0x3FB3] =	sst s9;
	s0 =	simm.s32 @!p0 $0x0  }
0x12: {  	s1 =	sld [smem:$0x3F99];
	s0 =	simm.s32 @p0 $0x1  }
0x13: {  	[smem:$0x3FB4] =	sst s0;
	s0 =	simm.s32 @!p1 $0x0  }
0x14: {  	s2 =	sld [smem:$0x3F98];
	s0 =	simm.s32 @p1 $0x1  }
0x15: {  	[smem:$0x3FB5] =	sst s0;
	s0 =	simm.s32 @!p2 $0x0  }
0x16: {  	s3 =	sld [smem:$0x3FDB];
	s0 =	simm.s32 @p2 $0x1  }
0x17: {  	s4 =	simm.s32 $0x1BF5;
	[smem:$0x3FB7] =	sst s0  }
0x18: {  	s0 =	sld [smem:$0x3F9A];
	_ =	swait.ge [sflag:s4], $0x0  }
0x19: {  	s7 =	sld [smem:$0x3F9B]  }
0x1a: {  	s8 =	sadd.s32 $0xFFFFE003, lr  }
0x1b: {  	s9 =	sadd.s32 $0xFFFFFEF7, lr;
	s5 =	simm.s32 $0xFFFFFFFF;
	p2 =	slt.u32 s8, $0xFFFFF086  }
0x1c: {  	p1 =	slt.u32 s9, $0xF7A;
	s5 =	simm.s32 @!p2 $0x0  }
0x1d: {  	s5 =	simm.s32 @p1 $0x1;
	p0 =	seq.s32 s7, s2  }
0x1e: {  	s7 =	smul.u32 @!p0 $0xF7A, s2;
	p2 =	seq.s32 @!p0 s5, $0x0  }
0x1f: {  	s9 =	smul.u32 $0xF7A, s1;
	s8 =	simm.s32 @!p0 $0x1BF5;
	p2 =	por !p2, p0  }
0x20: {  	[sflag:s8] =	ssyncset.s32 @!p0 $0xFFFFF086;
	s6 =	sadd.s32 @!p0 s3, s7;
	s7 =	simm.s32 @!p0 $0x108  }
0x21: {  	s3 =	sadd.s32 s3, s9;
	s6 =	sadd.s32 @!p0 $0x88, s6;
	s7 =	simm.s32 @p2 $0x1082  }
0x22: {  	[simem:s7], [sflag:s8] =	dma.local @!p0 [hbm:s6], $0xF7A  }
0x23: {  	s9 =	sor.u32 $0xD0000000, s2;
	s6 =	simm.s32 $0x108;
	_ =	swait.ge @!p0 [sflag:s8], $0x0  }
0x24: {  	s3 =	sadd.s32 $0x88, s3;
	s6 =	simm.s32 @!p1 $0x1082;
	[sflag:s4] =	ssyncset.s32 $0xFFFFF086  }
0x25: {  	[simem:s6], [sflag:s4] =	dma.local [hbm:s3], $0xF7A  }
0x26: {  	[smem:$0x3F9B] =	sst s1;
	(tag) =	ssettag s2;
	_ =	strace s9  }
0x27: {  	s1 =	sld [smem:$0x3FAB]  }
0x28: {  	s2 =	sld [smem:$0x3FAC]  }
0x29: {  	s4 =	sld [smem:$0x3FAE]  }
0x2a: {  	p0 =	seq.s32 s5, $0x0;
	s5 =	sld [smem:$0x3FAF]  }
0x2b: {  	s6 =	sld [smem:$0x3FB0]  }
0x2c: {  	s7 =	sld [smem:$0x3FB1]  }
0x2d: {  	s3 =	simm.s32 $0x108;
	s8 =	sld [smem:$0x3FB2]  }
0x2e: {  	s3 =	simm.s32 @!p0 $0x1082;
	s9 =	sld [smem:$0x3FB3]  }
0x2f: {  	lr =	sadd.s32 s0, s3;
	s0 =	sld [smem:$0x3FAA]  }
0x30: {  	s3 =	sld [smem:$0x3FAD]  }
0x31: {  	[smem:$0x3FB6] =	sst s10  }
0x32: {  	s10 =	sld [smem:$0x3FB4];
	_ =	sdelay $0x3  }
0x33: {  	p0 =	seq.s32 s10, $0x1;
	s10 =	sld [smem:$0x3FB6];
	_ =	sdelay $0x3  }
0x34: {  	[smem:$0x3FB6] =	sst s10  }
0x35: {  	s10 =	sld [smem:$0x3FB5];
	_ =	sdelay $0x3  }
0x36: {  	p1 =	seq.s32 s10, $0x1;
	s10 =	sld [smem:$0x3FB6];
	_ =	sdelay $0x3  }
0x37: {  	[smem:$0x3FB6] =	sst s10  }
0x38: {  	s10 =	sld [smem:$0x3FB7]  }
0x39: {  	_ = 	snop;
	(pc) =	sbr.ind lr, $3  }
0x3a: {  	_ = 	snop  }
0x3b: {  	_ = 	snop  }
0x3c: {  	p2 =	seq.s32 s10, $0x1;
	s10 =	sld [smem:$0x3FB6]  }
0x3d: {  	_ =	shalt  }
0x3e: {  	_ =	shalt  }
0x3f: {  	_ =	shalt  }
0x40: {  	_ =	shalt  }
0x41: {  	_ =	shalt  }
0x42: {  	_ =	shalt  }
0x43: {  	_ =	shalt  }
0x44: {  	_ =	shalt  }
0x45: {  	_ =	shalt  }
0x46: {  	_ =	shalt  }
0x47: {  	_ =	shalt  }
0x48: {  	_ =	shalt  }
0x49: {  	_ =	shalt  }
0x4a: {  	_ =	shalt  }
0x4b: {  	_ =	shalt  }
0x4c: {  	_ =	shalt  }
0x4d: {  	_ =	shalt  }
0x4e: {  	_ =	shalt  }
0x4f: {  	_ =	shalt  }
0x50: {  	_ =	shalt  }
0x51: {  	_ =	shalt  }
0x52: {  	_ =	shalt  }
0x53: {  	_ =	shalt  }
0x54: {  	_ =	shalt  }
0x55: {  	_ =	shalt  }
0x56: {  	_ =	shalt  }
0x57: {  	_ =	shalt  }
0x58: {  	_ =	shalt  }
0x59: {  	_ =	shalt  }
0x5a: {  	_ =	shalt  }
0x5b: {  	_ =	shalt  }
0x5c: {  	_ =	shalt  }
0x5d: {  	_ =	shalt  }
0x5e: {  	_ =	shalt  }
0x5f: {  	_ =	shalt  }
0x60: {  	_ =	shalt  }
0x61: {  	_ =	shalt  }
0x62: {  	_ =	shalt  }
0x63: {  	_ =	shalt  }
0x64: {  	_ =	shalt  }
0x65: {  	_ =	shalt  }
0x66: {  	_ =	shalt  }
0x67: {  	_ =	shalt  }
0x68: {  	_ =	shalt  }
0x69: {  	_ =	shalt  }
0x6a: {  	_ =	shalt  }
0x6b: {  	_ =	shalt  }
0x6c: {  	_ =	shalt  }
0x6d: {  	_ =	shalt  }
0x6e: {  	_ =	shalt  }
0x6f: {  	_ =	shalt  }
0x70: {  	_ =	shalt  }
0x71: {  	_ =	shalt  }
0x72: {  	_ =	shalt  }
0x73: {  	_ =	shalt  }
0x74: {  	_ =	shalt  }
0x75: {  	_ =	shalt  }
0x76: {  	_ =	shalt  }
0x77: {  	_ =	shalt  }
0x78: {  	_ =	shalt  }
0x79: {  	_ =	shalt  }
0x7a: {  	_ =	shalt  }
0x7b: {  	_ =	shalt  }
0x7c: {  	_ =	shalt  }
0x7d: {  	_ =	shalt  }
0x7e: {  	_ =	shalt  }
0x7f: {  	_ =	shalt  }
0x80: {  	_ =	shalt  }
0x81: {  	_ =	shalt  }
0x82: {  	_ =	shalt  }
0x83: {  	_ =	shalt  }
0x84: {  	_ =	shalt  }
0x85: {  	_ =	shalt  }
0x86: {  	_ =	shalt  }
0x87: {  	_ =	shalt  }
.Lfunc_end0:
.L_simem_size_0:
called_computation.1_lowered:
.L_overlay_start_0:
0x88: {  	s2 =	sld [smem:$0x3FD9]  }
0x89: {  	s3 =	sld [smem:$0x3FFE];
	_ =	sdelay $0x1  }
0x8a: {  	s1 =	srdreg.scid  }
0x8b: {  	s0 =	sand.u32 $0x1, s1  }
0x8c: {  	s14 =	sshll.u32 s0, $0xA;
	s2 =	sadd.s32 s3, s2  }
0x8d: {  	s2 =	sadd.s32 s2, s14  }
0x8e: {  	[smem:$0x3FC2] =	sst s2  }
0x8f: {  	_ = 	snop  }
0x90: {  	s2 =	sld [smem:$0x3FD0];
	_ =	sdelay $0x2  }
0x91: {  	s15 =	simm.s32 $0xA;
	s4 =	simm.s32 $0x10  }
0x92: {  	[smem:s4], [sflag:s15] =	dma.local [hbm:s2], $0x1  }
0x93: {  	_ =	swait.eq [sflag:s15], $0x1  }
0x94: {  	[sflag:s15] =	ssyncset.done $0x0  }
0x95: {  	[sflag:s15] =	ssyncadd.s32 $0xFFFFFFFF  }
0x96: {  	s16 =	sld [smem:$0x10];
	(tm) =	ssettm $0x1  }
0x97: {  	s17 =	sld [smem:$0x3FFB];
	_ =	sdelay $0x3  }
0x98: {  	_ =	strace s17  }
0x99: {  	s3 =	sld [smem:$0x3FFC];
	_ =	sdelay $0x3  }
0x9a: {  	_ =	strace s3  }
0x9b: {  	s3 =	sld [smem:$0x3FFD];
	_ =	sdelay $0x3  }
0x9c: {  	_ =	strace s3  }
0x9d: {  	_ =	strace $0x8FFFFFFF  }
0x9e: {  	s18 =	sld [smem:$0x3FDB];
	_ =	sdelay $0x1  }
0x9f: {  	s19 =	simm.s32 $_scs_section_size  }
0xa0: {  	s5 =	simm.s32 $_size__tile_overlayer_lowered;
	s6 =	simm.s32 $_tile_overlayer_lowered  }
0xa1: {  	s22 =	simm.s32 $0x1BFF;
	s21 =	sshll.u32 s6, $0x1;
	s3 =	sadd.s32 s19, s18  }
0xa2: {  	s7 =	simm.s32 $0x0;
	s20 =	sshll.u32 s5, $0x1;
	s5 =	sadd.s32 s21, s3  }
0xa3: {  	[timem:s7], [sflag:s22] =	dma.local [hbm:s5], s20  }
0xa4: {  	_ =	swait.ge [sflag:s22], s20  }
0xa5: {  	s4 =	ssub.s32 $0x0, s20;
	[sflag:s22] =	ssyncset.done $0x0  }
0xa6: {  	[sflag:s22] =	ssyncadd.s32 s4;
	_ =	sdelay $0x1  }
0xa7: {  	s23 =	simm.s32 $0x1B8B  }
0xa8: {  	_ =	swait.ge [sflag:s23], $0x1  }
0xa9: {  	[sflag:s23] =	ssyncset.done $0x0  }
0xaa: {  	s25 =	simm.s32 $0x1B8E;
	s24 =	sld [smem:$0x3FFE];
	[sflag:s23] =	ssyncadd.s32 $0xFFFFFFFF  }
0xab: {  	s26 =	simm.s32 $execute0_lowered;
	[smem:$0x3FD2] =	sst s25  }
0xac: {  	s5 =	sshll.u32 s26, $0x1;
	_ =	strace $0x80000049;
	[dreg:$0x1] =	wrdreg $0xFFFFFFFF  }
0xad: {  	s28 =	simm.s32 $_size_execute0_lowered;
	s3 =	sadd.s32 s3, s5;
	[dreg:$0x0] =	wrdreg $0x0  }
0xae: {  	s5 =	sshll.u32 s28, $0x1;
	[dreg:$0x2] =	wrdreg s3  }
0xaf: {  	[dreg:$0x3] =	wrdreg s5  }
0xb0: {  	[dreg:$0x4] =	wrdreg $0xC0  }
0xb1: {  	_ =	task [dreg:s7], $0x5FFFF  }
0xb2: {  	[dreg:$0x1] =	wrdreg $0xFFFFFFFF  }
0xb3: {  	[dreg:$0x0] =	wrdreg $0x60  }
0xb4: {  	[dreg:$0x2] =	wrdreg s24  }
0xb5: {  	[dreg:$0x3] =	wrdreg s16  }
0xb6: {  	[dreg:$0x4] =	wrdreg $0x9  }
0xb7: {  	_ =	task.clear_ibuf [dreg:s7], $0x5FFFF;
	_ =	strace $0x90000049  }
0xb8: {  	s29 =	simm.s32 $0x9;
	_ =	strace $0x8000004B  }
0xb9: {  	_ =	swait.ge [sflag:s29], $0x1  }
0xba: {  	[sflag:s29] =	ssyncadd.s32 $0xFFFFFFFF  }
0xbb: {  	_ =	strace $0x9000004B  }
0xbc: {  	_ =	sfence  }
0xbd: {  	s30 =	sld [smem:$0x0];
	_ =	sdelay $0x2  }
0xbe: {  	s31 =	sshll.u32 s1, $0xD;
	s1 =	sshrl.u32 s1, $0x2  }
0xbf: {  	s3 =	sand.u32 $0x4000, s31;
	s1 =	sadd.s32 s1, s30  }
0xc0: {  	s0 =	sor.u32 s3, s0;
	s1 =	sshll.u32 s1, $0x11  }
0xc1: {  	s0 =	sor.u32 s1, s0  }
0xc2: {  	s0 =	sadd.s32 $0x8F2B, s0  }
0xc3: {  	[sflag:s0] =	ssyncadd.remote.s32 $0x1  }
0xc4: {  	_ =	sfence.sel $0xFFFF  }
0xc5: {  	[dreg:$0x0] =	wrdreg $0xFFFFFFFF;
	(pc) =	sbr.abs _section_cstart, $3  }
0xc6: {  	[dreg:$0x1] =	wrdreg $0xFFFFFFFF  }
0xc7: {  	_ =	task.clear_ibuf [dreg:s7], $0x2FFFF;
	_ =	strace $0x9FFFFFFF  }
0xc8: {  	(tm) =	ssettm $0x7FFFFFFF  }
0xc9: {  	_ =	shalt  }
tec
execute0_lowered:
.L_overlay_start_1:
0x0: {  	(tag) =	ssettag $0x1  }
0x1: {  	s0 =	rddreg [dreg:$0x0]  }
0x2: {  	s1 =	simm.s32 $0x0;
	s26 =	srdreg.scid;
	s8 =	stileid.u32  }
0x3: {  	s13 =	simm.s32 $0x3;
	s17 =	simm.s32 $0x1100;
	s18 =	simm.s32 $0x1900  }
0x4: {  	s19 =	simm.s32 $0x2100;
	s20 =	simm.s32 $0x2900;
	s21 =	simm.s32 $0x3100  }
0x5: {  	s22 =	simm.s32 $0x3900;
	s23 =	simm.s32 $0x4100;
	s24 =	simm.s32 $0x4900  }
0x6: {  	s25 =	simm.s32 $0x5100;
	s28 =	simm.s32 $0x1;
	s29 =	simm.s32 $0x2  }
0x7: {  	s30 =	simm.s32 $0x7100;
	[smem:$0x7FF] =	sst s1;
	s3 =	sadd.s32 $0x10800, s0  }
0x8: {  	s5 =	sadd.s32 $0x10400, s0;
	s6 =	sadd.s32 $0x10600, s0;
	s1 =	sand.u32 $0x1, s26  }
0x9: {  	s7 =	sadd.s32 $0x400, s0;
	s9 =	sshll.u32 s8, $0x7;
	s2 =	ssub.s32 $0x2, s1  }
0xa: {  	s8 =	sadd.s32 $0x8400, s0;
	s10 =	sadd.s32 $0x10900, s0;
	s4 =	sshrl.u32 s2, $0x1  }
0xb: {  	v2 =	vlaneseq.u32;
	s11 =	sadd.s32 $0x10A00, s0;
	s26 =	simm.s32 $0x5900;
	s2 =	ssub.s32 s2, s4  }
0xc: {  	vm0 =	vmmov $0xffff;
	v1 =	vshrl.u32 v2, $0x3;
	_ =	strace $0x8000004A;
	s1 =	sshll.u32 s1, $0x6;
	s31 =	smax.u32 s2, $0x1  }
0xd: {  	v0 =	vand.u32 $0x7, v2;
	v2 =	vor.u32 $0x8, v2;
	v1 =	vmul.u32 $0x8, v1;
	s9 =	sor.u32 s1, s9;
	s1 =	simm.s32 $0x0;
	[dreg:$0x3] =	wrdreg s31  }
.LBB2_1:
0xe: {  	[dreg:$0x4] =	wrdreg s1;
	s0 =	simm.s32 $0x0  }
.LBB2_2:
0xf: {  	s1 =	sshll.u32 s0, $0x4  }
0x10: {  	s1 =	sadd.s32 s9, s1  }
0x11: {  	s4 =	sshrl.u32 s1, $0x3  }
0x12: {  	s14 =	simm.s32 $0x0;
	s2 =	sadd.s32 s5, s4  }
0x13: {  	[tilespmem:s14], [sflag:$0x3] =	stream.linear.gather [hbm4b:s2+s14], $0x10, $0x38;
	[tilespmem:$0xA100] =	vst v63  }
0x14: {  	_ =	swait.ge [sflag:s13], $0x10  }
0x15: {  	[sflag:s13] =	ssyncset.done $0x0  }
0x16: {  	s12 =	simm.s32 $0x80;
	s15 =	sadd.s32 s6, s4;
	[sflag:s13] =	ssyncadd.s32 $0xFFFFFFF0  }
0x17: {  	[tilespmem:s12], [sflag:$0x3] =	stream.linear.gather [hbm4b:s15+s14], $0x10, $0x38;
	[tilespmem:$0xA100] =	vst v63  }
0x18: {  	_ =	swait.ge [sflag:s13], $0x10  }
0x19: {  	s1 =	sshll.u32 s1, $0x4;
	[sflag:s13] =	ssyncset.done $0x0  }
0x1a: {  	s16 =	sadd.s32 s7, s1;
	s12 =	simm.s32 $0x6100;
	[sflag:s13] =	ssyncadd.s32 $0xFFFFFFF0  }
0x1b: {  	[tilespmem:s12], [sflag:$0x3] =	stream.linear.gather [hbm4b:s16+s14], $0x800, $0x38;
	[tilespmem:$0xA100] =	vst v63  }
0x1c: {  	_ =	swait.ge [sflag:s13], $0x800  }
0x1d: {  	[sflag:s13] =	ssyncset.done $0x0  }
0x1e: {  	s31 =	simm.s32 $0x6900;
	s1 =	sadd.s32 s8, s1;
	[sflag:s13] =	ssyncadd.s32 $0xFFFFF800  }
0x1f: {  	[tilespmem:s31], [sflag:$0x3] =	stream.linear.gather [hbm4b:s1+s14], $0x800, $0x38;
	[tilespmem:$0xA100] =	vst v63  }
0x20: {  	_ =	swait.ge [sflag:s13], $0x800  }
0x21: {  	[sflag:s13] =	ssyncset.done $0x0  }
0x22: {  	[sflag:s13] =	ssyncadd.s32 $0xFFFFF800  }
0x23: {  	v3 =	vld [tilespmem:$0x0];
	_ =	sdelay $0x4  }
0x24: {  	v4 =	vshrl.u32 v3, $0x3  }
0x25: {  	v4 =	vmul.u32 $0x30, v4  }
0x26: {  	v3 =	vand.u32 $0x7, v3  }
0x27: {  	v3 =	vor.u32 v3, v4  }
0x28: {  	v4 =	vperm.xlane v3, v0;
	_ =	sdelay $0x1  }
0x29: {  	v4 =	vadd.s32 v1, v4;
	_ =	sdelay $0x3  }
0x2a: {  	s15 =	simm.s32 $0x100;
	v3 =	vperm.xlane v3, v2  }
0x2b: {  	[tilespmem:s15], [sflag:$0x1] =	stream.indirect_vreg.gather [hbm4b:s3+s14], $0x80, v4, vm0, $0xb8;
	[tilespmem:$0xA100] =	vst v63  }
0x2c: {  	s16 =	simm.s32 $0x900;
	v3 =	vadd.s32 v1, v3  }
0x2d: {  	[tilespmem:s16], [sflag:$0x1] =	stream.indirect_vreg.gather [hbm4b:s10+s14], $0x80, v4, vm0, $0xb8;
	[tilespmem:$0xA100] =	vst v63  }
0x2e: {  	_ = 	snop  }
0x2f: {  	[tilespmem:s17], [sflag:$0x1] =	stream.indirect_vreg.gather [hbm4b:s11+s14], $0x80, v4, vm0, $0xb8;
	[tilespmem:$0xA100] =	vst v63  }
0x30: {  	_ = 	snop  }
0x31: {  	[tilespmem:s18], [sflag:$0x1] =	stream.indirect_vreg.gather [hbm4b:s3+s14], $0x80, v3, vm0, $0xb8;
	[tilespmem:$0xA100] =	vst v63  }
0x32: {  	_ = 	snop  }
0x33: {  	[tilespmem:s19], [sflag:$0x1] =	stream.indirect_vreg.gather [hbm4b:s10+s14], $0x80, v3, vm0, $0xb8;
	[tilespmem:$0xA100] =	vst v63  }
0x34: {  	_ = 	snop  }
0x35: {  	[tilespmem:s20], [sflag:$0x1] =	stream.indirect_vreg.gather [hbm4b:s11+s14], $0x80, v3, vm0, $0xb8;
	[tilespmem:$0xA100] =	vst v63  }
0x36: {  	v3 =	vld [tilespmem:$0x80];
	_ =	sdelay $0x4  }
0x37: {  	v4 =	vshrl.u32 v3, $0x3  }
0x38: {  	v4 =	vmul.u32 $0x30, v4  }
0x39: {  	v3 =	vand.u32 $0x7, v3  }
0x3a: {  	v3 =	vor.u32 v3, v4  }
0x3b: {  	v4 =	vperm.xlane v3, v0;
	_ =	sdelay $0x1  }
0x3c: {  	v4 =	vadd.s32 v1, v4;
	_ =	sdelay $0x3  }
0x3d: {  	v3 =	vperm.xlane v3, v2  }
0x3e: {  	[tilespmem:s21], [sflag:$0x2] =	stream.indirect_vreg.gather [hbm4b:s3+s14], $0x80, v4, vm0, $0xb8;
	[tilespmem:$0xA100] =	vst v63  }
0x3f: {  	v3 =	vadd.s32 v1, v3  }
0x40: {  	[tilespmem:s22], [sflag:$0x2] =	stream.indirect_vreg.gather [hbm4b:s10+s14], $0x80, v4, vm0, $0xb8;
	[tilespmem:$0xA100] =	vst v63  }
0x41: {  	_ = 	snop  }
0x42: {  	[tilespmem:s23], [sflag:$0x2] =	stream.indirect_vreg.gather [hbm4b:s11+s14], $0x80, v4, vm0, $0xb8;
	[tilespmem:$0xA100] =	vst v63  }
0x43: {  	_ = 	snop  }
0x44: {  	[tilespmem:s24], [sflag:$0x2] =	stream.indirect_vreg.gather [hbm4b:s3+s14], $0x80, v3, vm0, $0xb8;
	[tilespmem:$0xA100] =	vst v63  }
0x45: {  	_ = 	snop  }
0x46: {  	[tilespmem:s25], [sflag:$0x2] =	stream.indirect_vreg.gather [hbm4b:s10+s14], $0x80, v3, vm0, $0xb8;
	[tilespmem:$0xA100] =	vst v63  }
0x47: {  	_ = 	snop  }
0x48: {  	[tilespmem:s26], [sflag:$0x2] =	stream.indirect_vreg.gather [hbm4b:s11+s14], $0x80, v3, vm0, $0xb8;
	[tilespmem:$0xA100] =	vst v63  }
0x49: {  	_ =	swait.ge [sflag:s28], $0x3000  }
0x4a: {  	[sflag:s28] =	ssyncset.done $0x0  }
0x4b: {  	s2 =	simm.s32 $0x0;
	[sflag:s28] =	ssyncadd.s32 $0xFFFFD000  }
0x4c: {  	s1 =	smul.u32 $0x1800, s2;
	_ =	swait.ge [sflag:s29], $0x3000  }
0x4d: {  	s15 =	sand.u32 $0x380, s14;
	[sflag:s29] =	ssyncset.done $0x0  }
0x4e: {  	s14 =	sor.u32 s15, s1;
	[sflag:s29] =	ssyncadd.s32 $0xFFFFD000  }
0x4f: {  	v10 =	vld [tilespmem:s14+$0x100]  }
0x50: {  	v5 =	vld [tilespmem:s14+$0x110]  }
0x51: {  	v6 =	vld [tilespmem:s14+$0x3110]  }
0x52: {  	v4 =	vld [tilespmem:s14+$0x120]  }
0x53: {  	v7 =	vld [tilespmem:s14+$0x3120]  }
0x54: {  	v3 =	vld [tilespmem:s14+$0x150]  }
0x55: {  	v8 =	vld [tilespmem:s14+$0x160]  }
0x56: {  	v9 =	vld [tilespmem:s14+$0x170]  }
0x57: {  	v13 =	vld [tilespmem:s14+$0x500]  }
0x58: {  	v14 =	vld [tilespmem:s14+$0x510]  }
0x59: {  	v15 =	vld [tilespmem:s14+$0x520]  }
0x5a: {  	v16 =	vld [tilespmem:s14+$0x530]  }
0x5b: {  	v17 =	vld [tilespmem:s14+$0x540]  }
0x5c: {  	v18 =	vld [tilespmem:s14+$0x550]  }
0x5d: {  	v19 =	vld [tilespmem:s14+$0x560]  }
0x5e: {  	v20 =	vld [tilespmem:s14+$0x570]  }
0x5f: {  	v21 =	vld [tilespmem:s14+$0x900]  }
0x60: {  	v22 =	vld [tilespmem:s14+$0x910]  }
0x61: {  	v23 =	vld [tilespmem:s14+$0x920]  }
0x62: {  	v24 =	vld [tilespmem:s14+$0x930]  }
0x63: {  	v25 =	vld [tilespmem:s14+$0x940]  }
0x64: {  	v26 =	vld [tilespmem:s14+$0x950]  }
0x65: {  	v27 =	vld [tilespmem:s14+$0x960]  }
0x66: {  	v28 =	vld [tilespmem:s14+$0x970]  }
0x67: {  	v29 =	vld [tilespmem:s14+$0xD00]  }
0x68: {  	v30 =	vld [tilespmem:s14+$0xD10]  }
0x69: {  	v31 =	vld [tilespmem:s14+$0xD20]  }
0x6a: {  	v32 =	vld [tilespmem:s14+$0xD30]  }
0x6b: {  	v33 =	vld [tilespmem:s14+$0xD40]  }
0x6c: {  	v34 =	vld [tilespmem:s14+$0xD50]  }
0x6d: {  	v35 =	vld [tilespmem:s14+$0xD60]  }
0x6e: {  	v36 =	vld [tilespmem:s14+$0xD70]  }
0x6f: {  	v37 =	vld [tilespmem:s14+$0x1100]  }
0x70: {  	v38 =	vld [tilespmem:s14+$0x1110]  }
0x71: {  	v39 =	vld [tilespmem:s14+$0x1120]  }
0x72: {  	v40 =	vld [tilespmem:s14+$0x1130]  }
0x73: {  	v41 =	vld [tilespmem:s14+$0x1140]  }
0x74: {  	v42 =	vld [tilespmem:s14+$0x1150]  }
0x75: {  	v43 =	vld [tilespmem:s14+$0x1160]  }
0x76: {  	v44 =	vld [tilespmem:s14+$0x1500]  }
0x77: {  	v45 =	vld [tilespmem:s14+$0x1510]  }
0x78: {  	v46 =	vld [tilespmem:s14+$0x4510]  }
0x79: {  	v47 =	vld [tilespmem:s14+$0x1520]  }
0x7a: {  	v48 =	vld [tilespmem:s14+$0x1530]  }
0x7b: {  	v49 =	vld [tilespmem:s14+$0x4530]  }
0x7c: {  	v11 =	vld [tilespmem:s12+$0x0]  }
0x7d: {  	v12 =	vld [tilespmem:s31+$0x0]  }
0x7e: {  	v50 =	vld [tilespmem:s14+$0x4520]  }
0x7f: {  	v51 =	vld [tilespmem:s14+$0x4500]  }
0x80: {  	v52 =	vld [tilespmem:s14+$0x1170]  }
0x81: {  	v53 =	vld [tilespmem:s14+$0x4170]  }
0x82: {  	v54 =	vld [tilespmem:s14+$0x4160];
	v48 =	vmul.f32 v48, v11;
	v49 =	vmul.f32 v49, v12  }
0x83: {  	v55 =	vld [tilespmem:s14+$0x4150];
	v47 =	vmul.f32 v47, v11;
	v50 =	vmul.f32 v50, v12  }
0x84: {  	v56 =	vld [tilespmem:s14+$0x4140];
	v45 =	vmul.f32 v45, v11;
	v46 =	vmul.f32 v46, v12;
	v48 =	vadd.f32 v49, v48  }
0x85: {  	v58 =	vld [tilespmem:s14+$0x3D70];
	v44 =	vmul.f32 v44, v11;
	v60 =	vmul.f32 v51, v12;
	v47 =	vadd.f32 v50, v47  }
0x86: {  	v51 =	vld [tilespmem:s14+$0x4130];
	v61 =	vmul.f32 v52, v11;
	v62 =	vmul.f32 v53, v12;
	v45 =	vadd.f32 v46, v45;
	[tilespmem:s14+$0x8530] =	vst v48  }
0x87: {  	v43 =	vmul.f32 v43, v11;
	v63 =	vmul.f32 v54, v12;
	v52 =	vld [tilespmem:s14+$0x3D30];
	v44 =	vadd.f32 v60, v44;
	[tilespmem:s14+$0x8520] =	vst v47  }
0x88: {  	v42 =	vmul.f32 v42, v11;
	v57 =	vmul.f32 v55, v12;
	v53 =	vld [tilespmem:s14+$0x3D20];
	v50 =	vadd.f32 v62, v61;
	[tilespmem:s14+$0x8510] =	vst v45  }
0x89: {  	v41 =	vmul.f32 v41, v11;
	v59 =	vmul.f32 v56, v12;
	v46 =	vld [tilespmem:s14+$0x4120];
	v43 =	vadd.f32 v63, v43;
	[tilespmem:s14+$0x8500] =	vst v44  }
0x8a: {  	v36 =	vmul.f32 v36, v11;
	v60 =	vld [tilespmem:s14+$0x3D60];
	v42 =	vadd.f32 v57, v42;
	[tilespmem:s14+$0x8170] =	vst v50;
	v45 =	vmul.f32 v58, v12  }
0x8b: {  	v40 =	vmul.f32 v40, v11;
	v62 =	vld [tilespmem:s14+$0x3D50];
	v41 =	vadd.f32 v59, v41;
	[tilespmem:s14+$0x8160] =	vst v43;
	v61 =	vmul.f32 v51, v12  }
0x8c: {  	v32 =	vmul.f32 v32, v11;
	v63 =	vld [tilespmem:s14+$0x3D40];
	[tilespmem:s14+$0x8150] =	vst v42;
	v42 =	vmul.f32 v52, v12;
	v36 =	vadd.f32 v45, v36  }
0x8d: {  	v31 =	vmul.f32 v31, v11;
	v59 =	vld [tilespmem:s14+$0x3950];
	[tilespmem:s14+$0x8140] =	vst v41;
	v41 =	vmul.f32 v53, v12;
	v40 =	vadd.f32 v61, v40  }
0x8e: {  	v39 =	vmul.f32 v39, v11;
	v48 =	vld [tilespmem:s14+$0x4110];
	v46 =	vmul.f32 v46, v12;
	v32 =	vadd.f32 v42, v32;
	[tilespmem:s14+$0x7D70] =	vst v36  }
0x8f: {  	v35 =	vmul.f32 v35, v11;
	v47 =	vld [tilespmem:s14+$0x4100];
	v44 =	vmul.f32 v60, v12;
	v31 =	vadd.f32 v41, v31;
	[tilespmem:s14+$0x8130] =	vst v40  }
0x90: {  	v54 =	vld [tilespmem:s14+$0x3D10];
	v34 =	vmul.f32 v34, v11;
	v56 =	vmul.f32 v62, v12;
	v39 =	vadd.f32 v46, v39;
	[tilespmem:s14+$0x7D30] =	vst v32  }
0x91: {  	v55 =	vld [tilespmem:s14+$0x3D00];
	v33 =	vmul.f32 v33, v11;
	v43 =	vmul.f32 v63, v12;
	v35 =	vadd.f32 v44, v35;
	[tilespmem:s14+$0x7D20] =	vst v31  }
0x92: {  	v26 =	vmul.f32 v26, v11;
	v60 =	vld [tilespmem:s14+$0x3940];
	v36 =	vmul.f32 v59, v12;
	v34 =	vadd.f32 v56, v34;
	[tilespmem:s14+$0x8120] =	vst v39  }
0x93: {  	v38 =	vmul.f32 v38, v11;
	v61 =	vld [tilespmem:s14+$0x3930];
	v48 =	vmul.f32 v48, v12;
	v33 =	vadd.f32 v43, v33;
	[tilespmem:s14+$0x7D60] =	vst v35  }
0x94: {  	v37 =	vmul.f32 v37, v11;
	v57 =	vld [tilespmem:s14+$0x3970];
	v47 =	vmul.f32 v47, v12;
	v26 =	vadd.f32 v36, v26;
	[tilespmem:s14+$0x7D50] =	vst v34  }
0x95: {  	v30 =	vmul.f32 v30, v11;
	v62 =	vld [tilespmem:s14+$0x3920];
	v40 =	vmul.f32 v54, v12;
	v38 =	vadd.f32 v48, v38;
	[tilespmem:s14+$0x7D40] =	vst v33  }
0x96: {  	v29 =	vmul.f32 v29, v11;
	v58 =	vld [tilespmem:s14+$0x3960];
	v37 =	vadd.f32 v47, v37;
	v39 =	vmul.f32 v55, v12;
	[tilespmem:s14+$0x7950] =	vst v26  }
0x97: {  	v25 =	vmul.f32 v25, v11;
	v63 =	vld [tilespmem:s14+$0x3910];
	v30 =	vadd.f32 v40, v30;
	v35 =	vmul.f32 v60, v12;
	[tilespmem:s14+$0x8110] =	vst v38  }
0x98: {  	v24 =	vmul.f32 v24, v11;
	v31 =	vld [tilespmem:s14+$0x3900];
	v34 =	vmul.f32 v61, v12;
	[tilespmem:s14+$0x8100] =	vst v37;
	v29 =	vadd.f32 v39, v29  }
0x99: {  	v28 =	vmul.f32 v28, v11;
	v26 =	vld [tilespmem:s14+$0x3530];
	v38 =	vmul.f32 v57, v12;
	[tilespmem:s14+$0x7D10] =	vst v30;
	v25 =	vadd.f32 v35, v25  }
0x9a: {  	v23 =	vmul.f32 v23, v11;
	v33 =	vmul.f32 v62, v12;
	v30 =	vld [tilespmem:s14+$0x3570];
	v24 =	vadd.f32 v34, v24;
	[tilespmem:s14+$0x7D00] =	vst v29  }
0x9b: {  	v27 =	vmul.f32 v27, v11;
	v37 =	vmul.f32 v58, v12;
	v28 =	vadd.f32 v38, v28;
	v29 =	vld [tilespmem:s14+$0x3560];
	[tilespmem:s14+$0x7940] =	vst v25  }
0x9c: {  	v22 =	vmul.f32 v22, v11;
	v32 =	vmul.f32 v63, v12;
	v23 =	vadd.f32 v33, v23;
	v25 =	vld [tilespmem:s14+$0x3520];
	[tilespmem:s14+$0x7930] =	vst v24  }
0x9d: {  	v21 =	vmul.f32 v21, v11;
	v31 =	vmul.f32 v31, v12;
	v27 =	vadd.f32 v37, v27;
	[tilespmem:s14+$0x7970] =	vst v28;
	v28 =	vld [tilespmem:s14+$0x3550]  }
0x9e: {  	v16 =	vmul.f32 v16, v11;
	v22 =	vadd.f32 v32, v22;
	v24 =	vld [tilespmem:s14+$0x3510];
	[tilespmem:s14+$0x7920] =	vst v23;
	v26 =	vmul.f32 v26, v12  }
0x9f: {  	v20 =	vmul.f32 v20, v11;
	v21 =	vadd.f32 v31, v21;
	[tilespmem:s14+$0x7960] =	vst v27;
	v27 =	vld [tilespmem:s14+$0x3540];
	v30 =	vmul.f32 v30, v12  }
0xa0: {  	v19 =	vmul.f32 v19, v11;
	v23 =	vld [tilespmem:s14+$0x3500];
	[tilespmem:s14+$0x7910] =	vst v22;
	v16 =	vadd.f32 v26, v16;
	v29 =	vmul.f32 v29, v12  }
0xa1: {  	v15 =	vmul.f32 v15, v11;
	v22 =	vld [tilespmem:s14+$0x3170];
	[tilespmem:s14+$0x7900] =	vst v21;
	v20 =	vadd.f32 v30, v20;
	v25 =	vmul.f32 v25, v12  }
0xa2: {  	v18 =	vmul.f32 v18, v11;
	v21 =	vld [tilespmem:s14+$0x3160];
	[tilespmem:s14+$0x7530] =	vst v16;
	v28 =	vmul.f32 v28, v12;
	v19 =	vadd.f32 v29, v19  }
0xa3: {  	v14 =	vmul.f32 v14, v11;
	v24 =	vmul.f32 v24, v12;
	[tilespmem:s14+$0x7570] =	vst v20;
	v20 =	vld [tilespmem:s14+$0x3150];
	v15 =	vadd.f32 v25, v15  }
0xa4: {  	v17 =	vmul.f32 v17, v11;
	v16 =	vld [tilespmem:s14+$0x3130];
	v27 =	vmul.f32 v27, v12;
	v18 =	vadd.f32 v28, v18;
	[tilespmem:s14+$0x7560] =	vst v19  }
0xa5: {  	v13 =	vmul.f32 v13, v11;
	v23 =	vmul.f32 v23, v12;
	v14 =	vadd.f32 v24, v14;
	v19 =	vld [tilespmem:s14+$0x140];
	[tilespmem:s14+$0x7520] =	vst v15  }
0xa6: {  	v9 =	vmul.f32 v9, v11;
	v22 =	vmul.f32 v22, v12;
	v17 =	vadd.f32 v27, v17;
	[tilespmem:s14+$0x7550] =	vst v18;
	v18 =	vld [tilespmem:s14+$0x3140]  }
0xa7: {  	v8 =	vmul.f32 v8, v11;
	v21 =	vmul.f32 v21, v12;
	v13 =	vadd.f32 v23, v13;
	v15 =	vld [tilespmem:s14+$0x1540];
	[tilespmem:s14+$0x7510] =	vst v14  }
0xa8: {  	v3 =	vmul.f32 v3, v11;
	v9 =	vadd.f32 v22, v9;
	[tilespmem:s14+$0x7540] =	vst v17;
	v17 =	vld [tilespmem:s14+$0x130];
	v20 =	vmul.f32 v20, v12  }
0xa9: {  	s16 =	simm.s32 $0x0;
	v14 =	vld [tilespmem:s14+$0x4540];
	v8 =	vadd.f32 v21, v8;
	[tilespmem:s14+$0x7500] =	vst v13  }
0xaa: {  	s2 =	simm.s32 $0x80;
	s1 =	smul.u32 $0x1800, s16;
	v13 =	vld [tilespmem:s14+$0x1550];
	[tilespmem:s14+$0x7170] =	vst v9;
	v3 =	vadd.f32 v20, v3  }
0xab: {  	s15 =	sand.u32 $0x380, s2;
	v9 =	vld [tilespmem:s14+$0x4550];
	[tilespmem:s14+$0x7160] =	vst v8;
	v19 =	vmul.f32 v19, v11;
	v18 =	vmul.f32 v18, v12  }
0xac: {  	s1 =	sor.u32 s15, s1;
	v8 =	vld [tilespmem:s14+$0x1560];
	[tilespmem:s14+$0x7150] =	vst v3  }
0xad: {  	v16 =	vmul.f32 v16, v12;
	v17 =	vmul.f32 v17, v11;
	v3 =	vld [tilespmem:s1+$0x100];
	v18 =	vadd.f32 v18, v19  }
0xae: {  	v19 =	vld [tilespmem:s14+$0x4560]  }
0xaf: {  	v16 =	vadd.f32 v16, v17;
	v17 =	vld [tilespmem:s14+$0x1570];
	[tilespmem:s14+$0x7140] =	vst v18  }
0xb0: {  	v7 =	vmul.f32 v7, v12;
	v20 =	vmul.f32 v4, v11;
	v4 =	vld [tilespmem:s1+$0x110]  }
0xb1: {  	v6 =	vmul.f32 v6, v12;
	v18 =	vmul.f32 v5, v11;
	[tilespmem:s14+$0x7130] =	vst v16;
	v16 =	vld [tilespmem:s14+$0x4570]  }
0xb2: {  	v15 =	vmul.f32 v15, v11;
	v14 =	vmul.f32 v14, v12;
	v7 =	vadd.f32 v7, v20;
	v20 =	vld [tilespmem:s14+$0x3100]  }
0xb3: {  	v18 =	vadd.f32 v6, v18  }
0xb4: {  	v13 =	vmul.f32 v13, v11;
	v9 =	vmul.f32 v9, v12;
	v14 =	vadd.f32 v14, v15;
	v5 =	vld [tilespmem:s1+$0x3110];
	[tilespmem:s14+$0x7120] =	vst v7  }
0xb5: {  	v15 =	vmul.f32 v8, v11;
	v6 =	vld [tilespmem:s1+$0x120];
	[tilespmem:s14+$0x7110] =	vst v18;
	v18 =	vmul.f32 v19, v12  }
0xb6: {  	v9 =	vadd.f32 v9, v13;
	v13 =	vmul.f32 v17, v11;
	v7 =	vld [tilespmem:s1+$0x3120];
	[tilespmem:s14+$0x8540] =	vst v14;
	v14 =	vmul.f32 v16, v12  }
0xb7: {  	v10 =	vmul.f32 v10, v11;
	v15 =	vadd.f32 v18, v15;
	v12 =	vmul.f32 v20, v12  }
0xb8: {  	v8 =	vld [tilespmem:s1+$0x130];
	[tilespmem:s14+$0x8550] =	vst v9;
	v13 =	vadd.f32 v14, v13  }
0xb9: {  	v9 =	vld [tilespmem:s1+$0x3130];
	[tilespmem:s14+$0x8560] =	vst v15;
	v12 =	vadd.f32 v12, v10  }
0xba: {  	v11 =	vld [tilespmem:s1+$0x140];
	[tilespmem:s14+$0x8570] =	vst v13  }
0xbb: {  	v10 =	vld [tilespmem:s1+$0x3140];
	[tilespmem:s14+$0x7100] =	vst v12  }
0xbc: {  	v12 =	vld [tilespmem:s1+$0x150]  }
0xbd: {  	v13 =	vld [tilespmem:s1+$0x160]  }
0xbe: {  	v14 =	vld [tilespmem:s1+$0x170]  }
0xbf: {  	v15 =	vld [tilespmem:s1+$0x500]  }
0xc0: {  	v16 =	vld [tilespmem:s1+$0x510]  }
0xc1: {  	v17 =	vld [tilespmem:s1+$0x520]  }
0xc2: {  	v18 =	vld [tilespmem:s1+$0x530]  }
0xc3: {  	v19 =	vld [tilespmem:s1+$0x540]  }
0xc4: {  	v20 =	vld [tilespmem:s1+$0x550]  }
0xc5: {  	v21 =	vld [tilespmem:s1+$0x560]  }
0xc6: {  	v22 =	vld [tilespmem:s1+$0x570]  }
0xc7: {  	v23 =	vld [tilespmem:s1+$0x900]  }
0xc8: {  	v24 =	vld [tilespmem:s1+$0x910]  }
0xc9: {  	v25 =	vld [tilespmem:s1+$0x920]  }
0xca: {  	v26 =	vld [tilespmem:s1+$0x930]  }
0xcb: {  	v27 =	vld [tilespmem:s1+$0x940]  }
0xcc: {  	v28 =	vld [tilespmem:s1+$0x950]  }
0xcd: {  	v29 =	vld [tilespmem:s1+$0x960]  }
0xce: {  	v30 =	vld [tilespmem:s1+$0x970]  }
0xcf: {  	v32 =	vld [tilespmem:s1+$0xD00]  }
0xd0: {  	v34 =	vld [tilespmem:s1+$0xD10]  }
0xd1: {  	v35 =	vld [tilespmem:s1+$0xD20]  }
0xd2: {  	v36 =	vld [tilespmem:s1+$0xD30]  }
0xd3: {  	v37 =	vld [tilespmem:s1+$0xD40]  }
0xd4: {  	v38 =	vld [tilespmem:s1+$0xD50]  }
0xd5: {  	v39 =	vld [tilespmem:s1+$0xD60]  }
0xd6: {  	v40 =	vld [tilespmem:s1+$0xD70]  }
0xd7: {  	v41 =	vld [tilespmem:s1+$0x1100]  }
0xd8: {  	v42 =	vld [tilespmem:s1+$0x1110]  }
0xd9: {  	v43 =	vld [tilespmem:s1+$0x1120]  }
0xda: {  	v44 =	vld [tilespmem:s1+$0x1130]  }
0xdb: {  	v45 =	vld [tilespmem:s1+$0x1140]  }
0xdc: {  	v46 =	vld [tilespmem:s1+$0x1150]  }
0xdd: {  	v47 =	vld [tilespmem:s1+$0x1160]  }
0xde: {  	v48 =	vld [tilespmem:s1+$0x1500]  }
0xdf: {  	v50 =	vld [tilespmem:s1+$0x1510]  }
0xe0: {  	v49 =	vld [tilespmem:s1+$0x4510]  }
0xe1: {  	s14 =	simm.s32 $0x2;
	v51 =	vld [tilespmem:s1+$0x1520]  }
.LBB2_3:
0xe2: {  	p0 =	sne.s32 s14, $0xF;
	v52 =	vld [tilespmem:s1+$0x1530]  }
0xe3: {  	s12 =	sadd.s32 $0x80, s12;
	v53 =	vld [tilespmem:s1+$0x4530]  }
0xe4: {  	s31 =	sadd.s32 $0x80, s31;
	v33 =	vld [tilespmem:s12+$0x0]  }
0xe5: {  	v31 =	vld [tilespmem:s31+$0x0]  }
0xe6: {  	v54 =	vld [tilespmem:s1+$0x4520]  }
0xe7: {  	v55 =	vld [tilespmem:s1+$0x4500]  }
0xe8: {  	v56 =	vld [tilespmem:s1+$0x1170]  }
0xe9: {  	v57 =	vld [tilespmem:s1+$0x4170];
	v50 =	vmul.f32 v50, v33;
	v51 =	vmul.f32 v51, v33  }
0xea: {  	v52 =	vmul.f32 v52, v33;
	v58 =	vld [tilespmem:s1+$0x4160];
	v53 =	vmul.f32 v53, v31  }
0xeb: {  	v49 =	vmul.f32 v49, v31;
	v59 =	vld [tilespmem:s1+$0x4150];
	v54 =	vmul.f32 v54, v31  }
0xec: {  	v48 =	vmul.f32 v48, v33;
	v60 =	vld [tilespmem:s1+$0x4140];
	v55 =	vmul.f32 v55, v31;
	v52 =	vadd.f32 v53, v52  }
0xed: {  	v49 =	vadd.f32 v49, v50;
	v53 =	vld [tilespmem:s1+$0x4130];
	v56 =	vmul.f32 v56, v33;
	v50 =	vadd.f32 v54, v51  }
0xee: {  	v47 =	vmul.f32 v47, v33;
	v51 =	vld [tilespmem:s1+$0x4120];
	v54 =	vmul.f32 v57, v31;
	v48 =	vadd.f32 v55, v48;
	[tilespmem:s1+$0x8530] =	vst v52  }
0xef: {  	v46 =	vmul.f32 v46, v33;
	v52 =	vld [tilespmem:s1+$0x4110];
	v55 =	vmul.f32 v58, v31;
	[tilespmem:s1+$0x8520] =	vst v50  }
0xf0: {  	v45 =	vmul.f32 v45, v33;
	v50 =	vld [tilespmem:s1+$0x4100];
	v57 =	vmul.f32 v59, v31;
	v54 =	vadd.f32 v54, v56;
	[tilespmem:s1+$0x8510] =	vst v49  }
0xf1: {  	v44 =	vmul.f32 v44, v33;
	v49 =	vld [tilespmem:s1+$0x3D70];
	v56 =	vmul.f32 v60, v31;
	v47 =	vadd.f32 v55, v47;
	[tilespmem:s1+$0x8500] =	vst v48  }
0xf2: {  	v43 =	vmul.f32 v43, v33;
	v48 =	vld [tilespmem:s1+$0x3D60];
	v53 =	vmul.f32 v53, v31;
	v46 =	vadd.f32 v57, v46;
	[tilespmem:s1+$0x8170] =	vst v54  }
0xf3: {  	v42 =	vmul.f32 v42, v33;
	v54 =	vld [tilespmem:s1+$0x3D50];
	v51 =	vmul.f32 v51, v31;
	v45 =	vadd.f32 v56, v45;
	[tilespmem:s1+$0x8160] =	vst v47  }
0xf4: {  	v41 =	vmul.f32 v41, v33;
	v47 =	vld [tilespmem:s1+$0x3D40];
	v52 =	vmul.f32 v52, v31;
	v44 =	vadd.f32 v53, v44;
	[tilespmem:s1+$0x8150] =	vst v46  }
0xf5: {  	v40 =	vmul.f32 v40, v33;
	v46 =	vld [tilespmem:s1+$0x3D30];
	v50 =	vmul.f32 v50, v31;
	v43 =	vadd.f32 v51, v43;
	[tilespmem:s1+$0x8140] =	vst v45  }
0xf6: {  	v39 =	vmul.f32 v39, v33;
	v45 =	vld [tilespmem:s1+$0x3D20];
	v49 =	vmul.f32 v49, v31;
	v42 =	vadd.f32 v52, v42;
	[tilespmem:s1+$0x8130] =	vst v44  }
0xf7: {  	v38 =	vmul.f32 v38, v33;
	v44 =	vld [tilespmem:s1+$0x3D10];
	v48 =	vmul.f32 v48, v31;
	v41 =	vadd.f32 v50, v41;
	[tilespmem:s1+$0x8120] =	vst v43  }
0xf8: {  	v37 =	vmul.f32 v37, v33;
	v43 =	vld [tilespmem:s1+$0x3D00];
	v50 =	vmul.f32 v54, v31;
	v40 =	vadd.f32 v49, v40;
	[tilespmem:s1+$0x8110] =	vst v42  }
0xf9: {  	v36 =	vmul.f32 v36, v33;
	v42 =	vld [tilespmem:s1+$0x3970];
	v47 =	vmul.f32 v47, v31;
	v39 =	vadd.f32 v48, v39;
	[tilespmem:s1+$0x8100] =	vst v41  }
0xfa: {  	v35 =	vmul.f32 v35, v33;
	v41 =	vld [tilespmem:s1+$0x3960];
	v46 =	vmul.f32 v46, v31;
	v38 =	vadd.f32 v50, v38;
	[tilespmem:s1+$0x7D70] =	vst v40  }
0xfb: {  	v34 =	vmul.f32 v34, v33;
	v40 =	vld [tilespmem:s1+$0x3950];
	v45 =	vmul.f32 v45, v31;
	v37 =	vadd.f32 v47, v37;
	[tilespmem:s1+$0x7D60] =	vst v39  }
0xfc: {  	v32 =	vmul.f32 v32, v33;
	v39 =	vld [tilespmem:s1+$0x3940];
	v44 =	vmul.f32 v44, v31;
	v36 =	vadd.f32 v46, v36;
	[tilespmem:s1+$0x7D50] =	vst v38  }
0xfd: {  	v30 =	vmul.f32 v30, v33;
	v38 =	vld [tilespmem:s1+$0x3930];
	v43 =	vmul.f32 v43, v31;
	v35 =	vadd.f32 v45, v35;
	[tilespmem:s1+$0x7D40] =	vst v37  }
0xfe: {  	v29 =	vmul.f32 v29, v33;
	v37 =	vld [tilespmem:s1+$0x3920];
	v42 =	vmul.f32 v42, v31;
	v34 =	vadd.f32 v44, v34;
	[tilespmem:s1+$0x7D30] =	vst v36  }
0xff: {  	v28 =	vmul.f32 v28, v33;
	v36 =	vld [tilespmem:s1+$0x3910];
	v41 =	vmul.f32 v41, v31;
	v32 =	vadd.f32 v43, v32;
	[tilespmem:s1+$0x7D20] =	vst v35  }
0x100: {  	v27 =	vmul.f32 v27, v33;
	v35 =	vld [tilespmem:s1+$0x3900];
	v40 =	vmul.f32 v40, v31;
	v30 =	vadd.f32 v42, v30;
	[tilespmem:s1+$0x7D10] =	vst v34  }
0x101: {  	v26 =	vmul.f32 v26, v33;
	v34 =	vld [tilespmem:s1+$0x3570];
	v39 =	vmul.f32 v39, v31;
	v29 =	vadd.f32 v41, v29;
	[tilespmem:s1+$0x7D00] =	vst v32  }
0x102: {  	v25 =	vmul.f32 v25, v33;
	v32 =	vld [tilespmem:s1+$0x3560];
	v38 =	vmul.f32 v38, v31;
	v28 =	vadd.f32 v40, v28;
	[tilespmem:s1+$0x7970] =	vst v30  }
0x103: {  	v24 =	vmul.f32 v24, v33;
	v30 =	vld [tilespmem:s1+$0x3550];
	v37 =	vmul.f32 v37, v31;
	v27 =	vadd.f32 v39, v27;
	[tilespmem:s1+$0x7960] =	vst v29  }
0x104: {  	v23 =	vmul.f32 v23, v33;
	v29 =	vld [tilespmem:s1+$0x3540];
	v36 =	vmul.f32 v36, v31;
	v26 =	vadd.f32 v38, v26;
	[tilespmem:s1+$0x7950] =	vst v28  }
0x105: {  	v22 =	vmul.f32 v22, v33;
	v28 =	vld [tilespmem:s1+$0x3530];
	v35 =	vmul.f32 v35, v31;
	v25 =	vadd.f32 v37, v25;
	[tilespmem:s1+$0x7940] =	vst v27  }
0x106: {  	v21 =	vmul.f32 v21, v33;
	v27 =	vld [tilespmem:s1+$0x3520];
	v34 =	vmul.f32 v34, v31;
	v24 =	vadd.f32 v36, v24;
	[tilespmem:s1+$0x7930] =	vst v26  }
0x107: {  	v20 =	vmul.f32 v20, v33;
	v26 =	vld [tilespmem:s1+$0x3510];
	v32 =	vmul.f32 v32, v31;
	v23 =	vadd.f32 v35, v23;
	[tilespmem:s1+$0x7920] =	vst v25  }
0x108: {  	v19 =	vmul.f32 v19, v33;
	v25 =	vld [tilespmem:s1+$0x3500];
	v30 =	vmul.f32 v30, v31;
	v22 =	vadd.f32 v34, v22;
	[tilespmem:s1+$0x7910] =	vst v24  }
0x109: {  	v18 =	vmul.f32 v18, v33;
	v24 =	vld [tilespmem:s1+$0x3170];
	v29 =	vmul.f32 v29, v31;
	v21 =	vadd.f32 v32, v21;
	[tilespmem:s1+$0x7900] =	vst v23  }
0x10a: {  	v17 =	vmul.f32 v17, v33;
	v23 =	vld [tilespmem:s1+$0x3160];
	v28 =	vmul.f32 v28, v31;
	v20 =	vadd.f32 v30, v20;
	[tilespmem:s1+$0x7570] =	vst v22  }
0x10b: {  	v16 =	vmul.f32 v16, v33;
	v22 =	vld [tilespmem:s1+$0x3150];
	v27 =	vmul.f32 v27, v31;
	v19 =	vadd.f32 v29, v19;
	[tilespmem:s1+$0x7560] =	vst v21  }
0x10c: {  	v15 =	vmul.f32 v15, v33;
	v21 =	vmul.f32 v26, v31;
	v18 =	vadd.f32 v28, v18;
	[tilespmem:s1+$0x7550] =	vst v20;
	v20 =	vld [tilespmem:s1+$0x1540]  }
0x10d: {  	v14 =	vmul.f32 v14, v33;
	v25 =	vmul.f32 v25, v31;
	v17 =	vadd.f32 v27, v17;
	[tilespmem:s1+$0x7540] =	vst v19;
	v19 =	vld [tilespmem:s1+$0x4540]  }
0x10e: {  	v13 =	vmul.f32 v13, v33;
	v24 =	vmul.f32 v24, v31;
	v16 =	vadd.f32 v21, v16;
	[tilespmem:s1+$0x7530] =	vst v18;
	v18 =	vld [tilespmem:s1+$0x1550]  }
0x10f: {  	v12 =	vmul.f32 v12, v33;
	v21 =	vmul.f32 v23, v31;
	v15 =	vadd.f32 v25, v15;
	[tilespmem:s1+$0x7520] =	vst v17;
	v17 =	vld [tilespmem:s1+$0x4550]  }
0x110: {  	v11 =	vmul.f32 v11, v33;
	v22 =	vmul.f32 v22, v31;
	v14 =	vadd.f32 v24, v14;
	[tilespmem:s1+$0x7510] =	vst v16;
	v16 =	vld [tilespmem:s1+$0x1560]  }
0x111: {  	s15 =	sshrl.u32 s14, $0x3;
	v8 =	vmul.f32 v8, v33;
	v10 =	vmul.f32 v10, v31;
	v13 =	vadd.f32 v21, v13;
	[tilespmem:s1+$0x7500] =	vst v15;
	v15 =	vld [tilespmem:s1+$0x4560]  }
0x112: {  	s2 =	sadd.s32 $0x80, s2;
	s15 =	smul.u32 $0x1800, s15;
	v6 =	vmul.f32 v6, v33;
	v9 =	vmul.f32 v9, v31;
	v12 =	vadd.f32 v22, v12;
	[tilespmem:s1+$0x7170] =	vst v14;
	v14 =	vld [tilespmem:s1+$0x1570]  }
0x113: {  	s16 =	sand.u32 $0x380, s2;
	v21 =	vmul.f32 v4, v33;
	v4 =	vmul.f32 v7, v31;
	v7 =	vadd.f32 v10, v11;
	[tilespmem:s1+$0x7160] =	vst v13;
	v10 =	vld [tilespmem:s1+$0x4570]  }
0x114: {  	s15 =	sor.u32 s16, s15;
	v5 =	vmul.f32 v5, v31;
	v8 =	vadd.f32 v9, v8;
	v9 =	vmul.f32 v20, v33;
	v11 =	vld [tilespmem:s1+$0x3100];
	[tilespmem:s1+$0x7150] =	vst v12  }
0x115: {  	v6 =	vadd.f32 v4, v6;
	v13 =	vmul.f32 v18, v33;
	v12 =	vld [tilespmem:s15+$0x100];
	[tilespmem:s1+$0x7140] =	vst v7;
	v7 =	vmul.f32 v19, v31  }
0x116: {  	v18 =	vadd.f32 v5, v21;
	v16 =	vmul.f32 v16, v33;
	v4 =	vld [tilespmem:s15+$0x110];
	[tilespmem:s1+$0x7130] =	vst v8;
	v8 =	vmul.f32 v17, v31  }
0x117: {  	v15 =	vmul.f32 v15, v31;
	v5 =	vld [tilespmem:s15+$0x3110];
	[tilespmem:s1+$0x7120] =	vst v6;
	v9 =	vadd.f32 v7, v9;
	v14 =	vmul.f32 v14, v33  }
0x118: {  	v17 =	vmul.f32 v3, v33;
	v6 =	vld [tilespmem:s15+$0x120];
	[tilespmem:s1+$0x7110] =	vst v18;
	v18 =	vadd.f32 v8, v13;
	v10 =	vmul.f32 v10, v31  }
0x119: {  	v13 =	vadd.f32 v15, v16;
	v7 =	vld [tilespmem:s15+$0x3120];
	v11 =	vmul.f32 v11, v31;
	[tilespmem:s1+$0x8540] =	vst v9  }
0x11a: {  	v8 =	vld [tilespmem:s15+$0x130];
	[tilespmem:s1+$0x8550] =	vst v18;
	v10 =	vadd.f32 v10, v14;
	v3 =	vmov v12  }
0x11b: {  	v9 =	vld [tilespmem:s15+$0x3130];
	v12 =	vadd.f32 v11, v17;
	[tilespmem:s1+$0x8560] =	vst v13  }
0x11c: {  	v11 =	vld [tilespmem:s15+$0x140];
	[tilespmem:s1+$0x8570] =	vst v10  }
0x11d: {  	v10 =	vld [tilespmem:s15+$0x3140];
	[tilespmem:s1+$0x7100] =	vst v12;
	s1 =	smov.u32 s15  }
0x11e: {  	v12 =	vld [tilespmem:s1+$0x150]  }
0x11f: {  	v13 =	vld [tilespmem:s1+$0x160]  }
0x120: {  	v14 =	vld [tilespmem:s1+$0x170]  }
0x121: {  	v15 =	vld [tilespmem:s1+$0x500]  }
0x122: {  	v16 =	vld [tilespmem:s1+$0x510]  }
0x123: {  	v17 =	vld [tilespmem:s1+$0x520]  }
0x124: {  	v18 =	vld [tilespmem:s1+$0x530]  }
0x125: {  	v19 =	vld [tilespmem:s1+$0x540]  }
0x126: {  	v20 =	vld [tilespmem:s1+$0x550]  }
0x127: {  	v21 =	vld [tilespmem:s1+$0x560]  }
0x128: {  	v22 =	vld [tilespmem:s1+$0x570]  }
0x129: {  	v23 =	vld [tilespmem:s1+$0x900]  }
0x12a: {  	v24 =	vld [tilespmem:s1+$0x910]  }
0x12b: {  	v25 =	vld [tilespmem:s1+$0x920]  }
0x12c: {  	v26 =	vld [tilespmem:s1+$0x930]  }
0x12d: {  	v27 =	vld [tilespmem:s1+$0x940]  }
0x12e: {  	v28 =	vld [tilespmem:s1+$0x950]  }
0x12f: {  	v29 =	vld [tilespmem:s1+$0x960]  }
0x130: {  	v30 =	vld [tilespmem:s1+$0x970]  }
0x131: {  	v32 =	vld [tilespmem:s1+$0xD00]  }
0x132: {  	v34 =	vld [tilespmem:s1+$0xD10]  }
0x133: {  	v35 =	vld [tilespmem:s1+$0xD20]  }
0x134: {  	v36 =	vld [tilespmem:s1+$0xD30]  }
0x135: {  	v37 =	vld [tilespmem:s1+$0xD40]  }
0x136: {  	v38 =	vld [tilespmem:s1+$0xD50]  }
0x137: {  	v39 =	vld [tilespmem:s1+$0xD60]  }
0x138: {  	v40 =	vld [tilespmem:s1+$0xD70]  }
0x139: {  	v41 =	vld [tilespmem:s1+$0x1100]  }
0x13a: {  	v42 =	vld [tilespmem:s1+$0x1110]  }
0x13b: {  	v43 =	vld [tilespmem:s1+$0x1120]  }
0x13c: {  	v44 =	vld [tilespmem:s1+$0x1130]  }
0x13d: {  	v45 =	vld [tilespmem:s1+$0x1140]  }
0x13e: {  	v46 =	vld [tilespmem:s1+$0x1150]  }
.Ltmp0:
0x13f: {  	v47 =	vld [tilespmem:s1+$0x1160];
	(pc) =	sbr.rel @p0 .LBB2_3-.Ltmp0, $4  }
0x140: {  	v48 =	vld [tilespmem:s1+$0x1500]  }
0x141: {  	v50 =	vld [tilespmem:s1+$0x1510]  }
0x142: {  	v49 =	vld [tilespmem:s1+$0x4510]  }
0x143: {  	s14 =	sadd.s32 $0x1, s14;
	v51 =	vld [tilespmem:s1+$0x1520]  }
0x144: {  	v52 =	vld [tilespmem:s1+$0x1530]  }
0x145: {  	v53 =	vld [tilespmem:s1+$0x4530];
	s2 =	sadd.s32 $0x80, s12  }
0x146: {  	s14 =	sadd.s32 $0x80, s31;
	v31 =	vld [tilespmem:s2+$0x0]  }
0x147: {  	v33 =	vld [tilespmem:s14+$0x0]  }
0x148: {  	v54 =	vld [tilespmem:s1+$0x4520]  }
0x149: {  	v55 =	vld [tilespmem:s1+$0x4500]  }
0x14a: {  	v56 =	vld [tilespmem:s1+$0x1170]  }
0x14b: {  	v57 =	vld [tilespmem:s1+$0x4170]  }
0x14c: {  	v58 =	vld [tilespmem:s1+$0x4160];
	v52 =	vmul.f32 v52, v31;
	v53 =	vmul.f32 v53, v33  }
0x14d: {  	v59 =	vld [tilespmem:s1+$0x4150];
	v51 =	vmul.f32 v51, v31;
	v54 =	vmul.f32 v54, v33  }
0x14e: {  	v50 =	vmul.f32 v50, v31;
	v49 =	vmul.f32 v49, v33  }
0x14f: {  	v60 =	vld [tilespmem:s1+$0x4140];
	v48 =	vmul.f32 v48, v31;
	v62 =	vmul.f32 v55, v33;
	v52 =	vadd.f32 v53, v52  }
0x150: {  	v61 =	vld [tilespmem:s1+$0x4120];
	v63 =	vmul.f32 v56, v31;
	v57 =	vmul.f32 v57, v33;
	v51 =	vadd.f32 v54, v51  }
0x151: {  	v47 =	vmul.f32 v47, v31;
	v58 =	vmul.f32 v58, v33;
	v55 =	vld [tilespmem:s1+$0x3550];
	v49 =	vadd.f32 v49, v50;
	[tilespmem:s1+$0x8530] =	vst v52  }
0x152: {  	v46 =	vmul.f32 v46, v31;
	v59 =	vmul.f32 v59, v33;
	v56 =	vld [tilespmem:s1+$0x3540];
	v48 =	vadd.f32 v62, v48;
	[tilespmem:s1+$0x8520] =	vst v51  }
0x153: {  	v11 =	vmul.f32 v11, v31;
	v10 =	vmul.f32 v10, v33;
	v53 =	vld [tilespmem:s1+$0x4130];
	v47 =	vadd.f32 v58, v47;
	[tilespmem:s1+$0x8510] =	vst v49  }
0x154: {  	v8 =	vmul.f32 v8, v31;
	v9 =	vmul.f32 v9, v33;
	v50 =	vld [tilespmem:s1+$0x4100];
	v46 =	vadd.f32 v59, v46;
	[tilespmem:s1+$0x8500] =	vst v48  }
0x155: {  	v6 =	vmul.f32 v6, v31;
	v7 =	vmul.f32 v7, v33;
	v58 =	vld [tilespmem:s1+$0x3D10];
	v10 =	vadd.f32 v10, v11;
	[tilespmem:s1+$0x8160] =	vst v47  }
0x156: {  	v4 =	vmul.f32 v4, v31;
	v5 =	vmul.f32 v5, v33;
	v59 =	vld [tilespmem:s1+$0x3D00];
	v8 =	vadd.f32 v9, v8;
	[tilespmem:s1+$0x8150] =	vst v46  }
0x157: {  	v43 =	vmul.f32 v43, v31;
	v62 =	vmul.f32 v60, v33;
	v60 =	vld [tilespmem:s1+$0x3970];
	v6 =	vadd.f32 v7, v6;
	[tilespmem:s1+$0x7140] =	vst v10  }
0x158: {  	v4 =	vadd.f32 v5, v4;
	v52 =	vld [tilespmem:s1+$0x4110];
	v51 =	vadd.f32 v57, v63;
	v63 =	vmul.f32 v61, v33;
	[tilespmem:s1+$0x7130] =	vst v8  }
0x159: {  	v45 =	vmul.f32 v45, v31;
	v49 =	vld [tilespmem:s1+$0x3D70];
	[tilespmem:s1+$0x7120] =	vst v6  }
0x15a: {  	v44 =	vmul.f32 v44, v31;
	v48 =	vld [tilespmem:s1+$0x3D60];
	[tilespmem:s1+$0x7110] =	vst v4;
	v43 =	vadd.f32 v63, v43;
	v53 =	vmul.f32 v53, v33  }
0x15b: {  	v41 =	vmul.f32 v41, v31;
	v47 =	vld [tilespmem:s1+$0x3D40];
	v45 =	vadd.f32 v62, v45;
	[tilespmem:s1+$0x8170] =	vst v51;
	v50 =	vmul.f32 v50, v33  }
0x15c: {  	v32 =	vmul.f32 v32, v31;
	v46 =	vld [tilespmem:s1+$0x3D30];
	[tilespmem:s1+$0x8120] =	vst v43;
	v43 =	vmul.f32 v59, v33;
	v44 =	vadd.f32 v53, v44  }
0x15d: {  	v42 =	vmul.f32 v42, v31;
	v57 =	vld [tilespmem:s1+$0x3D20];
	[tilespmem:s1+$0x8140] =	vst v45;
	v52 =	vmul.f32 v52, v33;
	v41 =	vadd.f32 v50, v41  }
0x15e: {  	v40 =	vmul.f32 v40, v31;
	v51 =	vld [tilespmem:s1+$0x3D50];
	v49 =	vmul.f32 v49, v33;
	v32 =	vadd.f32 v43, v32;
	[tilespmem:s1+$0x8130] =	vst v44  }
0x15f: {  	v39 =	vmul.f32 v39, v31;
	v54 =	vld [tilespmem:s1+$0x3560];
	v48 =	vmul.f32 v48, v33;
	v42 =	vadd.f32 v52, v42;
	[tilespmem:s1+$0x8100] =	vst v41  }
0x160: {  	v37 =	vmul.f32 v37, v31;
	v61 =	vld [tilespmem:s1+$0x3960];
	v47 =	vmul.f32 v47, v33;
	v40 =	vadd.f32 v49, v40;
	[tilespmem:s1+$0x7D00] =	vst v32  }
0x161: {  	v36 =	vmul.f32 v36, v31;
	v63 =	vld [tilespmem:s1+$0x3950];
	v46 =	vmul.f32 v46, v33;
	v39 =	vadd.f32 v48, v39;
	[tilespmem:s1+$0x8110] =	vst v42  }
0x162: {  	v35 =	vmul.f32 v35, v31;
	v59 =	vld [tilespmem:s1+$0x3510];
	v45 =	vmul.f32 v57, v33;
	v37 =	vadd.f32 v47, v37;
	[tilespmem:s1+$0x7D70] =	vst v40  }
0x163: {  	v38 =	vmul.f32 v38, v31;
	v50 =	vld [tilespmem:s1+$0x3920];
	v62 =	vmul.f32 v51, v33;
	v36 =	vadd.f32 v46, v36;
	[tilespmem:s1+$0x7D60] =	vst v39  }
0x164: {  	v34 =	vmul.f32 v34, v31;
	v53 =	vld [tilespmem:s1+$0x3570];
	v44 =	vmul.f32 v58, v33;
	v35 =	vadd.f32 v45, v35;
	[tilespmem:s1+$0x7D40] =	vst v37  }
0x165: {  	v29 =	vmul.f32 v29, v31;
	v57 =	vld [tilespmem:s1+$0x3530];
	v41 =	vmul.f32 v61, v33;
	v38 =	vadd.f32 v62, v38;
	[tilespmem:s1+$0x7D30] =	vst v36  }
0x166: {  	v21 =	vmul.f32 v21, v31;
	v48 =	vld [tilespmem:s1+$0x3940];
	v32 =	vmul.f32 v54, v33;
	v34 =	vadd.f32 v44, v34;
	[tilespmem:s1+$0x7D20] =	vst v35  }
0x167: {  	v30 =	vmul.f32 v30, v31;
	v49 =	vld [tilespmem:s1+$0x3930];
	v42 =	vmul.f32 v60, v33;
	v29 =	vadd.f32 v41, v29;
	[tilespmem:s1+$0x7D50] =	vst v38  }
0x168: {  	v28 =	vmul.f32 v28, v31;
	v51 =	vld [tilespmem:s1+$0x3910];
	v40 =	vmul.f32 v63, v33;
	v21 =	vadd.f32 v32, v21;
	[tilespmem:s1+$0x7D10] =	vst v34  }
0x169: {  	v20 =	vmul.f32 v20, v31;
	v52 =	vld [tilespmem:s1+$0x3900];
	v62 =	vmul.f32 v55, v33;
	v30 =	vadd.f32 v42, v30;
	[tilespmem:s1+$0x7960] =	vst v29  }
0x16a: {  	v25 =	vmul.f32 v25, v31;
	v58 =	vld [tilespmem:s1+$0x3520];
	v37 =	vmul.f32 v50, v33;
	v28 =	vadd.f32 v40, v28;
	[tilespmem:s1+$0x7560] =	vst v21  }
0x16b: {  	v19 =	vmul.f32 v19, v31;
	v61 =	vld [tilespmem:s1+$0x3170];
	v32 =	vmul.f32 v56, v33;
	v20 =	vadd.f32 v62, v20;
	[tilespmem:s1+$0x7970] =	vst v30  }
0x16c: {  	v22 =	vmul.f32 v22, v31;
	v46 =	vld [tilespmem:s1+$0x4560];
	v34 =	vmul.f32 v53, v33;
	v25 =	vadd.f32 v37, v25;
	[tilespmem:s1+$0x7950] =	vst v28  }
0x16d: {  	v27 =	vmul.f32 v27, v31;
	v60 =	vld [tilespmem:s1+$0x3500];
	v39 =	vmul.f32 v48, v33;
	v19 =	vadd.f32 v32, v19;
	[tilespmem:s1+$0x7550] =	vst v20  }
0x16e: {  	v26 =	vmul.f32 v26, v31;
	v63 =	vld [tilespmem:s1+$0x3160];
	v38 =	vmul.f32 v49, v33;
	v22 =	vadd.f32 v34, v22;
	[tilespmem:s1+$0x7920] =	vst v25  }
0x16f: {  	v24 =	vmul.f32 v24, v31;
	v44 =	vld [tilespmem:s1+$0x1560];
	v36 =	vmul.f32 v51, v33;
	v27 =	vadd.f32 v39, v27;
	[tilespmem:s1+$0x7540] =	vst v19  }
0x170: {  	v23 =	vmul.f32 v23, v31;
	v50 =	vld [tilespmem:s1+$0x3100];
	v35 =	vmul.f32 v52, v33;
	v26 =	vadd.f32 v38, v26;
	[tilespmem:s1+$0x7570] =	vst v22  }
0x171: {  	v17 =	vmul.f32 v17, v31;
	v40 =	vld [tilespmem:s1+$0x1550];
	v37 =	vmul.f32 v58, v33;
	v24 =	vadd.f32 v36, v24;
	[tilespmem:s1+$0x7940] =	vst v27  }
0x172: {  	v14 =	vmul.f32 v14, v31;
	v42 =	vld [tilespmem:s1+$0x4550];
	v43 =	vmul.f32 v61, v33;
	v23 =	vadd.f32 v35, v23;
	[tilespmem:s1+$0x7930] =	vst v26  }
0x173: {  	v18 =	vmul.f32 v18, v31;
	v48 =	vld [tilespmem:s1+$0x1570];
	v35 =	vmul.f32 v57, v33;
	v17 =	vadd.f32 v37, v17;
	[tilespmem:s1+$0x7910] =	vst v24  }
0x174: {  	v16 =	vmul.f32 v16, v31;
	v49 =	vld [tilespmem:s1+$0x4570];
	v39 =	vmul.f32 v59, v33;
	v14 =	vadd.f32 v43, v14;
	[tilespmem:s1+$0x7900] =	vst v23  }
0x175: {  	v15 =	vmul.f32 v15, v31;
	v34 =	vld [tilespmem:s1+$0x3150];
	v41 =	vmul.f32 v60, v33;
	v18 =	vadd.f32 v35, v18;
	[tilespmem:s1+$0x7520] =	vst v17  }
0x176: {  	v13 =	vmul.f32 v13, v31;
	v36 =	vld [tilespmem:s1+$0x1540];
	v45 =	vmul.f32 v63, v33;
	v16 =	vadd.f32 v39, v16;
	[tilespmem:s1+$0x7170] =	vst v14  }
0x177: {  	v38 =	vld [tilespmem:s1+$0x4540];
	v55 =	vmul.f32 v44, v31;
	v57 =	vmul.f32 v46, v33;
	v15 =	vadd.f32 v41, v15;
	[tilespmem:s1+$0x7530] =	vst v18  }
0x178: {  	v3 =	vmul.f32 v3, v31;
	v61 =	vmul.f32 v50, v33;
	v13 =	vadd.f32 v45, v13;
	[tilespmem:s1+$0x7510] =	vst v16  }
0x179: {  	v53 =	vmul.f32 v40, v31;
	v54 =	vmul.f32 v42, v33;
	v62 =	vadd.f32 v57, v55;
	[tilespmem:s1+$0x7500] =	vst v15  }
0x17a: {  	v58 =	vmul.f32 v48, v31;
	v60 =	vmul.f32 v49, v33;
	v3 =	vadd.f32 v61, v3;
	[tilespmem:s1+$0x7160] =	vst v13  }
0x17b: {  	v12 =	vmul.f32 v12, v31;
	v47 =	vmul.f32 v34, v33;
	v59 =	vadd.f32 v54, v53;
	[tilespmem:s1+$0x8560] =	vst v62  }
0x17c: {  	v51 =	vmul.f32 v36, v31;
	v52 =	vmul.f32 v38, v33;
	v63 =	vadd.f32 v60, v58;
	[tilespmem:s1+$0x7100] =	vst v3  }
0x17d: {  	v12 =	vadd.f32 v47, v12;
	[tilespmem:s1+$0x8550] =	vst v59  }
0x17e: {  	s15 =	smul.u32 $0x300, s4;
	s0 =	sadd.s32 $0x1, s0;
	v56 =	vadd.f32 v52, v51;
	[tilespmem:s1+$0x8570] =	vst v63  }
0x17f: {  	s16 =	rddreg [dreg:$0x1];
	p0 =	sne.s32 s0, $0x4;
	[tilespmem:s1+$0x7150] =	vst v12  }
.Ltmp1:
0x180: {  	s31 =	simm.s32 $0x0;
	[tilespmem:s1+$0x8540] =	vst v56;
	s1 =	sadd.s32 s16, s15;
	(pc) =	sbr.rel @p0 .LBB2_2-.Ltmp1, $4  }
0x181: {  	[hbm4b:s1+s31] =	stream.linear.scatter [tilespmem:s30], [sflag:$0x3], $0x3000, $0x38;
	[tilespmem:$0xA100] =	vst v63  }
0x182: {  	_ =	swait.ge [sflag:s13], $0x3000  }
0x183: {  	[sflag:s13] =	ssyncset.done $0x0  }
0x184: {  	[sflag:s13] =	ssyncadd.s32 $0xFFFFD000  }
0x185: {  	s1 =	rddreg [dreg:$0x4]  }
0x186: {  	s0 =	rddreg [dreg:$0x3];
	s1 =	sadd.s32 $0x1, s1  }
0x187: {  	p0 =	sne.s32 s1, s0  }
.Ltmp2:
0x188: {  	_ = 	snop;
	(pc) =	sbr.rel @p0 .LBB2_1-.Ltmp2, $1  }
0x189: {  	_ =	sdelay $0x3  }
0x18a: {  	_ =	sfence.sel $0x180000  }
0x18b: {  	[bflag:$0x0] =	sbarrier.arrive $0xFFFF  }
0x18c: {  	_ =	strace $0x9000004A  }
0x18d: {  	s0 =	stileid.u32;
	[bflag:$0x2] =	sbarrier.arrive $0xFFFF  }
0x18e: {  	p0 =	sne.s32 s0, $0x0;
	s0 =	rddreg [dreg:$0x2]  }
0x18f: {  	s0 =	sadd.s32 @!p0 $0x100000, s0  }
0x190: {  	[sflag:s0] =	ssyncadd.tile.s32 @!p0 $0x1;
	_ =	shalt  }
.Lfunc_end2:
_tile_overlayer_lowered:
.L_overlay_start_2:
0x191: {  	(tag) =	ssettag $0x2  }
0x192: {  	s0 =	rddreg [dreg:$0x0];
	s2 =	stileid.u32  }
0x193: {  	s1 =	rddreg [dreg:$0x1];
	p0 =	sne.s32 s2, $0x0  }
0x194: {  	s3 =	rddreg [dreg:$0x2];
	[bflag:$0x3] =	sbarrier.arrive $0xFFFF;
	s2 =	simm.s32 @!p0 $0x1C03  }
0x195: {  	[timem:s3], [sflag:s2] =	dma.local @!p0 [hbm:s0], s1  }
0x196: {  	s0 =	simm.s32 @!p0 $0x3  }
0x197: {  	_ =	swait.ge @!p0 [sflag:s0], s1  }
0x198: {  	s1 =	ssub.s32 @!p0 $0x0, s1;
	[sflag:s0] =	ssyncset.done @!p0 $0x0  }
0x199: {  	[sflag:s0] =	ssyncadd.s32 @!p0 s1  }
0x19a: {  	[bflag:$0x3] =	sbarrier.arrive $0xFFFF  }
0x19b: {  	_ =	shalt  }

</sc_bundles>
